<compile_context>
chip_gen: v7x
topology: tpu7x:2x2x1
jax: 0.10.2.dev20260603
libtpu: 0.0.44.dev20260713+nightly
codegen_flags: <defaults>
</compile_context>

<pallas_src>
import jax
import jax.numpy as jnp
from jax import lax
from jax.experimental import pallas as pl
from jax.experimental.pallas import tpu as pltpu
from jax.experimental.pallas import tpu_sc as plsc

H = 128
L = 16
NC = 2
NS = 16
NW = NC * NS
CHUNK = 128
BN_EPS = 1e-3



_SC_PARAMS = pltpu.CompilerParams(use_tc_tiling_on_sc=False)
_MESH = dict(core_axis_name="c", subcore_axis_name="s")



def _make_sc_segment_sum(n_pad, k0, k1):
    rows_per_tile = n_pad // NS
    for kc in (k0, k1):
        assert kc >= 4 and (kc - 2) % 3 == 0

    scratch = (
        [pltpu.VMEM((CHUNK,), jnp.int32) for _ in range(6)]
        + [pltpu.VMEM((CHUNK, H), jnp.float32)]
        + [pltpu.VMEM_SHARED((n_pad, H), jnp.float32)]
        + [pltpu.SemaphoreType.DMA for _ in range(4)]
    )

    def body(h, src_i, dst_i, zeros_s, s_out,
             is0, is1, is2, id0, id1, id2, rows, s_sh,
             i0, i1, i2, gsem):
        isrcb = [is0, is1, is2]
        idstb = [id0, id1, id2]
        isem = [i0, i1, i2]

        c = lax.axis_index("c")
        s = lax.axis_index("s")
        row0 = s * rows_per_tile

        pltpu.sync_copy(zeros_s.at[pl.ds(row0, rows_per_tile)],
                        s_sh.at[pl.ds(row0, rows_per_tile)])
        plsc.subcore_barrier()

        def pipeline(kk, base):
            def idx_start(i, ib):
                pltpu.async_copy(src_i.at[base + i], isrcb[ib], isem[ib])
                pltpu.async_copy(dst_i.at[base + i], idstb[ib], isem[ib])

            def idx_wait(i, ib):
                pltpu.make_async_copy(src_i.at[base + i], isrcb[ib],
                                      isem[ib]).wait()
                pltpu.make_async_copy(dst_i.at[base + i], idstb[ib],
                                      isem[ib]).wait()

            def step(i, ib, do_idx):
                if do_idx:
                    idx_start(i + 2, (ib + 2) % 3)
                idx_wait(i, ib)
                pltpu.async_copy(h.at[isrcb[ib]], rows, gsem).wait()
                pltpu.sync_copy(rows, s_sh.at[idstb[ib]], add=True)

            idx_start(0, 0)
            idx_start(1, 1)

            def mid(o, carry):
                for t in range(3):
                    step(o * 3 + t, t, True)
                return carry

            lax.fori_loop(0, (kk - 2) // 3, mid, 0)
            for i in range(kk - 2, kk):
                step(i, i % 3, False)

        if k0 == k1:
            pipeline(k0, (c * NS + s) * k0)
        else:
            @pl.when(c == 0)
            def _():
                pipeline(k0, s * k0)

            @pl.when(c == 1)
            def _():
                pipeline(k1, NS * k0 + s * k1)

        plsc.subcore_barrier()
        pltpu.sync_copy(s_sh.at[pl.ds(row0, rows_per_tile)],
                        s_out.at[c, pl.ds(row0, rows_per_tile)])

    return pl.kernel(
        body, out_type=jax.ShapeDtypeStruct((NC, n_pad, H), jnp.float32),
        mesh=plsc.VectorSubcoreMesh(**_MESH),
        scratch_types=tuple(scratch), compiler_params=_SC_PARAMS)


def _make_sc_degree(n_pad, kk):
    rows_per_tile = n_pad // NS

    scratch = (
        pltpu.VMEM((kk, CHUNK), jnp.int32),
        pltpu.VMEM((CHUNK, L), jnp.float32),
        pltpu.VMEM_SHARED((n_pad, L), jnp.float32),
        pltpu.SemaphoreType.DMA,
    )

    def body(dst_i, zeros_d, ones, deg_out, idst, ones_v, deg_sh, dsem):
        c = lax.axis_index("c")
        s = lax.axis_index("s")
        wid = s * NC + c
        row0 = s * rows_per_tile

        pltpu.sync_copy(dst_i.at[pl.ds(wid * kk, kk)], idst)
        pltpu.sync_copy(ones, ones_v)
        pltpu.sync_copy(zeros_d.at[pl.ds(row0, rows_per_tile)],
                        deg_sh.at[pl.ds(row0, rows_per_tile)])
        plsc.subcore_barrier()

        def blk(o, carry):
            for t in range(4):
                pltpu.async_copy(ones_v, deg_sh.at[idst.at[o * 4 + t]],
                                 dsem, add=True)
            for t in range(4):
                pltpu.make_async_copy(ones_v, deg_sh.at[idst.at[o * 4 + t]],
                                      dsem).wait()
            return carry

        lax.fori_loop(0, kk // 4, blk, 0)
        for i in range(kk - kk % 4, kk):
            pltpu.sync_copy(ones_v, deg_sh.at[idst.at[i]], add=True)

        plsc.subcore_barrier()
        pltpu.sync_copy(deg_sh.at[pl.ds(row0, rows_per_tile)],
                        deg_out.at[c, pl.ds(row0, rows_per_tile)])

    return pl.kernel(
        body, out_type=jax.ShapeDtypeStruct((NC, n_pad, L), jnp.float32),
        mesh=plsc.VectorSubcoreMesh(**_MESH),
        scratch_types=scratch, compiler_params=_SC_PARAMS)



def _emb_body(x_ref, w_ref, b_ref, o_ref):
    o_ref[...] = jnp.dot(x_ref[...], w_ref[...],
                         preferred_element_type=jnp.float32,
                         precision=lax.Precision.HIGHEST) + b_ref[...]


def _embed(x, w, b, blk):
    n = x.shape[0]
    return pl.pallas_call(
        _emb_body,
        grid=(n // blk,),
        in_specs=[
            pl.BlockSpec((blk, H), lambda i: (i, 0)),
            pl.BlockSpec((H, H), lambda i: (0, 0)),
            pl.BlockSpec((1, H), lambda i: (0, 0)),
        ],
        out_specs=pl.BlockSpec((blk, H), lambda i: (i, 0)),
        out_shape=jax.ShapeDtypeStruct((n, H), jnp.float32),
    )(x, w, b.reshape(1, H))


def _layer_body(h_ref, s_ref, deg_ref, wt_ref, wb_ref, p_ref, o_ref):
    h = h_ref[...]
    s_sum = s_ref[0] + s_ref[1]
    deg = deg_ref[0, :, 0:1] + deg_ref[1, :, 0:1]
    b = p_ref[0:1, :]
    gamma = p_ref[1:2, :]
    beta = p_ref[2:3, :]
    mean = p_ref[3:4, :]
    var = p_ref[4:5, :]
    hw = jnp.dot(h, wb_ref[...], preferred_element_type=jnp.float32,
                 precision=lax.Precision.HIGHEST)
    agg = jnp.dot(s_sum, wt_ref[...], preferred_element_type=jnp.float32,
                  precision=lax.Precision.HIGHEST) + deg * (hw + b)
    z = jax.nn.sigmoid(agg) + jax.nn.softplus(h)
    z = (z - mean) / jnp.sqrt(var + BN_EPS) * gamma + beta
    o_ref[...] = jnp.maximum(z, 0.0)


def _layer_dense(h, s_partial, deg_partial, w, params, blk):
    n = h.shape[0]
    return pl.pallas_call(
        _layer_body,
        grid=(n // blk,),
        in_specs=[
            pl.BlockSpec((blk, H), lambda i: (i, 0)),
            pl.BlockSpec((NC, blk, H), lambda i: (0, i, 0)),
            pl.BlockSpec((NC, blk, L), lambda i: (0, i, 0)),
            pl.BlockSpec((H, H), lambda i: (0, 0)),
            pl.BlockSpec((H, H), lambda i: (0, 0)),
            pl.BlockSpec((5, H), lambda i: (0, 0)),
        ],
        out_specs=pl.BlockSpec((blk, H), lambda i: (i, 0)),
        out_shape=jax.ShapeDtypeStruct((n, H), jnp.float32),
    )(h, s_partial, deg_partial, w[:H], w[H:], params)



def kernel(node_feat, edge_index, W_emb, b_emb,
           w0, b0, gamma0, beta0, mean0, var0,
           w1, b1, gamma1, beta1, mean1, var1):
    n = node_feat.shape[0]
    e = edge_index.shape[1]
    n_pad = ((n + 1 + NS * 8 - 1) // (NS * 8)) * (NS * 8)
    p_tot = (e + NS * CHUNK - 1) // (NS * CHUNK)
    while p_tot % 2 or p_tot % 3 != 1:
        p_tot += 1
    k1 = max(5, int(p_tot * 0.125))
    k1 = (k1 // 3) * 3 + 2
    k0 = p_tot - k1
    totc = NS * p_tot
    e_pad = totc * CHUNK

    src = edge_index[0].astype(jnp.int32)
    dst = edge_index[1].astype(jnp.int32)
    src_i = jnp.zeros((e_pad,), jnp.int32).at[:e].set(src).reshape(totc, CHUNK)
    dst_i = jnp.full((e_pad,), n, jnp.int32).at[:e].set(dst).reshape(totc, CHUNK)

    zeros_s = jnp.zeros((n_pad, H), jnp.float32)
    zeros_d = jnp.zeros((n_pad, L), jnp.float32)
    ones = jnp.ones((CHUNK, L), jnp.float32)

    sc_seg = _make_sc_segment_sum(n_pad, k0, k1)
    sc_deg = _make_sc_degree(n_pad, totc // NW)

    blk = 2000
    h = _embed(node_feat, W_emb, b_emb, blk)
    deg_p = sc_deg(dst_i, zeros_d, ones)

    s_p = sc_seg(h, src_i, dst_i, zeros_s)
    params0 = jnp.stack([b0, gamma0, beta0, mean0, var0])
    h = _layer_dense(h, s_p, deg_p, w0, params0, blk)

    s_p = sc_seg(h, src_i, dst_i, zeros_s)
    params1 = jnp.stack([b1, gamma1, beta1, mean1, var1])
    h = _layer_dense(h, s_p, deg_p, w1, params1, blk)

    return h

# --- scband reference (transcript-rebuilt; emitter-appended) ---
"""Pipeline reference for scband-mpnnmodel-73289321939188 (READ-ONLY COPY).

The authoritative reference and input builder live on the scoring server;
editing this copy changes nothing except your own understanding.
"""

import jax, jax.numpy as jnp
import numpy as np

N_NODES = 10000
N_EDGES = 320000
H_DIM = 128
IN_DIM = 128
NUM_CONV = 2
BN_EPS = 1e-3


def setup_inputs(seed: int = 0) -> dict:
    key = jax.random.key(seed)
    ks = jax.random.split(key, 16)
    node_feat = jax.random.normal(ks[0], (N_NODES, IN_DIM), dtype=jnp.float32)
    edge_index = jax.random.randint(ks[1], (2, N_EDGES), 0, N_NODES, dtype=jnp.int64)
    # Dense embedding layer params (glorot-uniform-like scale)
    lim_e = float(np.sqrt(6.0 / (IN_DIM + H_DIM)))
    W_emb = jax.random.uniform(ks[2], (IN_DIM, H_DIM), minval=-lim_e, maxval=lim_e, dtype=jnp.float32)
    b_emb = jnp.zeros((H_DIM,), dtype=jnp.float32)
    # Per-conv MPNN weights: w [2*h, h], b [h]; BN params
    lim_w = float(np.sqrt(6.0 / (2 * H_DIM + H_DIM)))
    w0 = jax.random.uniform(ks[3], (2 * H_DIM, H_DIM), minval=-lim_w, maxval=lim_w, dtype=jnp.float32)
    b0 = jnp.zeros((H_DIM,), dtype=jnp.float32)
    w1 = jax.random.uniform(ks[4], (2 * H_DIM, H_DIM), minval=-lim_w, maxval=lim_w, dtype=jnp.float32)
    b1 = jnp.zeros((H_DIM,), dtype=jnp.float32)
    gamma0 = jnp.ones((H_DIM,), dtype=jnp.float32)
    beta0 = jnp.zeros((H_DIM,), dtype=jnp.float32)
    mean0 = jnp.zeros((H_DIM,), dtype=jnp.float32)
    var0 = jnp.ones((H_DIM,), dtype=jnp.float32)
    gamma1 = jnp.ones((H_DIM,), dtype=jnp.float32)
    beta1 = jnp.zeros((H_DIM,), dtype=jnp.float32)
    mean1 = jnp.zeros((H_DIM,), dtype=jnp.float32)
    var1 = jnp.ones((H_DIM,), dtype=jnp.float32)
    return {
        "node_feat": node_feat, "edge_index": edge_index,
        "W_emb": W_emb, "b_emb": b_emb,
        "w0": w0, "b0": b0, "gamma0": gamma0, "beta0": beta0, "mean0": mean0, "var0": var0,
        "w1": w1, "b1": b1, "gamma1": gamma1, "beta1": beta1, "mean1": mean1, "var1": var1,
    }


def _mpnn_layer(h, src, dst, w, b, n_nodes):
    # msg_func: concat(src['h'], dst['h']) per edge
    msg = jnp.concatenate([h[src], h[dst]], axis=-1)  # [E, 2h]
    # edge linear transform
    edge_feat = jnp.matmul(msg, w) + b  # [E, h]
    # reduce_func: sum incoming messages per destination node
    agg = jax.ops.segment_sum(edge_feat, dst, num_segments=n_nodes)  # [N, h]
    # apply_nodes: sigmoid(msg) + softplus(h)
    return jax.nn.sigmoid(agg) + jax.nn.softplus(h)


def reference(node_feat, edge_index, W_emb, b_emb,
              w0, b0, gamma0, beta0, mean0, var0,
              w1, b1, gamma1, beta1, mean1, var1):
    n_nodes = node_feat.shape[0]
    src = edge_index[0]
    dst = edge_index[1]
    h = jnp.matmul(node_feat, W_emb) + b_emb
    layer_params = [
        (w0, b0, gamma0, beta0, mean0, var0),
        (w1, b1, gamma1, beta1, mean1, var1),
    ]
    for (w, b, g, bt, m, v) in layer_params:
        h = _mpnn_layer(h, src, dst, w, b, n_nodes)
        # BatchNormalization in inference mode (moving stats), keras eps=1e-3
        h = (h - m) / jnp.sqrt(v + BN_EPS) * g + bt
        # activation relu
        h = jax.nn.relu(h)
        # dropout: identity at inference
    return h

if __name__ == "__main__":
    import jax
    _d = setup_inputs()
    print(jax.jit(kernel)(*tuple(_d.values())))

</pallas_src>

<mosaic_0001>
#map = affine_map<(d0, d1) -> (0, 0)>
#map1 = affine_map<(d0, d1) -> (0, 0, 0)>
module attributes {stable_mosaic.version = 14 : i64} {
  func.func @body(%arg0: i32, %arg1: i32, %arg2: memref<10000x128xf32, #tpu.memory_space<hbm>>, %arg3: memref<2560x128xi32, #tpu.memory_space<hbm>>, %arg4: memref<2560x128xi32, #tpu.memory_space<hbm>>, %arg5: memref<10112x128xf32, #tpu.memory_space<hbm>>, %arg6: memref<2x10112x128xf32, #tpu.memory_space<hbm>>, %arg7: memref<128xi32, #tpu.memory_space<vmem>>, %arg8: memref<128xi32, #tpu.memory_space<vmem>>, %arg9: memref<128xi32, #tpu.memory_space<vmem>>, %arg10: memref<128xi32, #tpu.memory_space<vmem>>, %arg11: memref<128xi32, #tpu.memory_space<vmem>>, %arg12: memref<128xi32, #tpu.memory_space<vmem>>, %arg13: memref<128x128xf32, #tpu.memory_space<vmem>>, %arg14: memref<10112x128xf32, #tpu.memory_space<vmem_shared>>, %arg15: memref<!tpu.dma_semaphore, #tpu.memory_space<semaphore_mem>>, %arg16: memref<!tpu.dma_semaphore, #tpu.memory_space<semaphore_mem>>, %arg17: memref<!tpu.dma_semaphore, #tpu.memory_space<semaphore_mem>>, %arg18: memref<!tpu.dma_semaphore, #tpu.memory_space<semaphore_mem>>) attributes {dimension_semantics = [#tpu.dimension_semantics<core_parallel>, #tpu.dimension_semantics<subcore_parallel>], iteration_bounds = array<i64: 2, 16>, scalar_prefetch = 0 : i64, scratch_operands = 12 : i64, tpu.core_type = #tpu.core_type<sc_vector_subcore>, window_params = [{transform_indices = #map}, {transform_indices = #map}, {transform_indices = #map}, {transform_indices = #map}, {transform_indices = #map1}]} {
    %mul3A = arith.constant 632 : i32
    %mul3A_0 = arith.muli %arg1, %mul3A : i32
    "tpu.region"() ({
      %run_scoped3A = tpu.sem_alloc : memref<!tpu.dma_semaphore, #tpu.memory_space<semaphore_mem>>
      %dma_start3A = arith.constant 0 : i32
      %dma_start3A_9 = tpu.memref_slice %arg14[%mul3A_0, %dma_start3A] : memref<10112x128xf32, #tpu.memory_space<vmem_shared>> -> memref<632x128xf32, #tpu.memory_space<vmem_shared>>
      %dma_start3A_10 = arith.constant 0 : i32
      %dma_start3A_11 = tpu.memref_slice %arg5[%mul3A_0, %dma_start3A_10] : memref<10112x128xf32, #tpu.memory_space<hbm>> -> memref<632x128xf32, #tpu.memory_space<hbm>>
      tpu.enqueue_dma source(%dma_start3A_11 : memref<632x128xf32, #tpu.memory_space<hbm>>) target(%dma_start3A_9 : memref<632x128xf32, #tpu.memory_space<vmem_shared>>) target_semaphore(%run_scoped3A : memref<!tpu.dma_semaphore, #tpu.memory_space<semaphore_mem>>)
      %dma_wait3A = arith.constant 0 : i32
      %dma_wait3A_12 = tpu.memref_slice %arg14[%mul3A_0, %dma_wait3A] : memref<10112x128xf32, #tpu.memory_space<vmem_shared>> -> memref<632x128xf32, #tpu.memory_space<vmem_shared>>
      %dma_wait3A_13 = arith.constant 0 : i32
      %dma_wait3A_14 = tpu.memref_slice %arg5[%mul3A_0, %dma_wait3A_13] : memref<10112x128xf32, #tpu.memory_space<hbm>> -> memref<632x128xf32, #tpu.memory_space<hbm>>
      tpu.wait_dma2 semaphore(%run_scoped3A : memref<!tpu.dma_semaphore, #tpu.memory_space<semaphore_mem>>) src(%dma_wait3A_14 : memref<632x128xf32, #tpu.memory_space<hbm>>) dst(%dma_wait3A_12 : memref<632x128xf32, #tpu.memory_space<vmem_shared>>)
      tpu.yield
    }) : () -> ()
    %barrier3A = arith.constant 0 : index
    tpu.barrier barrier_id(%barrier3A)
    %eq3A = arith.constant 0 : i32
    %eq3A_1 = arith.cmpi eq, %arg0, %eq3A : i32
    %convert_element_type3A = arith.extui %eq3A_1 : i1 to i32
    %cond3A = arith.constant 0 : i32
    %cond3A_2 = arith.cmpi ne, %convert_element_type3A, %cond3A : i32
    scf.if %cond3A_2 {
      %mul3A_9 = arith.constant 140 : i32
      %mul3A_10 = arith.muli %arg1, %mul3A_9 : i32
      %add3A = arith.constant 0 : i32
      %add3A_11 = arith.addi %mul3A_10, %add3A : i32
      %dma_start3A = arith.constant 0 : i32
      %dma_start3A_12 = tpu.memref_slice %arg3[%add3A_11, %dma_start3A] : memref<2560x128xi32, #tpu.memory_space<hbm>> -> memref<1x128xi32, #tpu.memory_space<hbm>>
      %dma_start3A_13 = tpu.memref_squeeze %dma_start3A_12 : memref<1x128xi32, #tpu.memory_space<hbm>> -> memref<128xi32, #tpu.memory_space<hbm>>
      %dma_start3A_14 = arith.constant 0 : i32
      %dma_start3A_15 = tpu.memref_slice %arg3[%add3A_11, %dma_start3A_14] : memref<2560x128xi32, #tpu.memory_space<hbm>> -> memref<1x128xi32, #tpu.memory_space<hbm>>
      %dma_start3A_16 = tpu.memref_squeeze %dma_start3A_15 : memref<1x128xi32, #tpu.memory_space<hbm>> -> memref<128xi32, #tpu.memory_space<hbm>>
      tpu.enqueue_dma source(%dma_start3A_16 : memref<128xi32, #tpu.memory_space<hbm>>) target(%arg7 : memref<128xi32, #tpu.memory_space<vmem>>) target_semaphore(%arg15 : memref<!tpu.dma_semaphore, #tpu.memory_space<semaphore_mem>>)
      %add3A_17 = arith.constant 0 : i32
      %add3A_18 = arith.addi %mul3A_10, %add3A_17 : i32
      %dma_start3A_19 = arith.constant 0 : i32
      %dma_start3A_20 = tpu.memref_slice %arg4[%add3A_18, %dma_start3A_19] : memref<2560x128xi32, #tpu.memory_space<hbm>> -> memref<1x128xi32, #tpu.memory_space<hbm>>
      %dma_start3A_21 = tpu.memref_squeeze %dma_start3A_20 : memref<1x128xi32, #tpu.memory_space<hbm>> -> memref<128xi32, #tpu.memory_space<hbm>>
      %dma_start3A_22 = arith.constant 0 : i32
      %dma_start3A_23 = tpu.memref_slice %arg4[%add3A_18, %dma_start3A_22] : memref<2560x128xi32, #tpu.memory_space<hbm>> -> memref<1x128xi32, #tpu.memory_space<hbm>>
      %dma_start3A_24 = tpu.memref_squeeze %dma_start3A_23 : memref<1x128xi32, #tpu.memory_space<hbm>> -> memref<128xi32, #tpu.memory_space<hbm>>
      tpu.enqueue_dma source(%dma_start3A_24 : memref<128xi32, #tpu.memory_space<hbm>>) target(%arg10 : memref<128xi32, #tpu.memory_space<vmem>>) target_semaphore(%arg15 : memref<!tpu.dma_semaphore, #tpu.memory_space<semaphore_mem>>)
      %add3A_25 = arith.constant 1 : i32
      %add3A_26 = arith.addi %mul3A_10, %add3A_25 : i32
      %dma_start3A_27 = arith.constant 0 : i32
      %dma_start3A_28 = tpu.memref_slice %arg3[%add3A_26, %dma_start3A_27] : memref<2560x128xi32, #tpu.memory_space<hbm>> -> memref<1x128xi32, #tpu.memory_space<hbm>>
      %dma_start3A_29 = tpu.memref_squeeze %dma_start3A_28 : memref<1x128xi32, #tpu.memory_space<hbm>> -> memref<128xi32, #tpu.memory_space<hbm>>
      %dma_start3A_30 = arith.constant 0 : i32
      %dma_start3A_31 = tpu.memref_slice %arg3[%add3A_26, %dma_start3A_30] : memref<2560x128xi32, #tpu.memory_space<hbm>> -> memref<1x128xi32, #tpu.memory_space<hbm>>
      %dma_start3A_32 = tpu.memref_squeeze %dma_start3A_31 : memref<1x128xi32, #tpu.memory_space<hbm>> -> memref<128xi32, #tpu.memory_space<hbm>>
      tpu.enqueue_dma source(%dma_start3A_32 : memref<128xi32, #tpu.memory_space<hbm>>) target(%arg8 : memref<128xi32, #tpu.memory_space<vmem>>) target_semaphore(%arg16 : memref<!tpu.dma_semaphore, #tpu.memory_space<semaphore_mem>>)
      %add3A_33 = arith.constant 1 : i32
      %add3A_34 = arith.addi %mul3A_10, %add3A_33 : i32
      %dma_start3A_35 = arith.constant 0 : i32
      %dma_start3A_36 = tpu.memref_slice %arg4[%add3A_34, %dma_start3A_35] : memref<2560x128xi32, #tpu.memory_space<hbm>> -> memref<1x128xi32, #tpu.memory_space<hbm>>
      %dma_start3A_37 = tpu.memref_squeeze %dma_start3A_36 : memref<1x128xi32, #tpu.memory_space<hbm>> -> memref<128xi32, #tpu.memory_space<hbm>>
      %dma_start3A_38 = arith.constant 0 : i32
      %dma_start3A_39 = tpu.memref_slice %arg4[%add3A_34, %dma_start3A_38] : memref<2560x128xi32, #tpu.memory_space<hbm>> -> memref<1x128xi32, #tpu.memory_space<hbm>>
      %dma_start3A_40 = tpu.memref_squeeze %dma_start3A_39 : memref<1x128xi32, #tpu.memory_space<hbm>> -> memref<128xi32, #tpu.memory_space<hbm>>
      tpu.enqueue_dma source(%dma_start3A_40 : memref<128xi32, #tpu.memory_space<hbm>>) target(%arg11 : memref<128xi32, #tpu.memory_space<vmem>>) target_semaphore(%arg16 : memref<!tpu.dma_semaphore, #tpu.memory_space<semaphore_mem>>)
      %scan3A = arith.constant 0 : i32
      %scan3A_41 = arith.constant 0 : i32
      %scan3A_42 = arith.constant 46 : i32
      %scan3A_43 = arith.addi %scan3A_41, %scan3A_42 : i32
      %scan3A_44 = arith.constant 1 : i32
      scf.for %scan3A_89 = %scan3A_41 to %scan3A_43 step %scan3A_44  : i32 {
        %mul3A_90 = arith.constant 3 : i32
        %mul3A_91 = arith.muli %scan3A_89, %mul3A_90 : i32
        %add3A_92 = arith.constant 0 : i32
        %add3A_93 = arith.addi %mul3A_91, %add3A_92 : i32
        %add3A_94 = arith.constant 2 : i32
        %add3A_95 = arith.addi %add3A_93, %add3A_94 : i32
        %add3A_96 = arith.addi %mul3A_10, %add3A_95 : i32
        %dma_start3A_97 = arith.constant 0 : i32
        %dma_start3A_98 = tpu.memref_slice %arg3[%add3A_96, %dma_start3A_97] : memref<2560x128xi32, #tpu.memory_space<hbm>> -> memref<1x128xi32, #tpu.memory_space<hbm>>
        %dma_start3A_99 = tpu.memref_squeeze %dma_start3A_98 : memref<1x128xi32, #tpu.memory_space<hbm>> -> memref<128xi32, #tpu.memory_space<hbm>>
        %dma_start3A_100 = arith.constant 0 : i32
        %dma_start3A_101 = tpu.memref_slice %arg3[%add3A_96, %dma_start3A_100] : memref<2560x128xi32, #tpu.memory_space<hbm>> -> memref<1x128xi32, #tpu.memory_space<hbm>>
        %dma_start3A_102 = tpu.memref_squeeze %dma_start3A_101 : memref<1x128xi32, #tpu.memory_space<hbm>> -> memref<128xi32, #tpu.memory_space<hbm>>
        tpu.enqueue_dma source(%dma_start3A_102 : memref<128xi32, #tpu.memory_space<hbm>>) target(%arg9 : memref<128xi32, #tpu.memory_space<vmem>>) target_semaphore(%arg17 : memref<!tpu.dma_semaphore, #tpu.memory_space<semaphore_mem>>)
        %add3A_103 = arith.addi %mul3A_10, %add3A_95 : i32
        %dma_start3A_104 = arith.constant 0 : i32
        %dma_start3A_105 = tpu.memref_slice %arg4[%add3A_103, %dma_start3A_104] : memref<2560x128xi32, #tpu.memory_space<hbm>> -> memref<1x128xi32, #tpu.memory_space<hbm>>
        %dma_start3A_106 = tpu.memref_squeeze %dma_start3A_105 : memref<1x128xi32, #tpu.memory_space<hbm>> -> memref<128xi32, #tpu.memory_space<hbm>>
        %dma_start3A_107 = arith.constant 0 : i32
        %dma_start3A_108 = tpu.memref_slice %arg4[%add3A_103, %dma_start3A_107] : memref<2560x128xi32, #tpu.memory_space<hbm>> -> memref<1x128xi32, #tpu.memory_space<hbm>>
        %dma_start3A_109 = tpu.memref_squeeze %dma_start3A_108 : memref<1x128xi32, #tpu.memory_space<hbm>> -> memref<128xi32, #tpu.memory_space<hbm>>
        tpu.enqueue_dma source(%dma_start3A_109 : memref<128xi32, #tpu.memory_space<hbm>>) target(%arg12 : memref<128xi32, #tpu.memory_space<vmem>>) target_semaphore(%arg17 : memref<!tpu.dma_semaphore, #tpu.memory_space<semaphore_mem>>)
        %add3A_110 = arith.addi %mul3A_10, %add3A_93 : i32
        %dma_wait3A_111 = arith.constant 0 : i32
        %dma_wait3A_112 = tpu.memref_slice %arg3[%add3A_110, %dma_wait3A_111] : memref<2560x128xi32, #tpu.memory_space<hbm>> -> memref<1x128xi32, #tpu.memory_space<hbm>>
        %dma_wait3A_113 = tpu.memref_squeeze %dma_wait3A_112 : memref<1x128xi32, #tpu.memory_space<hbm>> -> memref<128xi32, #tpu.memory_space<hbm>>
        %dma_wait3A_114 = arith.constant 0 : i32
        %dma_wait3A_115 = tpu.memref_slice %arg3[%add3A_110, %dma_wait3A_114] : memref<2560x128xi32, #tpu.memory_space<hbm>> -> memref<1x128xi32, #tpu.memory_space<hbm>>
        %dma_wait3A_116 = tpu.memref_squeeze %dma_wait3A_115 : memref<1x128xi32, #tpu.memory_space<hbm>> -> memref<128xi32, #tpu.memory_space<hbm>>
        tpu.wait_dma2 semaphore(%arg15 : memref<!tpu.dma_semaphore, #tpu.memory_space<semaphore_mem>>) src(%dma_wait3A_116 : memref<128xi32, #tpu.memory_space<hbm>>) dst(%arg7 : memref<128xi32, #tpu.memory_space<vmem>>)
        %add3A_117 = arith.addi %mul3A_10, %add3A_93 : i32
        %dma_wait3A_118 = arith.constant 0 : i32
        %dma_wait3A_119 = tpu.memref_slice %arg4[%add3A_117, %dma_wait3A_118] : memref<2560x128xi32, #tpu.memory_space<hbm>> -> memref<1x128xi32, #tpu.memory_space<hbm>>
        %dma_wait3A_120 = tpu.memref_squeeze %dma_wait3A_119 : memref<1x128xi32, #tpu.memory_space<hbm>> -> memref<128xi32, #tpu.memory_space<hbm>>
        %dma_wait3A_121 = arith.constant 0 : i32
        %dma_wait3A_122 = tpu.memref_slice %arg4[%add3A_117, %dma_wait3A_121] : memref<2560x128xi32, #tpu.memory_space<hbm>> -> memref<1x128xi32, #tpu.memory_space<hbm>>
        %dma_wait3A_123 = tpu.memref_squeeze %dma_wait3A_122 : memref<1x128xi32, #tpu.memory_space<hbm>> -> memref<128xi32, #tpu.memory_space<hbm>>
        tpu.wait_dma2 semaphore(%arg15 : memref<!tpu.dma_semaphore, #tpu.memory_space<semaphore_mem>>) src(%dma_wait3A_123 : memref<128xi32, #tpu.memory_space<hbm>>) dst(%arg10 : memref<128xi32, #tpu.memory_space<vmem>>)
        %dma_start3A_124 = arith.constant 0 : i32
        %dma_start3A_125 = arith.constant 0 : i32
        %dma_start3A_126 = tpu.memref_slice %arg2[%dma_start3A_124, %dma_start3A_125] : memref<10000x128xf32, #tpu.memory_space<hbm>> -> memref<10000x128xf32, #tpu.memory_space<hbm>>
        tpu.enqueue_indirect_dma source(%dma_start3A_126 : memref<10000x128xf32, #tpu.memory_space<hbm>>) target(%arg13 : memref<128x128xf32, #tpu.memory_space<vmem>>) offsets(%arg7 : memref<128xi32, #tpu.memory_space<vmem>>) semaphore(%arg18 : memref<!tpu.dma_semaphore, #tpu.memory_space<semaphore_mem>>)
        %dma_wait3A_127 = arith.constant 0 : i32
        %dma_wait3A_128 = arith.constant 0 : i32
        %dma_wait3A_129 = tpu.memref_slice %arg2[%dma_wait3A_127, %dma_wait3A_128] : memref<10000x128xf32, #tpu.memory_space<hbm>> -> memref<10000x128xf32, #tpu.memory_space<hbm>>
        tpu.wait_indirect_dma semaphore(%arg18 : memref<!tpu.dma_semaphore, #tpu.memory_space<semaphore_mem>>) src(%dma_wait3A_129 : memref<10000x128xf32, #tpu.memory_space<hbm>>) dst(%arg13 : memref<128x128xf32, #tpu.memory_space<vmem>>)
        "tpu.region"() ({
          %run_scoped3A = tpu.sem_alloc : memref<!tpu.dma_semaphore, #tpu.memory_space<semaphore_mem>>
          %dma_start3A_210 = arith.constant 0 : i32
          %dma_start3A_211 = arith.constant 0 : i32
          %dma_start3A_212 = tpu.memref_slice %arg14[%dma_start3A_210, %dma_start3A_211] : memref<10112x128xf32, #tpu.memory_space<vmem_shared>> -> memref<10112x128xf32, #tpu.memory_space<vmem_shared>>
          tpu.enqueue_indirect_dma source(%arg13 : memref<128x128xf32, #tpu.memory_space<vmem>>) target(%dma_start3A_212 : memref<10112x128xf32, #tpu.memory_space<vmem_shared>>) offsets(%arg10 : memref<128xi32, #tpu.memory_space<vmem>>) semaphore(%run_scoped3A : memref<!tpu.dma_semaphore, #tpu.memory_space<semaphore_mem>>) {add = true}
          %dma_wait3A_213 = arith.constant 0 : i32
          %dma_wait3A_214 = arith.constant 0 : i32
          %dma_wait3A_215 = tpu.memref_slice %arg14[%dma_wait3A_213, %dma_wait3A_214] : memref<10112x128xf32, #tpu.memory_space<vmem_shared>> -> memref<10112x128xf32, #tpu.memory_space<vmem_shared>>
          tpu.wait_indirect_dma semaphore(%run_scoped3A : memref<!tpu.dma_semaphore, #tpu.memory_space<semaphore_mem>>) src(%arg13 : memref<128x128xf32, #tpu.memory_space<vmem>>) dst(%dma_wait3A_215 : memref<10112x128xf32, #tpu.memory_space<vmem_shared>>)
          tpu.yield
        }) : () -> ()
        %mul3A_130 = arith.constant 3 : i32
        %mul3A_131 = arith.muli %scan3A_89, %mul3A_130 : i32
        %add3A_132 = arith.constant 1 : i32
        %add3A_133 = arith.addi %mul3A_131, %add3A_132 : i32
        %add3A_134 = arith.constant 2 : i32
        %add3A_135 = arith.addi %add3A_133, %add3A_134 : i32
        %add3A_136 = arith.addi %mul3A_10, %add3A_135 : i32
        %dma_start3A_137 = arith.constant 0 : i32
        %dma_start3A_138 = tpu.memref_slice %arg3[%add3A_136, %dma_start3A_137] : memref<2560x128xi32, #tpu.memory_space<hbm>> -> memref<1x128xi32, #tpu.memory_space<hbm>>
        %dma_start3A_139 = tpu.memref_squeeze %dma_start3A_138 : memref<1x128xi32, #tpu.memory_space<hbm>> -> memref<128xi32, #tpu.memory_space<hbm>>
        %dma_start3A_140 = arith.constant 0 : i32
        %dma_start3A_141 = tpu.memref_slice %arg3[%add3A_136, %dma_start3A_140] : memref<2560x128xi32, #tpu.memory_space<hbm>> -> memref<1x128xi32, #tpu.memory_space<hbm>>
        %dma_start3A_142 = tpu.memref_squeeze %dma_start3A_141 : memref<1x128xi32, #tpu.memory_space<hbm>> -> memref<128xi32, #tpu.memory_space<hbm>>
        tpu.enqueue_dma source(%dma_start3A_142 : memref<128xi32, #tpu.memory_space<hbm>>) target(%arg7 : memref<128xi32, #tpu.memory_space<vmem>>) target_semaphore(%arg15 : memref<!tpu.dma_semaphore, #tpu.memory_space<semaphore_mem>>)
        %add3A_143 = arith.addi %mul3A_10, %add3A_135 : i32
        %dma_start3A_144 = arith.constant 0 : i32
        %dma_start3A_145 = tpu.memref_slice %arg4[%add3A_143, %dma_start3A_144] : memref<2560x128xi32, #tpu.memory_space<hbm>> -> memref<1x128xi32, #tpu.memory_space<hbm>>
        %dma_start3A_146 = tpu.memref_squeeze %dma_start3A_145 : memref<1x128xi32, #tpu.memory_space<hbm>> -> memref<128xi32, #tpu.memory_space<hbm>>
        %dma_start3A_147 = arith.constant 0 : i32
        %dma_start3A_148 = tpu.memref_slice %arg4[%add3A_143, %dma_start3A_147] : memref<2560x128xi32, #tpu.memory_space<hbm>> -> memref<1x128xi32, #tpu.memory_space<hbm>>
        %dma_start3A_149 = tpu.memref_squeeze %dma_start3A_148 : memref<1x128xi32, #tpu.memory_space<hbm>> -> memref<128xi32, #tpu.memory_space<hbm>>
        tpu.enqueue_dma source(%dma_start3A_149 : memref<128xi32, #tpu.memory_space<hbm>>) target(%arg10 : memref<128xi32, #tpu.memory_space<vmem>>) target_semaphore(%arg15 : memref<!tpu.dma_semaphore, #tpu.memory_space<semaphore_mem>>)
        %add3A_150 = arith.addi %mul3A_10, %add3A_133 : i32
        %dma_wait3A_151 = arith.constant 0 : i32
        %dma_wait3A_152 = tpu.memref_slice %arg3[%add3A_150, %dma_wait3A_151] : memref<2560x128xi32, #tpu.memory_space<hbm>> -> memref<1x128xi32, #tpu.memory_space<hbm>>
        %dma_wait3A_153 = tpu.memref_squeeze %dma_wait3A_152 : memref<1x128xi32, #tpu.memory_space<hbm>> -> memref<128xi32, #tpu.memory_space<hbm>>
        %dma_wait3A_154 = arith.constant 0 : i32
        %dma_wait3A_155 = tpu.memref_slice %arg3[%add3A_150, %dma_wait3A_154] : memref<2560x128xi32, #tpu.memory_space<hbm>> -> memref<1x128xi32, #tpu.memory_space<hbm>>
        %dma_wait3A_156 = tpu.memref_squeeze %dma_wait3A_155 : memref<1x128xi32, #tpu.memory_space<hbm>> -> memref<128xi32, #tpu.memory_space<hbm>>
        tpu.wait_dma2 semaphore(%arg16 : memref<!tpu.dma_semaphore, #tpu.memory_space<semaphore_mem>>) src(%dma_wait3A_156 : memref<128xi32, #tpu.memory_space<hbm>>) dst(%arg8 : memref<128xi32, #tpu.memory_space<vmem>>)
        %add3A_157 = arith.addi %mul3A_10, %add3A_133 : i32
        %dma_wait3A_158 = arith.constant 0 : i32
        %dma_wait3A_159 = tpu.memref_slice %arg4[%add3A_157, %dma_wait3A_158] : memref<2560x128xi32, #tpu.memory_space<hbm>> -> memref<1x128xi32, #tpu.memory_space<hbm>>
        %dma_wait3A_160 = tpu.memref_squeeze %dma_wait3A_159 : memref<1x128xi32, #tpu.memory_space<hbm>> -> memref<128xi32, #tpu.memory_space<hbm>>
        %dma_wait3A_161 = arith.constant 0 : i32
        %dma_wait3A_162 = tpu.memref_slice %arg4[%add3A_157, %dma_wait3A_161] : memref<2560x128xi32, #tpu.memory_space<hbm>> -> memref<1x128xi32, #tpu.memory_space<hbm>>
        %dma_wait3A_163 = tpu.memref_squeeze %dma_wait3A_162 : memref<1x128xi32, #tpu.memory_space<hbm>> -> memref<128xi32, #tpu.memory_space<hbm>>
        tpu.wait_dma2 semaphore(%arg16 : memref<!tpu.dma_semaphore, #tpu.memory_space<semaphore_mem>>) src(%dma_wait3A_163 : memref<128xi32, #tpu.memory_space<hbm>>) dst(%arg11 : memref<128xi32, #tpu.memory_space<vmem>>)
        %dma_start3A_164 = arith.constant 0 : i32
        %dma_start3A_165 = arith.constant 0 : i32
        %dma_start3A_166 = tpu.memref_slice %arg2[%dma_start3A_164, %dma_start3A_165] : memref<10000x128xf32, #tpu.memory_space<hbm>> -> memref<10000x128xf32, #tpu.memory_space<hbm>>
        tpu.enqueue_indirect_dma source(%dma_start3A_166 : memref<10000x128xf32, #tpu.memory_space<hbm>>) target(%arg13 : memref<128x128xf32, #tpu.memory_space<vmem>>) offsets(%arg8 : memref<128xi32, #tpu.memory_space<vmem>>) semaphore(%arg18 : memref<!tpu.dma_semaphore, #tpu.memory_space<semaphore_mem>>)
        %dma_wait3A_167 = arith.constant 0 : i32
        %dma_wait3A_168 = arith.constant 0 : i32
        %dma_wait3A_169 = tpu.memref_slice %arg2[%dma_wait3A_167, %dma_wait3A_168] : memref<10000x128xf32, #tpu.memory_space<hbm>> -> memref<10000x128xf32, #tpu.memory_space<hbm>>
        tpu.wait_indirect_dma semaphore(%arg18 : memref<!tpu.dma_semaphore, #tpu.memory_space<semaphore_mem>>) src(%dma_wait3A_169 : memref<10000x128xf32, #tpu.memory_space<hbm>>) dst(%arg13 : memref<128x128xf32, #tpu.memory_space<vmem>>)
        "tpu.region"() ({
          %run_scoped3A = tpu.sem_alloc : memref<!tpu.dma_semaphore, #tpu.memory_space<semaphore_mem>>
          %dma_start3A_210 = arith.constant 0 : i32
          %dma_start3A_211 = arith.constant 0 : i32
          %dma_start3A_212 = tpu.memref_slice %arg14[%dma_start3A_210, %dma_start3A_211] : memref<10112x128xf32, #tpu.memory_space<vmem_shared>> -> memref<10112x128xf32, #tpu.memory_space<vmem_shared>>
          tpu.enqueue_indirect_dma source(%arg13 : memref<128x128xf32, #tpu.memory_space<vmem>>) target(%dma_start3A_212 : memref<10112x128xf32, #tpu.memory_space<vmem_shared>>) offsets(%arg11 : memref<128xi32, #tpu.memory_space<vmem>>) semaphore(%run_scoped3A : memref<!tpu.dma_semaphore, #tpu.memory_space<semaphore_mem>>) {add = true}
          %dma_wait3A_213 = arith.constant 0 : i32
          %dma_wait3A_214 = arith.constant 0 : i32
          %dma_wait3A_215 = tpu.memref_slice %arg14[%dma_wait3A_213, %dma_wait3A_214] : memref<10112x128xf32, #tpu.memory_space<vmem_shared>> -> memref<10112x128xf32, #tpu.memory_space<vmem_shared>>
          tpu.wait_indirect_dma semaphore(%run_scoped3A : memref<!tpu.dma_semaphore, #tpu.memory_space<semaphore_mem>>) src(%arg13 : memref<128x128xf32, #tpu.memory_space<vmem>>) dst(%dma_wait3A_215 : memref<10112x128xf32, #tpu.memory_space<vmem_shared>>)
          tpu.yield
        }) : () -> ()
        %mul3A_170 = arith.constant 3 : i32
        %mul3A_171 = arith.muli %scan3A_89, %mul3A_170 : i32
        %add3A_172 = arith.constant 2 : i32
        %add3A_173 = arith.addi %mul3A_171, %add3A_172 : i32
        %add3A_174 = arith.constant 2 : i32
        %add3A_175 = arith.addi %add3A_173, %add3A_174 : i32
        %add3A_176 = arith.addi %mul3A_10, %add3A_175 : i32
        %dma_start3A_177 = arith.constant 0 : i32
        %dma_start3A_178 = tpu.memref_slice %arg3[%add3A_176, %dma_start3A_177] : memref<2560x128xi32, #tpu.memory_space<hbm>> -> memref<1x128xi32, #tpu.memory_space<hbm>>
        %dma_start3A_179 = tpu.memref_squeeze %dma_start3A_178 : memref<1x128xi32, #tpu.memory_space<hbm>> -> memref<128xi32, #tpu.memory_space<hbm>>
        %dma_start3A_180 = arith.constant 0 : i32
        %dma_start3A_181 = tpu.memref_slice %arg3[%add3A_176, %dma_start3A_180] : memref<2560x128xi32, #tpu.memory_space<hbm>> -> memref<1x128xi32, #tpu.memory_space<hbm>>
        %dma_start3A_182 = tpu.memref_squeeze %dma_start3A_181 : memref<1x128xi32, #tpu.memory_space<hbm>> -> memref<128xi32, #tpu.memory_space<hbm>>
        tpu.enqueue_dma source(%dma_start3A_182 : memref<128xi32, #tpu.memory_space<hbm>>) target(%arg8 : memref<128xi32, #tpu.memory_space<vmem>>) target_semaphore(%arg16 : memref<!tpu.dma_semaphore, #tpu.memory_space<semaphore_mem>>)
        %add3A_183 = arith.addi %mul3A_10, %add3A_175 : i32
        %dma_start3A_184 = arith.constant 0 : i32
        %dma_start3A_185 = tpu.memref_slice %arg4[%add3A_183, %dma_start3A_184] : memref<2560x128xi32, #tpu.memory_space<hbm>> -> memref<1x128xi32, #tpu.memory_space<hbm>>
        %dma_start3A_186 = tpu.memref_squeeze %dma_start3A_185 : memref<1x128xi32, #tpu.memory_space<hbm>> -> memref<128xi32, #tpu.memory_space<hbm>>
        %dma_start3A_187 = arith.constant 0 : i32
        %dma_start3A_188 = tpu.memref_slice %arg4[%add3A_183, %dma_start3A_187] : memref<2560x128xi32, #tpu.memory_space<hbm>> -> memref<1x128xi32, #tpu.memory_space<hbm>>
        %dma_start3A_189 = tpu.memref_squeeze %dma_start3A_188 : memref<1x128xi32, #tpu.memory_space<hbm>> -> memref<128xi32, #tpu.memory_space<hbm>>
        tpu.enqueue_dma source(%dma_start3A_189 : memref<128xi32, #tpu.memory_space<hbm>>) target(%arg11 : memref<128xi32, #tpu.memory_space<vmem>>) target_semaphore(%arg16 : memref<!tpu.dma_semaphore, #tpu.memory_space<semaphore_mem>>)
        %add3A_190 = arith.addi %mul3A_10, %add3A_173 : i32
        %dma_wait3A_191 = arith.constant 0 : i32
        %dma_wait3A_192 = tpu.memref_slice %arg3[%add3A_190, %dma_wait3A_191] : memref<2560x128xi32, #tpu.memory_space<hbm>> -> memref<1x128xi32, #tpu.memory_space<hbm>>
        %dma_wait3A_193 = tpu.memref_squeeze %dma_wait3A_192 : memref<1x128xi32, #tpu.memory_space<hbm>> -> memref<128xi32, #tpu.memory_space<hbm>>
        %dma_wait3A_194 = arith.constant 0 : i32
        %dma_wait3A_195 = tpu.memref_slice %arg3[%add3A_190, %dma_wait3A_194] : memref<2560x128xi32, #tpu.memory_space<hbm>> -> memref<1x128xi32, #tpu.memory_space<hbm>>
        %dma_wait3A_196 = tpu.memref_squeeze %dma_wait3A_195 : memref<1x128xi32, #tpu.memory_space<hbm>> -> memref<128xi32, #tpu.memory_space<hbm>>
        tpu.wait_dma2 semaphore(%arg17 : memref<!tpu.dma_semaphore, #tpu.memory_space<semaphore_mem>>) src(%dma_wait3A_196 : memref<128xi32, #tpu.memory_space<hbm>>) dst(%arg9 : memref<128xi32, #tpu.memory_space<vmem>>)
        %add3A_197 = arith.addi %mul3A_10, %add3A_173 : i32
        %dma_wait3A_198 = arith.constant 0 : i32
        %dma_wait3A_199 = tpu.memref_slice %arg4[%add3A_197, %dma_wait3A_198] : memref<2560x128xi32, #tpu.memory_space<hbm>> -> memref<1x128xi32, #tpu.memory_space<hbm>>
        %dma_wait3A_200 = tpu.memref_squeeze %dma_wait3A_199 : memref<1x128xi32, #tpu.memory_space<hbm>> -> memref<128xi32, #tpu.memory_space<hbm>>
        %dma_wait3A_201 = arith.constant 0 : i32
        %dma_wait3A_202 = tpu.memref_slice %arg4[%add3A_197, %dma_wait3A_201] : memref<2560x128xi32, #tpu.memory_space<hbm>> -> memref<1x128xi32, #tpu.memory_space<hbm>>
        %dma_wait3A_203 = tpu.memref_squeeze %dma_wait3A_202 : memref<1x128xi32, #tpu.memory_space<hbm>> -> memref<128xi32, #tpu.memory_space<hbm>>
        tpu.wait_dma2 semaphore(%arg17 : memref<!tpu.dma_semaphore, #tpu.memory_space<semaphore_mem>>) src(%dma_wait3A_203 : memref<128xi32, #tpu.memory_space<hbm>>) dst(%arg12 : memref<128xi32, #tpu.memory_space<vmem>>)
        %dma_start3A_204 = arith.constant 0 : i32
        %dma_start3A_205 = arith.constant 0 : i32
        %dma_start3A_206 = tpu.memref_slice %arg2[%dma_start3A_204, %dma_start3A_205] : memref<10000x128xf32, #tpu.memory_space<hbm>> -> memref<10000x128xf32, #tpu.memory_space<hbm>>
        tpu.enqueue_indirect_dma source(%dma_start3A_206 : memref<10000x128xf32, #tpu.memory_space<hbm>>) target(%arg13 : memref<128x128xf32, #tpu.memory_space<vmem>>) offsets(%arg9 : memref<128xi32, #tpu.memory_space<vmem>>) semaphore(%arg18 : memref<!tpu.dma_semaphore, #tpu.memory_space<semaphore_mem>>)
        %dma_wait3A_207 = arith.constant 0 : i32
        %dma_wait3A_208 = arith.constant 0 : i32
        %dma_wait3A_209 = tpu.memref_slice %arg2[%dma_wait3A_207, %dma_wait3A_208] : memref<10000x128xf32, #tpu.memory_space<hbm>> -> memref<10000x128xf32, #tpu.memory_space<hbm>>
        tpu.wait_indirect_dma semaphore(%arg18 : memref<!tpu.dma_semaphore, #tpu.memory_space<semaphore_mem>>) src(%dma_wait3A_209 : memref<10000x128xf32, #tpu.memory_space<hbm>>) dst(%arg13 : memref<128x128xf32, #tpu.memory_space<vmem>>)
        "tpu.region"() ({
          %run_scoped3A = tpu.sem_alloc : memref<!tpu.dma_semaphore, #tpu.memory_space<semaphore_mem>>
          %dma_start3A_210 = arith.constant 0 : i32
          %dma_start3A_211 = arith.constant 0 : i32
          %dma_start3A_212 = tpu.memref_slice %arg14[%dma_start3A_210, %dma_start3A_211] : memref<10112x128xf32, #tpu.memory_space<vmem_shared>> -> memref<10112x128xf32, #tpu.memory_space<vmem_shared>>
          tpu.enqueue_indirect_dma source(%arg13 : memref<128x128xf32, #tpu.memory_space<vmem>>) target(%dma_start3A_212 : memref<10112x128xf32, #tpu.memory_space<vmem_shared>>) offsets(%arg12 : memref<128xi32, #tpu.memory_space<vmem>>) semaphore(%run_scoped3A : memref<!tpu.dma_semaphore, #tpu.memory_space<semaphore_mem>>) {add = true}
          %dma_wait3A_213 = arith.constant 0 : i32
          %dma_wait3A_214 = arith.constant 0 : i32
          %dma_wait3A_215 = tpu.memref_slice %arg14[%dma_wait3A_213, %dma_wait3A_214] : memref<10112x128xf32, #tpu.memory_space<vmem_shared>> -> memref<10112x128xf32, #tpu.memory_space<vmem_shared>>
          tpu.wait_indirect_dma semaphore(%run_scoped3A : memref<!tpu.dma_semaphore, #tpu.memory_space<semaphore_mem>>) src(%arg13 : memref<128x128xf32, #tpu.memory_space<vmem>>) dst(%dma_wait3A_215 : memref<10112x128xf32, #tpu.memory_space<vmem_shared>>)
          tpu.yield
        }) : () -> ()
      }
      %scan3A_45 = arith.constant 46 : i32
      %add3A_46 = arith.constant 138 : i32
      %add3A_47 = arith.addi %mul3A_10, %add3A_46 : i32
      %dma_wait3A = arith.constant 0 : i32
      %dma_wait3A_48 = tpu.memref_slice %arg3[%add3A_47, %dma_wait3A] : memref<2560x128xi32, #tpu.memory_space<hbm>> -> memref<1x128xi32, #tpu.memory_space<hbm>>
      %dma_wait3A_49 = tpu.memref_squeeze %dma_wait3A_48 : memref<1x128xi32, #tpu.memory_space<hbm>> -> memref<128xi32, #tpu.memory_space<hbm>>
      %dma_wait3A_50 = arith.constant 0 : i32
      %dma_wait3A_51 = tpu.memref_slice %arg3[%add3A_47, %dma_wait3A_50] : memref<2560x128xi32, #tpu.memory_space<hbm>> -> memref<1x128xi32, #tpu.memory_space<hbm>>
      %dma_wait3A_52 = tpu.memref_squeeze %dma_wait3A_51 : memref<1x128xi32, #tpu.memory_space<hbm>> -> memref<128xi32, #tpu.memory_space<hbm>>
      tpu.wait_dma2 semaphore(%arg15 : memref<!tpu.dma_semaphore, #tpu.memory_space<semaphore_mem>>) src(%dma_wait3A_52 : memref<128xi32, #tpu.memory_space<hbm>>) dst(%arg7 : memref<128xi32, #tpu.memory_space<vmem>>)
      %add3A_53 = arith.constant 138 : i32
      %add3A_54 = arith.addi %mul3A_10, %add3A_53 : i32
      %dma_wait3A_55 = arith.constant 0 : i32
      %dma_wait3A_56 = tpu.memref_slice %arg4[%add3A_54, %dma_wait3A_55] : memref<2560x128xi32, #tpu.memory_space<hbm>> -> memref<1x128xi32, #tpu.memory_space<hbm>>
      %dma_wait3A_57 = tpu.memref_squeeze %dma_wait3A_56 : memref<1x128xi32, #tpu.memory_space<hbm>> -> memref<128xi32, #tpu.memory_space<hbm>>
      %dma_wait3A_58 = arith.constant 0 : i32
      %dma_wait3A_59 = tpu.memref_slice %arg4[%add3A_54, %dma_wait3A_58] : memref<2560x128xi32, #tpu.memory_space<hbm>> -> memref<1x128xi32, #tpu.memory_space<hbm>>
      %dma_wait3A_60 = tpu.memref_squeeze %dma_wait3A_59 : memref<1x128xi32, #tpu.memory_space<hbm>> -> memref<128xi32, #tpu.memory_space<hbm>>
      tpu.wait_dma2 semaphore(%arg15 : memref<!tpu.dma_semaphore, #tpu.memory_space<semaphore_mem>>) src(%dma_wait3A_60 : memref<128xi32, #tpu.memory_space<hbm>>) dst(%arg10 : memref<128xi32, #tpu.memory_space<vmem>>)
      %dma_start3A_61 = arith.constant 0 : i32
      %dma_start3A_62 = arith.constant 0 : i32
      %dma_start3A_63 = tpu.memref_slice %arg2[%dma_start3A_61, %dma_start3A_62] : memref<10000x128xf32, #tpu.memory_space<hbm>> -> memref<10000x128xf32, #tpu.memory_space<hbm>>
      tpu.enqueue_indirect_dma source(%dma_start3A_63 : memref<10000x128xf32, #tpu.memory_space<hbm>>) target(%arg13 : memref<128x128xf32, #tpu.memory_space<vmem>>) offsets(%arg7 : memref<128xi32, #tpu.memory_space<vmem>>) semaphore(%arg18 : memref<!tpu.dma_semaphore, #tpu.memory_space<semaphore_mem>>)
      %dma_wait3A_64 = arith.constant 0 : i32
      %dma_wait3A_65 = arith.constant 0 : i32
      %dma_wait3A_66 = tpu.memref_slice %arg2[%dma_wait3A_64, %dma_wait3A_65] : memref<10000x128xf32, #tpu.memory_space<hbm>> -> memref<10000x128xf32, #tpu.memory_space<hbm>>
      tpu.wait_indirect_dma semaphore(%arg18 : memref<!tpu.dma_semaphore, #tpu.memory_space<semaphore_mem>>) src(%dma_wait3A_66 : memref<10000x128xf32, #tpu.memory_space<hbm>>) dst(%arg13 : memref<128x128xf32, #tpu.memory_space<vmem>>)
      "tpu.region"() ({
        %run_scoped3A = tpu.sem_alloc : memref<!tpu.dma_semaphore, #tpu.memory_space<semaphore_mem>>
        %dma_start3A_89 = arith.constant 0 : i32
        %dma_start3A_90 = arith.constant 0 : i32
        %dma_start3A_91 = tpu.memref_slice %arg14[%dma_start3A_89, %dma_start3A_90] : memref<10112x128xf32, #tpu.memory_space<vmem_shared>> -> memref<10112x128xf32, #tpu.memory_space<vmem_shared>>
        tpu.enqueue_indirect_dma source(%arg13 : memref<128x128xf32, #tpu.memory_space<vmem>>) target(%dma_start3A_91 : memref<10112x128xf32, #tpu.memory_space<vmem_shared>>) offsets(%arg10 : memref<128xi32, #tpu.memory_space<vmem>>) semaphore(%run_scoped3A : memref<!tpu.dma_semaphore, #tpu.memory_space<semaphore_mem>>) {add = true}
        %dma_wait3A_92 = arith.constant 0 : i32
        %dma_wait3A_93 = arith.constant 0 : i32
        %dma_wait3A_94 = tpu.memref_slice %arg14[%dma_wait3A_92, %dma_wait3A_93] : memref<10112x128xf32, #tpu.memory_space<vmem_shared>> -> memref<10112x128xf32, #tpu.memory_space<vmem_shared>>
        tpu.wait_indirect_dma semaphore(%run_scoped3A : memref<!tpu.dma_semaphore, #tpu.memory_space<semaphore_mem>>) src(%arg13 : memref<128x128xf32, #tpu.memory_space<vmem>>) dst(%dma_wait3A_94 : memref<10112x128xf32, #tpu.memory_space<vmem_shared>>)
        tpu.yield
      }) : () -> ()
      %add3A_67 = arith.constant 139 : i32
      %add3A_68 = arith.addi %mul3A_10, %add3A_67 : i32
      %dma_wait3A_69 = arith.constant 0 : i32
      %dma_wait3A_70 = tpu.memref_slice %arg3[%add3A_68, %dma_wait3A_69] : memref<2560x128xi32, #tpu.memory_space<hbm>> -> memref<1x128xi32, #tpu.memory_space<hbm>>
      %dma_wait3A_71 = tpu.memref_squeeze %dma_wait3A_70 : memref<1x128xi32, #tpu.memory_space<hbm>> -> memref<128xi32, #tpu.memory_space<hbm>>
      %dma_wait3A_72 = arith.constant 0 : i32
      %dma_wait3A_73 = tpu.memref_slice %arg3[%add3A_68, %dma_wait3A_72] : memref<2560x128xi32, #tpu.memory_space<hbm>> -> memref<1x128xi32, #tpu.memory_space<hbm>>
      %dma_wait3A_74 = tpu.memref_squeeze %dma_wait3A_73 : memref<1x128xi32, #tpu.memory_space<hbm>> -> memref<128xi32, #tpu.memory_space<hbm>>
      tpu.wait_dma2 semaphore(%arg16 : memref<!tpu.dma_semaphore, #tpu.memory_space<semaphore_mem>>) src(%dma_wait3A_74 : memref<128xi32, #tpu.memory_space<hbm>>) dst(%arg8 : memref<128xi32, #tpu.memory_space<vmem>>)
      %add3A_75 = arith.constant 139 : i32
      %add3A_76 = arith.addi %mul3A_10, %add3A_75 : i32
      %dma_wait3A_77 = arith.constant 0 : i32
      %dma_wait3A_78 = tpu.memref_slice %arg4[%add3A_76, %dma_wait3A_77] : memref<2560x128xi32, #tpu.memory_space<hbm>> -> memref<1x128xi32, #tpu.memory_space<hbm>>
      %dma_wait3A_79 = tpu.memref_squeeze %dma_wait3A_78 : memref<1x128xi32, #tpu.memory_space<hbm>> -> memref<128xi32, #tpu.memory_space<hbm>>
      %dma_wait3A_80 = arith.constant 0 : i32
      %dma_wait3A_81 = tpu.memref_slice %arg4[%add3A_76, %dma_wait3A_80] : memref<2560x128xi32, #tpu.memory_space<hbm>> -> memref<1x128xi32, #tpu.memory_space<hbm>>
      %dma_wait3A_82 = tpu.memref_squeeze %dma_wait3A_81 : memref<1x128xi32, #tpu.memory_space<hbm>> -> memref<128xi32, #tpu.memory_space<hbm>>
      tpu.wait_dma2 semaphore(%arg16 : memref<!tpu.dma_semaphore, #tpu.memory_space<semaphore_mem>>) src(%dma_wait3A_82 : memref<128xi32, #tpu.memory_space<hbm>>) dst(%arg11 : memref<128xi32, #tpu.memory_space<vmem>>)
      %dma_start3A_83 = arith.constant 0 : i32
      %dma_start3A_84 = arith.constant 0 : i32
      %dma_start3A_85 = tpu.memref_slice %arg2[%dma_start3A_83, %dma_start3A_84] : memref<10000x128xf32, #tpu.memory_space<hbm>> -> memref<10000x128xf32, #tpu.memory_space<hbm>>
      tpu.enqueue_indirect_dma source(%dma_start3A_85 : memref<10000x128xf32, #tpu.memory_space<hbm>>) target(%arg13 : memref<128x128xf32, #tpu.memory_space<vmem>>) offsets(%arg8 : memref<128xi32, #tpu.memory_space<vmem>>) semaphore(%arg18 : memref<!tpu.dma_semaphore, #tpu.memory_space<semaphore_mem>>)
      %dma_wait3A_86 = arith.constant 0 : i32
      %dma_wait3A_87 = arith.constant 0 : i32
      %dma_wait3A_88 = tpu.memref_slice %arg2[%dma_wait3A_86, %dma_wait3A_87] : memref<10000x128xf32, #tpu.memory_space<hbm>> -> memref<10000x128xf32, #tpu.memory_space<hbm>>
      tpu.wait_indirect_dma semaphore(%arg18 : memref<!tpu.dma_semaphore, #tpu.memory_space<semaphore_mem>>) src(%dma_wait3A_88 : memref<10000x128xf32, #tpu.memory_space<hbm>>) dst(%arg13 : memref<128x128xf32, #tpu.memory_space<vmem>>)
      "tpu.region"() ({
        %run_scoped3A = tpu.sem_alloc : memref<!tpu.dma_semaphore, #tpu.memory_space<semaphore_mem>>
        %dma_start3A_89 = arith.constant 0 : i32
        %dma_start3A_90 = arith.constant 0 : i32
        %dma_start3A_91 = tpu.memref_slice %arg14[%dma_start3A_89, %dma_start3A_90] : memref<10112x128xf32, #tpu.memory_space<vmem_shared>> -> memref<10112x128xf32, #tpu.memory_space<vmem_shared>>
        tpu.enqueue_indirect_dma source(%arg13 : memref<128x128xf32, #tpu.memory_space<vmem>>) target(%dma_start3A_91 : memref<10112x128xf32, #tpu.memory_space<vmem_shared>>) offsets(%arg11 : memref<128xi32, #tpu.memory_space<vmem>>) semaphore(%run_scoped3A : memref<!tpu.dma_semaphore, #tpu.memory_space<semaphore_mem>>) {add = true}
        %dma_wait3A_92 = arith.constant 0 : i32
        %dma_wait3A_93 = arith.constant 0 : i32
        %dma_wait3A_94 = tpu.memref_slice %arg14[%dma_wait3A_92, %dma_wait3A_93] : memref<10112x128xf32, #tpu.memory_space<vmem_shared>> -> memref<10112x128xf32, #tpu.memory_space<vmem_shared>>
        tpu.wait_indirect_dma semaphore(%run_scoped3A : memref<!tpu.dma_semaphore, #tpu.memory_space<semaphore_mem>>) src(%arg13 : memref<128x128xf32, #tpu.memory_space<vmem>>) dst(%dma_wait3A_94 : memref<10112x128xf32, #tpu.memory_space<vmem_shared>>)
        tpu.yield
      }) : () -> ()
    } else {
    }
    %eq3A_3 = arith.constant 1 : i32
    %eq3A_4 = arith.cmpi eq, %arg0, %eq3A_3 : i32
    %convert_element_type3A_5 = arith.extui %eq3A_4 : i1 to i32
    %cond3A_6 = arith.constant 0 : i32
    %cond3A_7 = arith.cmpi ne, %convert_element_type3A_5, %cond3A_6 : i32
    scf.if %cond3A_7 {
      %mul3A_9 = arith.constant 20 : i32
      %mul3A_10 = arith.muli %arg1, %mul3A_9 : i32
      %add3A = arith.constant 2240 : i32
      %add3A_11 = arith.addi %add3A, %mul3A_10 : i32
      %add3A_12 = arith.constant 0 : i32
      %add3A_13 = arith.addi %add3A_11, %add3A_12 : i32
      %dma_start3A = arith.constant 0 : i32
      %dma_start3A_14 = tpu.memref_slice %arg3[%add3A_13, %dma_start3A] : memref<2560x128xi32, #tpu.memory_space<hbm>> -> memref<1x128xi32, #tpu.memory_space<hbm>>
      %dma_start3A_15 = tpu.memref_squeeze %dma_start3A_14 : memref<1x128xi32, #tpu.memory_space<hbm>> -> memref<128xi32, #tpu.memory_space<hbm>>
      %dma_start3A_16 = arith.constant 0 : i32
      %dma_start3A_17 = tpu.memref_slice %arg3[%add3A_13, %dma_start3A_16] : memref<2560x128xi32, #tpu.memory_space<hbm>> -> memref<1x128xi32, #tpu.memory_space<hbm>>
      %dma_start3A_18 = tpu.memref_squeeze %dma_start3A_17 : memref<1x128xi32, #tpu.memory_space<hbm>> -> memref<128xi32, #tpu.memory_space<hbm>>
      tpu.enqueue_dma source(%dma_start3A_18 : memref<128xi32, #tpu.memory_space<hbm>>) target(%arg7 : memref<128xi32, #tpu.memory_space<vmem>>) target_semaphore(%arg15 : memref<!tpu.dma_semaphore, #tpu.memory_space<semaphore_mem>>)
      %add3A_19 = arith.constant 0 : i32
      %add3A_20 = arith.addi %add3A_11, %add3A_19 : i32
      %dma_start3A_21 = arith.constant 0 : i32
      %dma_start3A_22 = tpu.memref_slice %arg4[%add3A_20, %dma_start3A_21] : memref<2560x128xi32, #tpu.memory_space<hbm>> -> memref<1x128xi32, #tpu.memory_space<hbm>>
      %dma_start3A_23 = tpu.memref_squeeze %dma_start3A_22 : memref<1x128xi32, #tpu.memory_space<hbm>> -> memref<128xi32, #tpu.memory_space<hbm>>
      %dma_start3A_24 = arith.constant 0 : i32
      %dma_start3A_25 = tpu.memref_slice %arg4[%add3A_20, %dma_start3A_24] : memref<2560x128xi32, #tpu.memory_space<hbm>> -> memref<1x128xi32, #tpu.memory_space<hbm>>
      %dma_start3A_26 = tpu.memref_squeeze %dma_start3A_25 : memref<1x128xi32, #tpu.memory_space<hbm>> -> memref<128xi32, #tpu.memory_space<hbm>>
      tpu.enqueue_dma source(%dma_start3A_26 : memref<128xi32, #tpu.memory_space<hbm>>) target(%arg10 : memref<128xi32, #tpu.memory_space<vmem>>) target_semaphore(%arg15 : memref<!tpu.dma_semaphore, #tpu.memory_space<semaphore_mem>>)
      %add3A_27 = arith.constant 1 : i32
      %add3A_28 = arith.addi %add3A_11, %add3A_27 : i32
      %dma_start3A_29 = arith.constant 0 : i32
      %dma_start3A_30 = tpu.memref_slice %arg3[%add3A_28, %dma_start3A_29] : memref<2560x128xi32, #tpu.memory_space<hbm>> -> memref<1x128xi32, #tpu.memory_space<hbm>>
      %dma_start3A_31 = tpu.memref_squeeze %dma_start3A_30 : memref<1x128xi32, #tpu.memory_space<hbm>> -> memref<128xi32, #tpu.memory_space<hbm>>
      %dma_start3A_32 = arith.constant 0 : i32
      %dma_start3A_33 = tpu.memref_slice %arg3[%add3A_28, %dma_start3A_32] : memref<2560x128xi32, #tpu.memory_space<hbm>> -> memref<1x128xi32, #tpu.memory_space<hbm>>
      %dma_start3A_34 = tpu.memref_squeeze %dma_start3A_33 : memref<1x128xi32, #tpu.memory_space<hbm>> -> memref<128xi32, #tpu.memory_space<hbm>>
      tpu.enqueue_dma source(%dma_start3A_34 : memref<128xi32, #tpu.memory_space<hbm>>) target(%arg8 : memref<128xi32, #tpu.memory_space<vmem>>) target_semaphore(%arg16 : memref<!tpu.dma_semaphore, #tpu.memory_space<semaphore_mem>>)
      %add3A_35 = arith.constant 1 : i32
      %add3A_36 = arith.addi %add3A_11, %add3A_35 : i32
      %dma_start3A_37 = arith.constant 0 : i32
      %dma_start3A_38 = tpu.memref_slice %arg4[%add3A_36, %dma_start3A_37] : memref<2560x128xi32, #tpu.memory_space<hbm>> -> memref<1x128xi32, #tpu.memory_space<hbm>>
      %dma_start3A_39 = tpu.memref_squeeze %dma_start3A_38 : memref<1x128xi32, #tpu.memory_space<hbm>> -> memref<128xi32, #tpu.memory_space<hbm>>
      %dma_start3A_40 = arith.constant 0 : i32
      %dma_start3A_41 = tpu.memref_slice %arg4[%add3A_36, %dma_start3A_40] : memref<2560x128xi32, #tpu.memory_space<hbm>> -> memref<1x128xi32, #tpu.memory_space<hbm>>
      %dma_start3A_42 = tpu.memref_squeeze %dma_start3A_41 : memref<1x128xi32, #tpu.memory_space<hbm>> -> memref<128xi32, #tpu.memory_space<hbm>>
      tpu.enqueue_dma source(%dma_start3A_42 : memref<128xi32, #tpu.memory_space<hbm>>) target(%arg11 : memref<128xi32, #tpu.memory_space<vmem>>) target_semaphore(%arg16 : memref<!tpu.dma_semaphore, #tpu.memory_space<semaphore_mem>>)
      %scan3A = arith.constant 0 : i32
      %scan3A_43 = arith.constant 0 : i32
      %scan3A_44 = arith.constant 6 : i32
      %scan3A_45 = arith.addi %scan3A_43, %scan3A_44 : i32
      %scan3A_46 = arith.constant 1 : i32
      scf.for %scan3A_91 = %scan3A_43 to %scan3A_45 step %scan3A_46  : i32 {
        %mul3A_92 = arith.constant 3 : i32
        %mul3A_93 = arith.muli %scan3A_91, %mul3A_92 : i32
        %add3A_94 = arith.constant 0 : i32
        %add3A_95 = arith.addi %mul3A_93, %add3A_94 : i32
        %add3A_96 = arith.constant 2 : i32
        %add3A_97 = arith.addi %add3A_95, %add3A_96 : i32
        %add3A_98 = arith.addi %add3A_11, %add3A_97 : i32
        %dma_start3A_99 = arith.constant 0 : i32
        %dma_start3A_100 = tpu.memref_slice %arg3[%add3A_98, %dma_start3A_99] : memref<2560x128xi32, #tpu.memory_space<hbm>> -> memref<1x128xi32, #tpu.memory_space<hbm>>
        %dma_start3A_101 = tpu.memref_squeeze %dma_start3A_100 : memref<1x128xi32, #tpu.memory_space<hbm>> -> memref<128xi32, #tpu.memory_space<hbm>>
        %dma_start3A_102 = arith.constant 0 : i32
        %dma_start3A_103 = tpu.memref_slice %arg3[%add3A_98, %dma_start3A_102] : memref<2560x128xi32, #tpu.memory_space<hbm>> -> memref<1x128xi32, #tpu.memory_space<hbm>>
        %dma_start3A_104 = tpu.memref_squeeze %dma_start3A_103 : memref<1x128xi32, #tpu.memory_space<hbm>> -> memref<128xi32, #tpu.memory_space<hbm>>
        tpu.enqueue_dma source(%dma_start3A_104 : memref<128xi32, #tpu.memory_space<hbm>>) target(%arg9 : memref<128xi32, #tpu.memory_space<vmem>>) target_semaphore(%arg17 : memref<!tpu.dma_semaphore, #tpu.memory_space<semaphore_mem>>)
        %add3A_105 = arith.addi %add3A_11, %add3A_97 : i32
        %dma_start3A_106 = arith.constant 0 : i32
        %dma_start3A_107 = tpu.memref_slice %arg4[%add3A_105, %dma_start3A_106] : memref<2560x128xi32, #tpu.memory_space<hbm>> -> memref<1x128xi32, #tpu.memory_space<hbm>>
        %dma_start3A_108 = tpu.memref_squeeze %dma_start3A_107 : memref<1x128xi32, #tpu.memory_space<hbm>> -> memref<128xi32, #tpu.memory_space<hbm>>
        %dma_start3A_109 = arith.constant 0 : i32
        %dma_start3A_110 = tpu.memref_slice %arg4[%add3A_105, %dma_start3A_109] : memref<2560x128xi32, #tpu.memory_space<hbm>> -> memref<1x128xi32, #tpu.memory_space<hbm>>
        %dma_start3A_111 = tpu.memref_squeeze %dma_start3A_110 : memref<1x128xi32, #tpu.memory_space<hbm>> -> memref<128xi32, #tpu.memory_space<hbm>>
        tpu.enqueue_dma source(%dma_start3A_111 : memref<128xi32, #tpu.memory_space<hbm>>) target(%arg12 : memref<128xi32, #tpu.memory_space<vmem>>) target_semaphore(%arg17 : memref<!tpu.dma_semaphore, #tpu.memory_space<semaphore_mem>>)
        %add3A_112 = arith.addi %add3A_11, %add3A_95 : i32
        %dma_wait3A_113 = arith.constant 0 : i32
        %dma_wait3A_114 = tpu.memref_slice %arg3[%add3A_112, %dma_wait3A_113] : memref<2560x128xi32, #tpu.memory_space<hbm>> -> memref<1x128xi32, #tpu.memory_space<hbm>>
        %dma_wait3A_115 = tpu.memref_squeeze %dma_wait3A_114 : memref<1x128xi32, #tpu.memory_space<hbm>> -> memref<128xi32, #tpu.memory_space<hbm>>
        %dma_wait3A_116 = arith.constant 0 : i32
        %dma_wait3A_117 = tpu.memref_slice %arg3[%add3A_112, %dma_wait3A_116] : memref<2560x128xi32, #tpu.memory_space<hbm>> -> memref<1x128xi32, #tpu.memory_space<hbm>>
        %dma_wait3A_118 = tpu.memref_squeeze %dma_wait3A_117 : memref<1x128xi32, #tpu.memory_space<hbm>> -> memref<128xi32, #tpu.memory_space<hbm>>
        tpu.wait_dma2 semaphore(%arg15 : memref<!tpu.dma_semaphore, #tpu.memory_space<semaphore_mem>>) src(%dma_wait3A_118 : memref<128xi32, #tpu.memory_space<hbm>>) dst(%arg7 : memref<128xi32, #tpu.memory_space<vmem>>)
        %add3A_119 = arith.addi %add3A_11, %add3A_95 : i32
        %dma_wait3A_120 = arith.constant 0 : i32
        %dma_wait3A_121 = tpu.memref_slice %arg4[%add3A_119, %dma_wait3A_120] : memref<2560x128xi32, #tpu.memory_space<hbm>> -> memref<1x128xi32, #tpu.memory_space<hbm>>
        %dma_wait3A_122 = tpu.memref_squeeze %dma_wait3A_121 : memref<1x128xi32, #tpu.memory_space<hbm>> -> memref<128xi32, #tpu.memory_space<hbm>>
        %dma_wait3A_123 = arith.constant 0 : i32
        %dma_wait3A_124 = tpu.memref_slice %arg4[%add3A_119, %dma_wait3A_123] : memref<2560x128xi32, #tpu.memory_space<hbm>> -> memref<1x128xi32, #tpu.memory_space<hbm>>
        %dma_wait3A_125 = tpu.memref_squeeze %dma_wait3A_124 : memref<1x128xi32, #tpu.memory_space<hbm>> -> memref<128xi32, #tpu.memory_space<hbm>>
        tpu.wait_dma2 semaphore(%arg15 : memref<!tpu.dma_semaphore, #tpu.memory_space<semaphore_mem>>) src(%dma_wait3A_125 : memref<128xi32, #tpu.memory_space<hbm>>) dst(%arg10 : memref<128xi32, #tpu.memory_space<vmem>>)
        %dma_start3A_126 = arith.constant 0 : i32
        %dma_start3A_127 = arith.constant 0 : i32
        %dma_start3A_128 = tpu.memref_slice %arg2[%dma_start3A_126, %dma_start3A_127] : memref<10000x128xf32, #tpu.memory_space<hbm>> -> memref<10000x128xf32, #tpu.memory_space<hbm>>
        tpu.enqueue_indirect_dma source(%dma_start3A_128 : memref<10000x128xf32, #tpu.memory_space<hbm>>) target(%arg13 : memref<128x128xf32, #tpu.memory_space<vmem>>) offsets(%arg7 : memref<128xi32, #tpu.memory_space<vmem>>) semaphore(%arg18 : memref<!tpu.dma_semaphore, #tpu.memory_space<semaphore_mem>>)
        %dma_wait3A_129 = arith.constant 0 : i32
        %dma_wait3A_130 = arith.constant 0 : i32
        %dma_wait3A_131 = tpu.memref_slice %arg2[%dma_wait3A_129, %dma_wait3A_130] : memref<10000x128xf32, #tpu.memory_space<hbm>> -> memref<10000x128xf32, #tpu.memory_space<hbm>>
        tpu.wait_indirect_dma semaphore(%arg18 : memref<!tpu.dma_semaphore, #tpu.memory_space<semaphore_mem>>) src(%dma_wait3A_131 : memref<10000x128xf32, #tpu.memory_space<hbm>>) dst(%arg13 : memref<128x128xf32, #tpu.memory_space<vmem>>)
        "tpu.region"() ({
          %run_scoped3A = tpu.sem_alloc : memref<!tpu.dma_semaphore, #tpu.memory_space<semaphore_mem>>
          %dma_start3A_212 = arith.constant 0 : i32
          %dma_start3A_213 = arith.constant 0 : i32
          %dma_start3A_214 = tpu.memref_slice %arg14[%dma_start3A_212, %dma_start3A_213] : memref<10112x128xf32, #tpu.memory_space<vmem_shared>> -> memref<10112x128xf32, #tpu.memory_space<vmem_shared>>
          tpu.enqueue_indirect_dma source(%arg13 : memref<128x128xf32, #tpu.memory_space<vmem>>) target(%dma_start3A_214 : memref<10112x128xf32, #tpu.memory_space<vmem_shared>>) offsets(%arg10 : memref<128xi32, #tpu.memory_space<vmem>>) semaphore(%run_scoped3A : memref<!tpu.dma_semaphore, #tpu.memory_space<semaphore_mem>>) {add = true}
          %dma_wait3A_215 = arith.constant 0 : i32
          %dma_wait3A_216 = arith.constant 0 : i32
          %dma_wait3A_217 = tpu.memref_slice %arg14[%dma_wait3A_215, %dma_wait3A_216] : memref<10112x128xf32, #tpu.memory_space<vmem_shared>> -> memref<10112x128xf32, #tpu.memory_space<vmem_shared>>
          tpu.wait_indirect_dma semaphore(%run_scoped3A : memref<!tpu.dma_semaphore, #tpu.memory_space<semaphore_mem>>) src(%arg13 : memref<128x128xf32, #tpu.memory_space<vmem>>) dst(%dma_wait3A_217 : memref<10112x128xf32, #tpu.memory_space<vmem_shared>>)
          tpu.yield
        }) : () -> ()
        %mul3A_132 = arith.constant 3 : i32
        %mul3A_133 = arith.muli %scan3A_91, %mul3A_132 : i32
        %add3A_134 = arith.constant 1 : i32
        %add3A_135 = arith.addi %mul3A_133, %add3A_134 : i32
        %add3A_136 = arith.constant 2 : i32
        %add3A_137 = arith.addi %add3A_135, %add3A_136 : i32
        %add3A_138 = arith.addi %add3A_11, %add3A_137 : i32
        %dma_start3A_139 = arith.constant 0 : i32
        %dma_start3A_140 = tpu.memref_slice %arg3[%add3A_138, %dma_start3A_139] : memref<2560x128xi32, #tpu.memory_space<hbm>> -> memref<1x128xi32, #tpu.memory_space<hbm>>
        %dma_start3A_141 = tpu.memref_squeeze %dma_start3A_140 : memref<1x128xi32, #tpu.memory_space<hbm>> -> memref<128xi32, #tpu.memory_space<hbm>>
        %dma_start3A_142 = arith.constant 0 : i32
        %dma_start3A_143 = tpu.memref_slice %arg3[%add3A_138, %dma_start3A_142] : memref<2560x128xi32, #tpu.memory_space<hbm>> -> memref<1x128xi32, #tpu.memory_space<hbm>>
        %dma_start3A_144 = tpu.memref_squeeze %dma_start3A_143 : memref<1x128xi32, #tpu.memory_space<hbm>> -> memref<128xi32, #tpu.memory_space<hbm>>
        tpu.enqueue_dma source(%dma_start3A_144 : memref<128xi32, #tpu.memory_space<hbm>>) target(%arg7 : memref<128xi32, #tpu.memory_space<vmem>>) target_semaphore(%arg15 : memref<!tpu.dma_semaphore, #tpu.memory_space<semaphore_mem>>)
        %add3A_145 = arith.addi %add3A_11, %add3A_137 : i32
        %dma_start3A_146 = arith.constant 0 : i32
        %dma_start3A_147 = tpu.memref_slice %arg4[%add3A_145, %dma_start3A_146] : memref<2560x128xi32, #tpu.memory_space<hbm>> -> memref<1x128xi32, #tpu.memory_space<hbm>>
        %dma_start3A_148 = tpu.memref_squeeze %dma_start3A_147 : memref<1x128xi32, #tpu.memory_space<hbm>> -> memref<128xi32, #tpu.memory_space<hbm>>
        %dma_start3A_149 = arith.constant 0 : i32
        %dma_start3A_150 = tpu.memref_slice %arg4[%add3A_145, %dma_start3A_149] : memref<2560x128xi32, #tpu.memory_space<hbm>> -> memref<1x128xi32, #tpu.memory_space<hbm>>
        %dma_start3A_151 = tpu.memref_squeeze %dma_start3A_150 : memref<1x128xi32, #tpu.memory_space<hbm>> -> memref<128xi32, #tpu.memory_space<hbm>>
        tpu.enqueue_dma source(%dma_start3A_151 : memref<128xi32, #tpu.memory_space<hbm>>) target(%arg10 : memref<128xi32, #tpu.memory_space<vmem>>) target_semaphore(%arg15 : memref<!tpu.dma_semaphore, #tpu.memory_space<semaphore_mem>>)
        %add3A_152 = arith.addi %add3A_11, %add3A_135 : i32
        %dma_wait3A_153 = arith.constant 0 : i32
        %dma_wait3A_154 = tpu.memref_slice %arg3[%add3A_152, %dma_wait3A_153] : memref<2560x128xi32, #tpu.memory_space<hbm>> -> memref<1x128xi32, #tpu.memory_space<hbm>>
        %dma_wait3A_155 = tpu.memref_squeeze %dma_wait3A_154 : memref<1x128xi32, #tpu.memory_space<hbm>> -> memref<128xi32, #tpu.memory_space<hbm>>
        %dma_wait3A_156 = arith.constant 0 : i32
        %dma_wait3A_157 = tpu.memref_slice %arg3[%add3A_152, %dma_wait3A_156] : memref<2560x128xi32, #tpu.memory_space<hbm>> -> memref<1x128xi32, #tpu.memory_space<hbm>>
        %dma_wait3A_158 = tpu.memref_squeeze %dma_wait3A_157 : memref<1x128xi32, #tpu.memory_space<hbm>> -> memref<128xi32, #tpu.memory_space<hbm>>
        tpu.wait_dma2 semaphore(%arg16 : memref<!tpu.dma_semaphore, #tpu.memory_space<semaphore_mem>>) src(%dma_wait3A_158 : memref<128xi32, #tpu.memory_space<hbm>>) dst(%arg8 : memref<128xi32, #tpu.memory_space<vmem>>)
        %add3A_159 = arith.addi %add3A_11, %add3A_135 : i32
        %dma_wait3A_160 = arith.constant 0 : i32
        %dma_wait3A_161 = tpu.memref_slice %arg4[%add3A_159, %dma_wait3A_160] : memref<2560x128xi32, #tpu.memory_space<hbm>> -> memref<1x128xi32, #tpu.memory_space<hbm>>
        %dma_wait3A_162 = tpu.memref_squeeze %dma_wait3A_161 : memref<1x128xi32, #tpu.memory_space<hbm>> -> memref<128xi32, #tpu.memory_space<hbm>>
        %dma_wait3A_163 = arith.constant 0 : i32
        %dma_wait3A_164 = tpu.memref_slice %arg4[%add3A_159, %dma_wait3A_163] : memref<2560x128xi32, #tpu.memory_space<hbm>> -> memref<1x128xi32, #tpu.memory_space<hbm>>
        %dma_wait3A_165 = tpu.memref_squeeze %dma_wait3A_164 : memref<1x128xi32, #tpu.memory_space<hbm>> -> memref<128xi32, #tpu.memory_space<hbm>>
        tpu.wait_dma2 semaphore(%arg16 : memref<!tpu.dma_semaphore, #tpu.memory_space<semaphore_mem>>) src(%dma_wait3A_165 : memref<128xi32, #tpu.memory_space<hbm>>) dst(%arg11 : memref<128xi32, #tpu.memory_space<vmem>>)
        %dma_start3A_166 = arith.constant 0 : i32
        %dma_start3A_167 = arith.constant 0 : i32
        %dma_start3A_168 = tpu.memref_slice %arg2[%dma_start3A_166, %dma_start3A_167] : memref<10000x128xf32, #tpu.memory_space<hbm>> -> memref<10000x128xf32, #tpu.memory_space<hbm>>
        tpu.enqueue_indirect_dma source(%dma_start3A_168 : memref<10000x128xf32, #tpu.memory_space<hbm>>) target(%arg13 : memref<128x128xf32, #tpu.memory_space<vmem>>) offsets(%arg8 : memref<128xi32, #tpu.memory_space<vmem>>) semaphore(%arg18 : memref<!tpu.dma_semaphore, #tpu.memory_space<semaphore_mem>>)
        %dma_wait3A_169 = arith.constant 0 : i32
        %dma_wait3A_170 = arith.constant 0 : i32
        %dma_wait3A_171 = tpu.memref_slice %arg2[%dma_wait3A_169, %dma_wait3A_170] : memref<10000x128xf32, #tpu.memory_space<hbm>> -> memref<10000x128xf32, #tpu.memory_space<hbm>>
        tpu.wait_indirect_dma semaphore(%arg18 : memref<!tpu.dma_semaphore, #tpu.memory_space<semaphore_mem>>) src(%dma_wait3A_171 : memref<10000x128xf32, #tpu.memory_space<hbm>>) dst(%arg13 : memref<128x128xf32, #tpu.memory_space<vmem>>)
        "tpu.region"() ({
          %run_scoped3A = tpu.sem_alloc : memref<!tpu.dma_semaphore, #tpu.memory_space<semaphore_mem>>
          %dma_start3A_212 = arith.constant 0 : i32
          %dma_start3A_213 = arith.constant 0 : i32
          %dma_start3A_214 = tpu.memref_slice %arg14[%dma_start3A_212, %dma_start3A_213] : memref<10112x128xf32, #tpu.memory_space<vmem_shared>> -> memref<10112x128xf32, #tpu.memory_space<vmem_shared>>
          tpu.enqueue_indirect_dma source(%arg13 : memref<128x128xf32, #tpu.memory_space<vmem>>) target(%dma_start3A_214 : memref<10112x128xf32, #tpu.memory_space<vmem_shared>>) offsets(%arg11 : memref<128xi32, #tpu.memory_space<vmem>>) semaphore(%run_scoped3A : memref<!tpu.dma_semaphore, #tpu.memory_space<semaphore_mem>>) {add = true}
          %dma_wait3A_215 = arith.constant 0 : i32
          %dma_wait3A_216 = arith.constant 0 : i32
          %dma_wait3A_217 = tpu.memref_slice %arg14[%dma_wait3A_215, %dma_wait3A_216] : memref<10112x128xf32, #tpu.memory_space<vmem_shared>> -> memref<10112x128xf32, #tpu.memory_space<vmem_shared>>
          tpu.wait_indirect_dma semaphore(%run_scoped3A : memref<!tpu.dma_semaphore, #tpu.memory_space<semaphore_mem>>) src(%arg13 : memref<128x128xf32, #tpu.memory_space<vmem>>) dst(%dma_wait3A_217 : memref<10112x128xf32, #tpu.memory_space<vmem_shared>>)
          tpu.yield
        }) : () -> ()
        %mul3A_172 = arith.constant 3 : i32
        %mul3A_173 = arith.muli %scan3A_91, %mul3A_172 : i32
        %add3A_174 = arith.constant 2 : i32
        %add3A_175 = arith.addi %mul3A_173, %add3A_174 : i32
        %add3A_176 = arith.constant 2 : i32
        %add3A_177 = arith.addi %add3A_175, %add3A_176 : i32
        %add3A_178 = arith.addi %add3A_11, %add3A_177 : i32
        %dma_start3A_179 = arith.constant 0 : i32
        %dma_start3A_180 = tpu.memref_slice %arg3[%add3A_178, %dma_start3A_179] : memref<2560x128xi32, #tpu.memory_space<hbm>> -> memref<1x128xi32, #tpu.memory_space<hbm>>
        %dma_start3A_181 = tpu.memref_squeeze %dma_start3A_180 : memref<1x128xi32, #tpu.memory_space<hbm>> -> memref<128xi32, #tpu.memory_space<hbm>>
        %dma_start3A_182 = arith.constant 0 : i32
        %dma_start3A_183 = tpu.memref_slice %arg3[%add3A_178, %dma_start3A_182] : memref<2560x128xi32, #tpu.memory_space<hbm>> -> memref<1x128xi32, #tpu.memory_space<hbm>>
        %dma_start3A_184 = tpu.memref_squeeze %dma_start3A_183 : memref<1x128xi32, #tpu.memory_space<hbm>> -> memref<128xi32, #tpu.memory_space<hbm>>
        tpu.enqueue_dma source(%dma_start3A_184 : memref<128xi32, #tpu.memory_space<hbm>>) target(%arg8 : memref<128xi32, #tpu.memory_space<vmem>>) target_semaphore(%arg16 : memref<!tpu.dma_semaphore, #tpu.memory_space<semaphore_mem>>)
        %add3A_185 = arith.addi %add3A_11, %add3A_177 : i32
        %dma_start3A_186 = arith.constant 0 : i32
        %dma_start3A_187 = tpu.memref_slice %arg4[%add3A_185, %dma_start3A_186] : memref<2560x128xi32, #tpu.memory_space<hbm>> -> memref<1x128xi32, #tpu.memory_space<hbm>>
        %dma_start3A_188 = tpu.memref_squeeze %dma_start3A_187 : memref<1x128xi32, #tpu.memory_space<hbm>> -> memref<128xi32, #tpu.memory_space<hbm>>
        %dma_start3A_189 = arith.constant 0 : i32
        %dma_start3A_190 = tpu.memref_slice %arg4[%add3A_185, %dma_start3A_189] : memref<2560x128xi32, #tpu.memory_space<hbm>> -> memref<1x128xi32, #tpu.memory_space<hbm>>
        %dma_start3A_191 = tpu.memref_squeeze %dma_start3A_190 : memref<1x128xi32, #tpu.memory_space<hbm>> -> memref<128xi32, #tpu.memory_space<hbm>>
        tpu.enqueue_dma source(%dma_start3A_191 : memref<128xi32, #tpu.memory_space<hbm>>) target(%arg11 : memref<128xi32, #tpu.memory_space<vmem>>) target_semaphore(%arg16 : memref<!tpu.dma_semaphore, #tpu.memory_space<semaphore_mem>>)
        %add3A_192 = arith.addi %add3A_11, %add3A_175 : i32
        %dma_wait3A_193 = arith.constant 0 : i32
        %dma_wait3A_194 = tpu.memref_slice %arg3[%add3A_192, %dma_wait3A_193] : memref<2560x128xi32, #tpu.memory_space<hbm>> -> memref<1x128xi32, #tpu.memory_space<hbm>>
        %dma_wait3A_195 = tpu.memref_squeeze %dma_wait3A_194 : memref<1x128xi32, #tpu.memory_space<hbm>> -> memref<128xi32, #tpu.memory_space<hbm>>
        %dma_wait3A_196 = arith.constant 0 : i32
        %dma_wait3A_197 = tpu.memref_slice %arg3[%add3A_192, %dma_wait3A_196] : memref<2560x128xi32, #tpu.memory_space<hbm>> -> memref<1x128xi32, #tpu.memory_space<hbm>>
        %dma_wait3A_198 = tpu.memref_squeeze %dma_wait3A_197 : memref<1x128xi32, #tpu.memory_space<hbm>> -> memref<128xi32, #tpu.memory_space<hbm>>
        tpu.wait_dma2 semaphore(%arg17 : memref<!tpu.dma_semaphore, #tpu.memory_space<semaphore_mem>>) src(%dma_wait3A_198 : memref<128xi32, #tpu.memory_space<hbm>>) dst(%arg9 : memref<128xi32, #tpu.memory_space<vmem>>)
        %add3A_199 = arith.addi %add3A_11, %add3A_175 : i32
        %dma_wait3A_200 = arith.constant 0 : i32
        %dma_wait3A_201 = tpu.memref_slice %arg4[%add3A_199, %dma_wait3A_200] : memref<2560x128xi32, #tpu.memory_space<hbm>> -> memref<1x128xi32, #tpu.memory_space<hbm>>
        %dma_wait3A_202 = tpu.memref_squeeze %dma_wait3A_201 : memref<1x128xi32, #tpu.memory_space<hbm>> -> memref<128xi32, #tpu.memory_space<hbm>>
        %dma_wait3A_203 = arith.constant 0 : i32
        %dma_wait3A_204 = tpu.memref_slice %arg4[%add3A_199, %dma_wait3A_203] : memref<2560x128xi32, #tpu.memory_space<hbm>> -> memref<1x128xi32, #tpu.memory_space<hbm>>
        %dma_wait3A_205 = tpu.memref_squeeze %dma_wait3A_204 : memref<1x128xi32, #tpu.memory_space<hbm>> -> memref<128xi32, #tpu.memory_space<hbm>>
        tpu.wait_dma2 semaphore(%arg17 : memref<!tpu.dma_semaphore, #tpu.memory_space<semaphore_mem>>) src(%dma_wait3A_205 : memref<128xi32, #tpu.memory_space<hbm>>) dst(%arg12 : memref<128xi32, #tpu.memory_space<vmem>>)
        %dma_start3A_206 = arith.constant 0 : i32
        %dma_start3A_207 = arith.constant 0 : i32
        %dma_start3A_208 = tpu.memref_slice %arg2[%dma_start3A_206, %dma_start3A_207] : memref<10000x128xf32, #tpu.memory_space<hbm>> -> memref<10000x128xf32, #tpu.memory_space<hbm>>
        tpu.enqueue_indirect_dma source(%dma_start3A_208 : memref<10000x128xf32, #tpu.memory_space<hbm>>) target(%arg13 : memref<128x128xf32, #tpu.memory_space<vmem>>) offsets(%arg9 : memref<128xi32, #tpu.memory_space<vmem>>) semaphore(%arg18 : memref<!tpu.dma_semaphore, #tpu.memory_space<semaphore_mem>>)
        %dma_wait3A_209 = arith.constant 0 : i32
        %dma_wait3A_210 = arith.constant 0 : i32
        %dma_wait3A_211 = tpu.memref_slice %arg2[%dma_wait3A_209, %dma_wait3A_210] : memref<10000x128xf32, #tpu.memory_space<hbm>> -> memref<10000x128xf32, #tpu.memory_space<hbm>>
        tpu.wait_indirect_dma semaphore(%arg18 : memref<!tpu.dma_semaphore, #tpu.memory_space<semaphore_mem>>) src(%dma_wait3A_211 : memref<10000x128xf32, #tpu.memory_space<hbm>>) dst(%arg13 : memref<128x128xf32, #tpu.memory_space<vmem>>)
        "tpu.region"() ({
          %run_scoped3A = tpu.sem_alloc : memref<!tpu.dma_semaphore, #tpu.memory_space<semaphore_mem>>
          %dma_start3A_212 = arith.constant 0 : i32
          %dma_start3A_213 = arith.constant 0 : i32
          %dma_start3A_214 = tpu.memref_slice %arg14[%dma_start3A_212, %dma_start3A_213] : memref<10112x128xf32, #tpu.memory_space<vmem_shared>> -> memref<10112x128xf32, #tpu.memory_space<vmem_shared>>
          tpu.enqueue_indirect_dma source(%arg13 : memref<128x128xf32, #tpu.memory_space<vmem>>) target(%dma_start3A_214 : memref<10112x128xf32, #tpu.memory_space<vmem_shared>>) offsets(%arg12 : memref<128xi32, #tpu.memory_space<vmem>>) semaphore(%run_scoped3A : memref<!tpu.dma_semaphore, #tpu.memory_space<semaphore_mem>>) {add = true}
          %dma_wait3A_215 = arith.constant 0 : i32
          %dma_wait3A_216 = arith.constant 0 : i32
          %dma_wait3A_217 = tpu.memref_slice %arg14[%dma_wait3A_215, %dma_wait3A_216] : memref<10112x128xf32, #tpu.memory_space<vmem_shared>> -> memref<10112x128xf32, #tpu.memory_space<vmem_shared>>
          tpu.wait_indirect_dma semaphore(%run_scoped3A : memref<!tpu.dma_semaphore, #tpu.memory_space<semaphore_mem>>) src(%arg13 : memref<128x128xf32, #tpu.memory_space<vmem>>) dst(%dma_wait3A_217 : memref<10112x128xf32, #tpu.memory_space<vmem_shared>>)
          tpu.yield
        }) : () -> ()
      }
      %scan3A_47 = arith.constant 6 : i32
      %add3A_48 = arith.constant 18 : i32
      %add3A_49 = arith.addi %add3A_11, %add3A_48 : i32
      %dma_wait3A = arith.constant 0 : i32
      %dma_wait3A_50 = tpu.memref_slice %arg3[%add3A_49, %dma_wait3A] : memref<2560x128xi32, #tpu.memory_space<hbm>> -> memref<1x128xi32, #tpu.memory_space<hbm>>
      %dma_wait3A_51 = tpu.memref_squeeze %dma_wait3A_50 : memref<1x128xi32, #tpu.memory_space<hbm>> -> memref<128xi32, #tpu.memory_space<hbm>>
      %dma_wait3A_52 = arith.constant 0 : i32
      %dma_wait3A_53 = tpu.memref_slice %arg3[%add3A_49, %dma_wait3A_52] : memref<2560x128xi32, #tpu.memory_space<hbm>> -> memref<1x128xi32, #tpu.memory_space<hbm>>
      %dma_wait3A_54 = tpu.memref_squeeze %dma_wait3A_53 : memref<1x128xi32, #tpu.memory_space<hbm>> -> memref<128xi32, #tpu.memory_space<hbm>>
      tpu.wait_dma2 semaphore(%arg15 : memref<!tpu.dma_semaphore, #tpu.memory_space<semaphore_mem>>) src(%dma_wait3A_54 : memref<128xi32, #tpu.memory_space<hbm>>) dst(%arg7 : memref<128xi32, #tpu.memory_space<vmem>>)
      %add3A_55 = arith.constant 18 : i32
      %add3A_56 = arith.addi %add3A_11, %add3A_55 : i32
      %dma_wait3A_57 = arith.constant 0 : i32
      %dma_wait3A_58 = tpu.memref_slice %arg4[%add3A_56, %dma_wait3A_57] : memref<2560x128xi32, #tpu.memory_space<hbm>> -> memref<1x128xi32, #tpu.memory_space<hbm>>
      %dma_wait3A_59 = tpu.memref_squeeze %dma_wait3A_58 : memref<1x128xi32, #tpu.memory_space<hbm>> -> memref<128xi32, #tpu.memory_space<hbm>>
      %dma_wait3A_60 = arith.constant 0 : i32
      %dma_wait3A_61 = tpu.memref_slice %arg4[%add3A_56, %dma_wait3A_60] : memref<2560x128xi32, #tpu.memory_space<hbm>> -> memref<1x128xi32, #tpu.memory_space<hbm>>
      %dma_wait3A_62 = tpu.memref_squeeze %dma_wait3A_61 : memref<1x128xi32, #tpu.memory_space<hbm>> -> memref<128xi32, #tpu.memory_space<hbm>>
      tpu.wait_dma2 semaphore(%arg15 : memref<!tpu.dma_semaphore, #tpu.memory_space<semaphore_mem>>) src(%dma_wait3A_62 : memref<128xi32, #tpu.memory_space<hbm>>) dst(%arg10 : memref<128xi32, #tpu.memory_space<vmem>>)
      %dma_start3A_63 = arith.constant 0 : i32
      %dma_start3A_64 = arith.constant 0 : i32
      %dma_start3A_65 = tpu.memref_slice %arg2[%dma_start3A_63, %dma_start3A_64] : memref<10000x128xf32, #tpu.memory_space<hbm>> -> memref<10000x128xf32, #tpu.memory_space<hbm>>
      tpu.enqueue_indirect_dma source(%dma_start3A_65 : memref<10000x128xf32, #tpu.memory_space<hbm>>) target(%arg13 : memref<128x128xf32, #tpu.memory_space<vmem>>) offsets(%arg7 : memref<128xi32, #tpu.memory_space<vmem>>) semaphore(%arg18 : memref<!tpu.dma_semaphore, #tpu.memory_space<semaphore_mem>>)
      %dma_wait3A_66 = arith.constant 0 : i32
      %dma_wait3A_67 = arith.constant 0 : i32
      %dma_wait3A_68 = tpu.memref_slice %arg2[%dma_wait3A_66, %dma_wait3A_67] : memref<10000x128xf32, #tpu.memory_space<hbm>> -> memref<10000x128xf32, #tpu.memory_space<hbm>>
      tpu.wait_indirect_dma semaphore(%arg18 : memref<!tpu.dma_semaphore, #tpu.memory_space<semaphore_mem>>) src(%dma_wait3A_68 : memref<10000x128xf32, #tpu.memory_space<hbm>>) dst(%arg13 : memref<128x128xf32, #tpu.memory_space<vmem>>)
      "tpu.region"() ({
        %run_scoped3A = tpu.sem_alloc : memref<!tpu.dma_semaphore, #tpu.memory_space<semaphore_mem>>
        %dma_start3A_91 = arith.constant 0 : i32
        %dma_start3A_92 = arith.constant 0 : i32
        %dma_start3A_93 = tpu.memref_slice %arg14[%dma_start3A_91, %dma_start3A_92] : memref<10112x128xf32, #tpu.memory_space<vmem_shared>> -> memref<10112x128xf32, #tpu.memory_space<vmem_shared>>
        tpu.enqueue_indirect_dma source(%arg13 : memref<128x128xf32, #tpu.memory_space<vmem>>) target(%dma_start3A_93 : memref<10112x128xf32, #tpu.memory_space<vmem_shared>>) offsets(%arg10 : memref<128xi32, #tpu.memory_space<vmem>>) semaphore(%run_scoped3A : memref<!tpu.dma_semaphore, #tpu.memory_space<semaphore_mem>>) {add = true}
        %dma_wait3A_94 = arith.constant 0 : i32
        %dma_wait3A_95 = arith.constant 0 : i32
        %dma_wait3A_96 = tpu.memref_slice %arg14[%dma_wait3A_94, %dma_wait3A_95] : memref<10112x128xf32, #tpu.memory_space<vmem_shared>> -> memref<10112x128xf32, #tpu.memory_space<vmem_shared>>
        tpu.wait_indirect_dma semaphore(%run_scoped3A : memref<!tpu.dma_semaphore, #tpu.memory_space<semaphore_mem>>) src(%arg13 : memref<128x128xf32, #tpu.memory_space<vmem>>) dst(%dma_wait3A_96 : memref<10112x128xf32, #tpu.memory_space<vmem_shared>>)
        tpu.yield
      }) : () -> ()
      %add3A_69 = arith.constant 19 : i32
      %add3A_70 = arith.addi %add3A_11, %add3A_69 : i32
      %dma_wait3A_71 = arith.constant 0 : i32
      %dma_wait3A_72 = tpu.memref_slice %arg3[%add3A_70, %dma_wait3A_71] : memref<2560x128xi32, #tpu.memory_space<hbm>> -> memref<1x128xi32, #tpu.memory_space<hbm>>
      %dma_wait3A_73 = tpu.memref_squeeze %dma_wait3A_72 : memref<1x128xi32, #tpu.memory_space<hbm>> -> memref<128xi32, #tpu.memory_space<hbm>>
      %dma_wait3A_74 = arith.constant 0 : i32
      %dma_wait3A_75 = tpu.memref_slice %arg3[%add3A_70, %dma_wait3A_74] : memref<2560x128xi32, #tpu.memory_space<hbm>> -> memref<1x128xi32, #tpu.memory_space<hbm>>
      %dma_wait3A_76 = tpu.memref_squeeze %dma_wait3A_75 : memref<1x128xi32, #tpu.memory_space<hbm>> -> memref<128xi32, #tpu.memory_space<hbm>>
      tpu.wait_dma2 semaphore(%arg16 : memref<!tpu.dma_semaphore, #tpu.memory_space<semaphore_mem>>) src(%dma_wait3A_76 : memref<128xi32, #tpu.memory_space<hbm>>) dst(%arg8 : memref<128xi32, #tpu.memory_space<vmem>>)
      %add3A_77 = arith.constant 19 : i32
      %add3A_78 = arith.addi %add3A_11, %add3A_77 : i32
      %dma_wait3A_79 = arith.constant 0 : i32
      %dma_wait3A_80 = tpu.memref_slice %arg4[%add3A_78, %dma_wait3A_79] : memref<2560x128xi32, #tpu.memory_space<hbm>> -> memref<1x128xi32, #tpu.memory_space<hbm>>
      %dma_wait3A_81 = tpu.memref_squeeze %dma_wait3A_80 : memref<1x128xi32, #tpu.memory_space<hbm>> -> memref<128xi32, #tpu.memory_space<hbm>>
      %dma_wait3A_82 = arith.constant 0 : i32
      %dma_wait3A_83 = tpu.memref_slice %arg4[%add3A_78, %dma_wait3A_82] : memref<2560x128xi32, #tpu.memory_space<hbm>> -> memref<1x128xi32, #tpu.memory_space<hbm>>
      %dma_wait3A_84 = tpu.memref_squeeze %dma_wait3A_83 : memref<1x128xi32, #tpu.memory_space<hbm>> -> memref<128xi32, #tpu.memory_space<hbm>>
      tpu.wait_dma2 semaphore(%arg16 : memref<!tpu.dma_semaphore, #tpu.memory_space<semaphore_mem>>) src(%dma_wait3A_84 : memref<128xi32, #tpu.memory_space<hbm>>) dst(%arg11 : memref<128xi32, #tpu.memory_space<vmem>>)
      %dma_start3A_85 = arith.constant 0 : i32
      %dma_start3A_86 = arith.constant 0 : i32
      %dma_start3A_87 = tpu.memref_slice %arg2[%dma_start3A_85, %dma_start3A_86] : memref<10000x128xf32, #tpu.memory_space<hbm>> -> memref<10000x128xf32, #tpu.memory_space<hbm>>
      tpu.enqueue_indirect_dma source(%dma_start3A_87 : memref<10000x128xf32, #tpu.memory_space<hbm>>) target(%arg13 : memref<128x128xf32, #tpu.memory_space<vmem>>) offsets(%arg8 : memref<128xi32, #tpu.memory_space<vmem>>) semaphore(%arg18 : memref<!tpu.dma_semaphore, #tpu.memory_space<semaphore_mem>>)
      %dma_wait3A_88 = arith.constant 0 : i32
      %dma_wait3A_89 = arith.constant 0 : i32
      %dma_wait3A_90 = tpu.memref_slice %arg2[%dma_wait3A_88, %dma_wait3A_89] : memref<10000x128xf32, #tpu.memory_space<hbm>> -> memref<10000x128xf32, #tpu.memory_space<hbm>>
      tpu.wait_indirect_dma semaphore(%arg18 : memref<!tpu.dma_semaphore, #tpu.memory_space<semaphore_mem>>) src(%dma_wait3A_90 : memref<10000x128xf32, #tpu.memory_space<hbm>>) dst(%arg13 : memref<128x128xf32, #tpu.memory_space<vmem>>)
      "tpu.region"() ({
        %run_scoped3A = tpu.sem_alloc : memref<!tpu.dma_semaphore, #tpu.memory_space<semaphore_mem>>
        %dma_start3A_91 = arith.constant 0 : i32
        %dma_start3A_92 = arith.constant 0 : i32
        %dma_start3A_93 = tpu.memref_slice %arg14[%dma_start3A_91, %dma_start3A_92] : memref<10112x128xf32, #tpu.memory_space<vmem_shared>> -> memref<10112x128xf32, #tpu.memory_space<vmem_shared>>
        tpu.enqueue_indirect_dma source(%arg13 : memref<128x128xf32, #tpu.memory_space<vmem>>) target(%dma_start3A_93 : memref<10112x128xf32, #tpu.memory_space<vmem_shared>>) offsets(%arg11 : memref<128xi32, #tpu.memory_space<vmem>>) semaphore(%run_scoped3A : memref<!tpu.dma_semaphore, #tpu.memory_space<semaphore_mem>>) {add = true}
        %dma_wait3A_94 = arith.constant 0 : i32
        %dma_wait3A_95 = arith.constant 0 : i32
        %dma_wait3A_96 = tpu.memref_slice %arg14[%dma_wait3A_94, %dma_wait3A_95] : memref<10112x128xf32, #tpu.memory_space<vmem_shared>> -> memref<10112x128xf32, #tpu.memory_space<vmem_shared>>
        tpu.wait_indirect_dma semaphore(%run_scoped3A : memref<!tpu.dma_semaphore, #tpu.memory_space<semaphore_mem>>) src(%arg13 : memref<128x128xf32, #tpu.memory_space<vmem>>) dst(%dma_wait3A_96 : memref<10112x128xf32, #tpu.memory_space<vmem_shared>>)
        tpu.yield
      }) : () -> ()
    } else {
    }
    %barrier3A_8 = arith.constant 0 : index
    tpu.barrier barrier_id(%barrier3A_8)
    "tpu.region"() ({
      %run_scoped3A = tpu.sem_alloc : memref<!tpu.dma_semaphore, #tpu.memory_space<semaphore_mem>>
      %dma_start3A = arith.constant 0 : i32
      %dma_start3A_9 = tpu.memref_slice %arg6[%arg0, %mul3A_0, %dma_start3A] : memref<2x10112x128xf32, #tpu.memory_space<hbm>> -> memref<1x632x128xf32, #tpu.memory_space<hbm>>
      %dma_start3A_10 = tpu.memref_squeeze %dma_start3A_9 : memref<1x632x128xf32, #tpu.memory_space<hbm>> -> memref<632x128xf32, #tpu.memory_space<hbm>>
      %dma_start3A_11 = arith.constant 0 : i32
      %dma_start3A_12 = tpu.memref_slice %arg14[%mul3A_0, %dma_start3A_11] : memref<10112x128xf32, #tpu.memory_space<vmem_shared>> -> memref<632x128xf32, #tpu.memory_space<vmem_shared>>
      tpu.enqueue_dma source(%dma_start3A_12 : memref<632x128xf32, #tpu.memory_space<vmem_shared>>) target(%dma_start3A_10 : memref<632x128xf32, #tpu.memory_space<hbm>>) target_semaphore(%run_scoped3A : memref<!tpu.dma_semaphore, #tpu.memory_space<semaphore_mem>>)
      %dma_wait3A = arith.constant 0 : i32
      %dma_wait3A_13 = tpu.memref_slice %arg6[%arg0, %mul3A_0, %dma_wait3A] : memref<2x10112x128xf32, #tpu.memory_space<hbm>> -> memref<1x632x128xf32, #tpu.memory_space<hbm>>
      %dma_wait3A_14 = tpu.memref_squeeze %dma_wait3A_13 : memref<1x632x128xf32, #tpu.memory_space<hbm>> -> memref<632x128xf32, #tpu.memory_space<hbm>>
      %dma_wait3A_15 = arith.constant 0 : i32
      %dma_wait3A_16 = tpu.memref_slice %arg14[%mul3A_0, %dma_wait3A_15] : memref<10112x128xf32, #tpu.memory_space<vmem_shared>> -> memref<632x128xf32, #tpu.memory_space<vmem_shared>>
      tpu.wait_dma2 semaphore(%run_scoped3A : memref<!tpu.dma_semaphore, #tpu.memory_space<semaphore_mem>>) src(%dma_wait3A_16 : memref<632x128xf32, #tpu.memory_space<vmem_shared>>) dst(%dma_wait3A_14 : memref<632x128xf32, #tpu.memory_space<hbm>>)
      tpu.yield
    }) : () -> ()
    return
  }
}

#map = affine_map<(d0, d1) -> (0, 0)>
#map1 = affine_map<(d0, d1) -> (0, 0, 0)>
module attributes {stable_mosaic.version = 14 : i64} {
  func.func @body(%arg0: i32, %arg1: i32, %arg2: memref<2560x128xi32, #tpu.memory_space<hbm>>, %arg3: memref<10112x16xf32, #tpu.memory_space<hbm>>, %arg4: memref<128x16xf32, #tpu.memory_space<hbm>>, %arg5: memref<2x10112x16xf32, #tpu.memory_space<hbm>>, %arg6: memref<80x128xi32, #tpu.memory_space<vmem>>, %arg7: memref<128x16xf32, #tpu.memory_space<vmem>>, %arg8: memref<10112x16xf32, #tpu.memory_space<vmem_shared>>, %arg9: memref<!tpu.dma_semaphore, #tpu.memory_space<semaphore_mem>>) attributes {dimension_semantics = [#tpu.dimension_semantics<core_parallel>, #tpu.dimension_semantics<subcore_parallel>], iteration_bounds = array<i64: 2, 16>, scalar_prefetch = 0 : i64, scratch_operands = 4 : i64, tpu.core_type = #tpu.core_type<sc_vector_subcore>, window_params = [{transform_indices = #map}, {transform_indices = #map}, {transform_indices = #map}, {transform_indices = #map1}]} {
    %mul3A = arith.constant 2 : i32
    %mul3A_0 = arith.muli %arg1, %mul3A : i32
    %add3A = arith.addi %mul3A_0, %arg0 : i32
    %mul3A_1 = arith.constant 632 : i32
    %mul3A_2 = arith.muli %arg1, %mul3A_1 : i32
    %mul3A_3 = arith.constant 80 : i32
    %mul3A_4 = arith.muli %add3A, %mul3A_3 : i32
    "tpu.region"() ({
      %run_scoped3A = tpu.sem_alloc : memref<!tpu.dma_semaphore, #tpu.memory_space<semaphore_mem>>
      %dma_start3A = arith.constant 0 : i32
      %dma_start3A_11 = tpu.memref_slice %arg2[%mul3A_4, %dma_start3A] : memref<2560x128xi32, #tpu.memory_space<hbm>> -> memref<80x128xi32, #tpu.memory_space<hbm>>
      %dma_start3A_12 = arith.constant 0 : i32
      %dma_start3A_13 = tpu.memref_slice %arg2[%mul3A_4, %dma_start3A_12] : memref<2560x128xi32, #tpu.memory_space<hbm>> -> memref<80x128xi32, #tpu.memory_space<hbm>>
      tpu.enqueue_dma source(%dma_start3A_13 : memref<80x128xi32, #tpu.memory_space<hbm>>) target(%arg6 : memref<80x128xi32, #tpu.memory_space<vmem>>) target_semaphore(%run_scoped3A : memref<!tpu.dma_semaphore, #tpu.memory_space<semaphore_mem>>)
      %dma_wait3A = arith.constant 0 : i32
      %dma_wait3A_14 = tpu.memref_slice %arg2[%mul3A_4, %dma_wait3A] : memref<2560x128xi32, #tpu.memory_space<hbm>> -> memref<80x128xi32, #tpu.memory_space<hbm>>
      %dma_wait3A_15 = arith.constant 0 : i32
      %dma_wait3A_16 = tpu.memref_slice %arg2[%mul3A_4, %dma_wait3A_15] : memref<2560x128xi32, #tpu.memory_space<hbm>> -> memref<80x128xi32, #tpu.memory_space<hbm>>
      tpu.wait_dma2 semaphore(%run_scoped3A : memref<!tpu.dma_semaphore, #tpu.memory_space<semaphore_mem>>) src(%dma_wait3A_16 : memref<80x128xi32, #tpu.memory_space<hbm>>) dst(%arg6 : memref<80x128xi32, #tpu.memory_space<vmem>>)
      tpu.yield
    }) : () -> ()
    "tpu.region"() ({
      %run_scoped3A = tpu.sem_alloc : memref<!tpu.dma_semaphore, #tpu.memory_space<semaphore_mem>>
      tpu.enqueue_dma source(%arg4 : memref<128x16xf32, #tpu.memory_space<hbm>>) target(%arg7 : memref<128x16xf32, #tpu.memory_space<vmem>>) target_semaphore(%run_scoped3A : memref<!tpu.dma_semaphore, #tpu.memory_space<semaphore_mem>>)
      tpu.wait_dma2 semaphore(%run_scoped3A : memref<!tpu.dma_semaphore, #tpu.memory_space<semaphore_mem>>) src(%arg4 : memref<128x16xf32, #tpu.memory_space<hbm>>) dst(%arg7 : memref<128x16xf32, #tpu.memory_space<vmem>>)
      tpu.yield
    }) : () -> ()
    "tpu.region"() ({
      %run_scoped3A = tpu.sem_alloc : memref<!tpu.dma_semaphore, #tpu.memory_space<semaphore_mem>>
      %dma_start3A = arith.constant 0 : i32
      %dma_start3A_11 = tpu.memref_slice %arg8[%mul3A_2, %dma_start3A] : memref<10112x16xf32, #tpu.memory_space<vmem_shared>> -> memref<632x16xf32, #tpu.memory_space<vmem_shared>>
      %dma_start3A_12 = arith.constant 0 : i32
      %dma_start3A_13 = tpu.memref_slice %arg3[%mul3A_2, %dma_start3A_12] : memref<10112x16xf32, #tpu.memory_space<hbm>> -> memref<632x16xf32, #tpu.memory_space<hbm>>
      tpu.enqueue_dma source(%dma_start3A_13 : memref<632x16xf32, #tpu.memory_space<hbm>>) target(%dma_start3A_11 : memref<632x16xf32, #tpu.memory_space<vmem_shared>>) target_semaphore(%run_scoped3A : memref<!tpu.dma_semaphore, #tpu.memory_space<semaphore_mem>>)
      %dma_wait3A = arith.constant 0 : i32
      %dma_wait3A_14 = tpu.memref_slice %arg8[%mul3A_2, %dma_wait3A] : memref<10112x16xf32, #tpu.memory_space<vmem_shared>> -> memref<632x16xf32, #tpu.memory_space<vmem_shared>>
      %dma_wait3A_15 = arith.constant 0 : i32
      %dma_wait3A_16 = tpu.memref_slice %arg3[%mul3A_2, %dma_wait3A_15] : memref<10112x16xf32, #tpu.memory_space<hbm>> -> memref<632x16xf32, #tpu.memory_space<hbm>>
      tpu.wait_dma2 semaphore(%run_scoped3A : memref<!tpu.dma_semaphore, #tpu.memory_space<semaphore_mem>>) src(%dma_wait3A_16 : memref<632x16xf32, #tpu.memory_space<hbm>>) dst(%dma_wait3A_14 : memref<632x16xf32, #tpu.memory_space<vmem_shared>>)
      tpu.yield
    }) : () -> ()
    %barrier3A = arith.constant 0 : index
    tpu.barrier barrier_id(%barrier3A)
    %scan3A = arith.constant 0 : i32
    %scan3A_5 = arith.constant 0 : i32
    %scan3A_6 = arith.constant 20 : i32
    %scan3A_7 = arith.addi %scan3A_5, %scan3A_6 : i32
    %scan3A_8 = arith.constant 1 : i32
    scf.for %scan3A_11 = %scan3A_5 to %scan3A_7 step %scan3A_8  : i32 {
      %mul3A_12 = arith.constant 4 : i32
      %mul3A_13 = arith.muli %scan3A_11, %mul3A_12 : i32
      %add3A_14 = arith.constant 0 : i32
      %add3A_15 = arith.addi %mul3A_13, %add3A_14 : i32
      %dma_start3A = arith.constant 0 : i32
      %dma_start3A_16 = tpu.memref_slice %arg6[%add3A_15, %dma_start3A] : memref<80x128xi32, #tpu.memory_space<vmem>> -> memref<1x128xi32, #tpu.memory_space<vmem>>
      %dma_start3A_17 = tpu.memref_squeeze %dma_start3A_16 : memref<1x128xi32, #tpu.memory_space<vmem>> -> memref<128xi32, #tpu.memory_space<vmem>>
      %dma_start3A_18 = arith.constant 0 : i32
      %dma_start3A_19 = arith.constant 0 : i32
      %dma_start3A_20 = tpu.memref_slice %arg8[%dma_start3A_18, %dma_start3A_19] : memref<10112x16xf32, #tpu.memory_space<vmem_shared>> -> memref<10112x16xf32, #tpu.memory_space<vmem_shared>>
      tpu.enqueue_indirect_dma source(%arg7 : memref<128x16xf32, #tpu.memory_space<vmem>>) target(%dma_start3A_20 : memref<10112x16xf32, #tpu.memory_space<vmem_shared>>) offsets(%dma_start3A_17 : memref<128xi32, #tpu.memory_space<vmem>>) semaphore(%arg9 : memref<!tpu.dma_semaphore, #tpu.memory_space<semaphore_mem>>) {add = true}
      %mul3A_21 = arith.constant 4 : i32
      %mul3A_22 = arith.muli %scan3A_11, %mul3A_21 : i32
      %add3A_23 = arith.constant 1 : i32
      %add3A_24 = arith.addi %mul3A_22, %add3A_23 : i32
      %dma_start3A_25 = arith.constant 0 : i32
      %dma_start3A_26 = tpu.memref_slice %arg6[%add3A_24, %dma_start3A_25] : memref<80x128xi32, #tpu.memory_space<vmem>> -> memref<1x128xi32, #tpu.memory_space<vmem>>
      %dma_start3A_27 = tpu.memref_squeeze %dma_start3A_26 : memref<1x128xi32, #tpu.memory_space<vmem>> -> memref<128xi32, #tpu.memory_space<vmem>>
      %dma_start3A_28 = arith.constant 0 : i32
      %dma_start3A_29 = arith.constant 0 : i32
      %dma_start3A_30 = tpu.memref_slice %arg8[%dma_start3A_28, %dma_start3A_29] : memref<10112x16xf32, #tpu.memory_space<vmem_shared>> -> memref<10112x16xf32, #tpu.memory_space<vmem_shared>>
      tpu.enqueue_indirect_dma source(%arg7 : memref<128x16xf32, #tpu.memory_space<vmem>>) target(%dma_start3A_30 : memref<10112x16xf32, #tpu.memory_space<vmem_shared>>) offsets(%dma_start3A_27 : memref<128xi32, #tpu.memory_space<vmem>>) semaphore(%arg9 : memref<!tpu.dma_semaphore, #tpu.memory_space<semaphore_mem>>) {add = true}
      %mul3A_31 = arith.constant 4 : i32
      %mul3A_32 = arith.muli %scan3A_11, %mul3A_31 : i32
      %add3A_33 = arith.constant 2 : i32
      %add3A_34 = arith.addi %mul3A_32, %add3A_33 : i32
      %dma_start3A_35 = arith.constant 0 : i32
      %dma_start3A_36 = tpu.memref_slice %arg6[%add3A_34, %dma_start3A_35] : memref<80x128xi32, #tpu.memory_space<vmem>> -> memref<1x128xi32, #tpu.memory_space<vmem>>
      %dma_start3A_37 = tpu.memref_squeeze %dma_start3A_36 : memref<1x128xi32, #tpu.memory_space<vmem>> -> memref<128xi32, #tpu.memory_space<vmem>>
      %dma_start3A_38 = arith.constant 0 : i32
      %dma_start3A_39 = arith.constant 0 : i32
      %dma_start3A_40 = tpu.memref_slice %arg8[%dma_start3A_38, %dma_start3A_39] : memref<10112x16xf32, #tpu.memory_space<vmem_shared>> -> memref<10112x16xf32, #tpu.memory_space<vmem_shared>>
      tpu.enqueue_indirect_dma source(%arg7 : memref<128x16xf32, #tpu.memory_space<vmem>>) target(%dma_start3A_40 : memref<10112x16xf32, #tpu.memory_space<vmem_shared>>) offsets(%dma_start3A_37 : memref<128xi32, #tpu.memory_space<vmem>>) semaphore(%arg9 : memref<!tpu.dma_semaphore, #tpu.memory_space<semaphore_mem>>) {add = true}
      %mul3A_41 = arith.constant 4 : i32
      %mul3A_42 = arith.muli %scan3A_11, %mul3A_41 : i32
      %add3A_43 = arith.constant 3 : i32
      %add3A_44 = arith.addi %mul3A_42, %add3A_43 : i32
      %dma_start3A_45 = arith.constant 0 : i32
      %dma_start3A_46 = tpu.memref_slice %arg6[%add3A_44, %dma_start3A_45] : memref<80x128xi32, #tpu.memory_space<vmem>> -> memref<1x128xi32, #tpu.memory_space<vmem>>
      %dma_start3A_47 = tpu.memref_squeeze %dma_start3A_46 : memref<1x128xi32, #tpu.memory_space<vmem>> -> memref<128xi32, #tpu.memory_space<vmem>>
      %dma_start3A_48 = arith.constant 0 : i32
      %dma_start3A_49 = arith.constant 0 : i32
      %dma_start3A_50 = tpu.memref_slice %arg8[%dma_start3A_48, %dma_start3A_49] : memref<10112x16xf32, #tpu.memory_space<vmem_shared>> -> memref<10112x16xf32, #tpu.memory_space<vmem_shared>>
      tpu.enqueue_indirect_dma source(%arg7 : memref<128x16xf32, #tpu.memory_space<vmem>>) target(%dma_start3A_50 : memref<10112x16xf32, #tpu.memory_space<vmem_shared>>) offsets(%dma_start3A_47 : memref<128xi32, #tpu.memory_space<vmem>>) semaphore(%arg9 : memref<!tpu.dma_semaphore, #tpu.memory_space<semaphore_mem>>) {add = true}
      %mul3A_51 = arith.constant 4 : i32
      %mul3A_52 = arith.muli %scan3A_11, %mul3A_51 : i32
      %add3A_53 = arith.constant 0 : i32
      %add3A_54 = arith.addi %mul3A_52, %add3A_53 : i32
      %dma_wait3A = arith.constant 0 : i32
      %dma_wait3A_55 = tpu.memref_slice %arg6[%add3A_54, %dma_wait3A] : memref<80x128xi32, #tpu.memory_space<vmem>> -> memref<1x128xi32, #tpu.memory_space<vmem>>
      %dma_wait3A_56 = tpu.memref_squeeze %dma_wait3A_55 : memref<1x128xi32, #tpu.memory_space<vmem>> -> memref<128xi32, #tpu.memory_space<vmem>>
      %dma_wait3A_57 = arith.constant 0 : i32
      %dma_wait3A_58 = arith.constant 0 : i32
      %dma_wait3A_59 = tpu.memref_slice %arg8[%dma_wait3A_57, %dma_wait3A_58] : memref<10112x16xf32, #tpu.memory_space<vmem_shared>> -> memref<10112x16xf32, #tpu.memory_space<vmem_shared>>
      tpu.wait_indirect_dma semaphore(%arg9 : memref<!tpu.dma_semaphore, #tpu.memory_space<semaphore_mem>>) src(%arg7 : memref<128x16xf32, #tpu.memory_space<vmem>>) dst(%dma_wait3A_59 : memref<10112x16xf32, #tpu.memory_space<vmem_shared>>)
      %mul3A_60 = arith.constant 4 : i32
      %mul3A_61 = arith.muli %scan3A_11, %mul3A_60 : i32
      %add3A_62 = arith.constant 1 : i32
      %add3A_63 = arith.addi %mul3A_61, %add3A_62 : i32
      %dma_wait3A_64 = arith.constant 0 : i32
      %dma_wait3A_65 = tpu.memref_slice %arg6[%add3A_63, %dma_wait3A_64] : memref<80x128xi32, #tpu.memory_space<vmem>> -> memref<1x128xi32, #tpu.memory_space<vmem>>
      %dma_wait3A_66 = tpu.memref_squeeze %dma_wait3A_65 : memref<1x128xi32, #tpu.memory_space<vmem>> -> memref<128xi32, #tpu.memory_space<vmem>>
      %dma_wait3A_67 = arith.constant 0 : i32
      %dma_wait3A_68 = arith.constant 0 : i32
      %dma_wait3A_69 = tpu.memref_slice %arg8[%dma_wait3A_67, %dma_wait3A_68] : memref<10112x16xf32, #tpu.memory_space<vmem_shared>> -> memref<10112x16xf32, #tpu.memory_space<vmem_shared>>
      tpu.wait_indirect_dma semaphore(%arg9 : memref<!tpu.dma_semaphore, #tpu.memory_space<semaphore_mem>>) src(%arg7 : memref<128x16xf32, #tpu.memory_space<vmem>>) dst(%dma_wait3A_69 : memref<10112x16xf32, #tpu.memory_space<vmem_shared>>)
      %mul3A_70 = arith.constant 4 : i32
      %mul3A_71 = arith.muli %scan3A_11, %mul3A_70 : i32
      %add3A_72 = arith.constant 2 : i32
      %add3A_73 = arith.addi %mul3A_71, %add3A_72 : i32
      %dma_wait3A_74 = arith.constant 0 : i32
      %dma_wait3A_75 = tpu.memref_slice %arg6[%add3A_73, %dma_wait3A_74] : memref<80x128xi32, #tpu.memory_space<vmem>> -> memref<1x128xi32, #tpu.memory_space<vmem>>
      %dma_wait3A_76 = tpu.memref_squeeze %dma_wait3A_75 : memref<1x128xi32, #tpu.memory_space<vmem>> -> memref<128xi32, #tpu.memory_space<vmem>>
      %dma_wait3A_77 = arith.constant 0 : i32
      %dma_wait3A_78 = arith.constant 0 : i32
      %dma_wait3A_79 = tpu.memref_slice %arg8[%dma_wait3A_77, %dma_wait3A_78] : memref<10112x16xf32, #tpu.memory_space<vmem_shared>> -> memref<10112x16xf32, #tpu.memory_space<vmem_shared>>
      tpu.wait_indirect_dma semaphore(%arg9 : memref<!tpu.dma_semaphore, #tpu.memory_space<semaphore_mem>>) src(%arg7 : memref<128x16xf32, #tpu.memory_space<vmem>>) dst(%dma_wait3A_79 : memref<10112x16xf32, #tpu.memory_space<vmem_shared>>)
      %mul3A_80 = arith.constant 4 : i32
      %mul3A_81 = arith.muli %scan3A_11, %mul3A_80 : i32
      %add3A_82 = arith.constant 3 : i32
      %add3A_83 = arith.addi %mul3A_81, %add3A_82 : i32
      %dma_wait3A_84 = arith.constant 0 : i32
      %dma_wait3A_85 = tpu.memref_slice %arg6[%add3A_83, %dma_wait3A_84] : memref<80x128xi32, #tpu.memory_space<vmem>> -> memref<1x128xi32, #tpu.memory_space<vmem>>
      %dma_wait3A_86 = tpu.memref_squeeze %dma_wait3A_85 : memref<1x128xi32, #tpu.memory_space<vmem>> -> memref<128xi32, #tpu.memory_space<vmem>>
      %dma_wait3A_87 = arith.constant 0 : i32
      %dma_wait3A_88 = arith.constant 0 : i32
      %dma_wait3A_89 = tpu.memref_slice %arg8[%dma_wait3A_87, %dma_wait3A_88] : memref<10112x16xf32, #tpu.memory_space<vmem_shared>> -> memref<10112x16xf32, #tpu.memory_space<vmem_shared>>
      tpu.wait_indirect_dma semaphore(%arg9 : memref<!tpu.dma_semaphore, #tpu.memory_space<semaphore_mem>>) src(%arg7 : memref<128x16xf32, #tpu.memory_space<vmem>>) dst(%dma_wait3A_89 : memref<10112x16xf32, #tpu.memory_space<vmem_shared>>)
    }
    %scan3A_9 = arith.constant 20 : i32
    %barrier3A_10 = arith.constant 0 : index
    tpu.barrier barrier_id(%barrier3A_10)
    "tpu.region"() ({
      %run_scoped3A = tpu.sem_alloc : memref<!tpu.dma_semaphore, #tpu.memory_space<semaphore_mem>>
      %dma_start3A = arith.constant 0 : i32
      %dma_start3A_11 = tpu.memref_slice %arg5[%arg0, %mul3A_2, %dma_start3A] : memref<2x10112x16xf32, #tpu.memory_space<hbm>> -> memref<1x632x16xf32, #tpu.memory_space<hbm>>
      %dma_start3A_12 = tpu.memref_squeeze %dma_start3A_11 : memref<1x632x16xf32, #tpu.memory_space<hbm>> -> memref<632x16xf32, #tpu.memory_space<hbm>>
      %dma_start3A_13 = arith.constant 0 : i32
      %dma_start3A_14 = tpu.memref_slice %arg8[%mul3A_2, %dma_start3A_13] : memref<10112x16xf32, #tpu.memory_space<vmem_shared>> -> memref<632x16xf32, #tpu.memory_space<vmem_shared>>
      tpu.enqueue_dma source(%dma_start3A_14 : memref<632x16xf32, #tpu.memory_space<vmem_shared>>) target(%dma_start3A_12 : memref<632x16xf32, #tpu.memory_space<hbm>>) target_semaphore(%run_scoped3A : memref<!tpu.dma_semaphore, #tpu.memory_space<semaphore_mem>>)
      %dma_wait3A = arith.constant 0 : i32
      %dma_wait3A_15 = tpu.memref_slice %arg5[%arg0, %mul3A_2, %dma_wait3A] : memref<2x10112x16xf32, #tpu.memory_space<hbm>> -> memref<1x632x16xf32, #tpu.memory_space<hbm>>
      %dma_wait3A_16 = tpu.memref_squeeze %dma_wait3A_15 : memref<1x632x16xf32, #tpu.memory_space<hbm>> -> memref<632x16xf32, #tpu.memory_space<hbm>>
      %dma_wait3A_17 = arith.constant 0 : i32
      %dma_wait3A_18 = tpu.memref_slice %arg8[%mul3A_2, %dma_wait3A_17] : memref<10112x16xf32, #tpu.memory_space<vmem_shared>> -> memref<632x16xf32, #tpu.memory_space<vmem_shared>>
      tpu.wait_dma2 semaphore(%run_scoped3A : memref<!tpu.dma_semaphore, #tpu.memory_space<semaphore_mem>>) src(%dma_wait3A_18 : memref<632x16xf32, #tpu.memory_space<vmem_shared>>) dst(%dma_wait3A_16 : memref<632x16xf32, #tpu.memory_space<hbm>>)
      tpu.yield
    }) : () -> ()
    return
  }
}

#map = affine_map<(d0, d1) -> (0, 0)>
#map1 = affine_map<(d0, d1) -> (0, 0, 0)>
module attributes {stable_mosaic.version = 14 : i64} {
  func.func @body(%arg0: i32, %arg1: i32, %arg2: memref<10000x128xf32, #tpu.memory_space<hbm>>, %arg3: memref<2560x128xi32, #tpu.memory_space<hbm>>, %arg4: memref<2560x128xi32, #tpu.memory_space<hbm>>, %arg5: memref<10112x128xf32, #tpu.memory_space<hbm>>, %arg6: memref<2x10112x128xf32, #tpu.memory_space<hbm>>, %arg7: memref<128xi32, #tpu.memory_space<vmem>>, %arg8: memref<128xi32, #tpu.memory_space<vmem>>, %arg9: memref<128xi32, #tpu.memory_space<vmem>>, %arg10: memref<128xi32, #tpu.memory_space<vmem>>, %arg11: memref<128xi32, #tpu.memory_space<vmem>>, %arg12: memref<128xi32, #tpu.memory_space<vmem>>, %arg13: memref<128x128xf32, #tpu.memory_space<vmem>>, %arg14: memref<10112x128xf32, #tpu.memory_space<vmem_shared>>, %arg15: memref<!tpu.dma_semaphore, #tpu.memory_space<semaphore_mem>>, %arg16: memref<!tpu.dma_semaphore, #tpu.memory_space<semaphore_mem>>, %arg17: memref<!tpu.dma_semaphore, #tpu.memory_space<semaphore_mem>>, %arg18: memref<!tpu.dma_semaphore, #tpu.memory_space<semaphore_mem>>) attributes {dimension_semantics = [#tpu.dimension_semantics<core_parallel>, #tpu.dimension_semantics<subcore_parallel>], iteration_bounds = array<i64: 2, 16>, scalar_prefetch = 0 : i64, scratch_operands = 12 : i64, tpu.core_type = #tpu.core_type<sc_vector_subcore>, window_params = [{transform_indices = #map}, {transform_indices = #map}, {transform_indices = #map}, {transform_indices = #map}, {transform_indices = #map1}]} {
    %mul3A = arith.constant 632 : i32
    %mul3A_0 = arith.muli %arg1, %mul3A : i32
    "tpu.region"() ({
      %run_scoped3A = tpu.sem_alloc : memref<!tpu.dma_semaphore, #tpu.memory_space<semaphore_mem>>
      %dma_start3A = arith.constant 0 : i32
      %dma_start3A_9 = tpu.memref_slice %arg14[%mul3A_0, %dma_start3A] : memref<10112x128xf32, #tpu.memory_space<vmem_shared>> -> memref<632x128xf32, #tpu.memory_space<vmem_shared>>
      %dma_start3A_10 = arith.constant 0 : i32
      %dma_start3A_11 = tpu.memref_slice %arg5[%mul3A_0, %dma_start3A_10] : memref<10112x128xf32, #tpu.memory_space<hbm>> -> memref<632x128xf32, #tpu.memory_space<hbm>>
      tpu.enqueue_dma source(%dma_start3A_11 : memref<632x128xf32, #tpu.memory_space<hbm>>) target(%dma_start3A_9 : memref<632x128xf32, #tpu.memory_space<vmem_shared>>) target_semaphore(%run_scoped3A : memref<!tpu.dma_semaphore, #tpu.memory_space<semaphore_mem>>)
      %dma_wait3A = arith.constant 0 : i32
      %dma_wait3A_12 = tpu.memref_slice %arg14[%mul3A_0, %dma_wait3A] : memref<10112x128xf32, #tpu.memory_space<vmem_shared>> -> memref<632x128xf32, #tpu.memory_space<vmem_shared>>
      %dma_wait3A_13 = arith.constant 0 : i32
      %dma_wait3A_14 = tpu.memref_slice %arg5[%mul3A_0, %dma_wait3A_13] : memref<10112x128xf32, #tpu.memory_space<hbm>> -> memref<632x128xf32, #tpu.memory_space<hbm>>
      tpu.wait_dma2 semaphore(%run_scoped3A : memref<!tpu.dma_semaphore, #tpu.memory_space<semaphore_mem>>) src(%dma_wait3A_14 : memref<632x128xf32, #tpu.memory_space<hbm>>) dst(%dma_wait3A_12 : memref<632x128xf32, #tpu.memory_space<vmem_shared>>)
      tpu.yield
    }) : () -> ()
    %barrier3A = arith.constant 0 : index
    tpu.barrier barrier_id(%barrier3A)
    %eq3A = arith.constant 0 : i32
    %eq3A_1 = arith.cmpi eq, %arg0, %eq3A : i32
    %convert_element_type3A = arith.extui %eq3A_1 : i1 to i32
    %cond3A = arith.constant 0 : i32
    %cond3A_2 = arith.cmpi ne, %convert_element_type3A, %cond3A : i32
    scf.if %cond3A_2 {
      %mul3A_9 = arith.constant 140 : i32
      %mul3A_10 = arith.muli %arg1, %mul3A_9 : i32
      %add3A = arith.constant 0 : i32
      %add3A_11 = arith.addi %mul3A_10, %add3A : i32
      %dma_start3A = arith.constant 0 : i32
      %dma_start3A_12 = tpu.memref_slice %arg3[%add3A_11, %dma_start3A] : memref<2560x128xi32, #tpu.memory_space<hbm>> -> memref<1x128xi32, #tpu.memory_space<hbm>>
      %dma_start3A_13 = tpu.memref_squeeze %dma_start3A_12 : memref<1x128xi32, #tpu.memory_space<hbm>> -> memref<128xi32, #tpu.memory_space<hbm>>
      %dma_start3A_14 = arith.constant 0 : i32
      %dma_start3A_15 = tpu.memref_slice %arg3[%add3A_11, %dma_start3A_14] : memref<2560x128xi32, #tpu.memory_space<hbm>> -> memref<1x128xi32, #tpu.memory_space<hbm>>
      %dma_start3A_16 = tpu.memref_squeeze %dma_start3A_15 : memref<1x128xi32, #tpu.memory_space<hbm>> -> memref<128xi32, #tpu.memory_space<hbm>>
      tpu.enqueue_dma source(%dma_start3A_16 : memref<128xi32, #tpu.memory_space<hbm>>) target(%arg7 : memref<128xi32, #tpu.memory_space<vmem>>) target_semaphore(%arg15 : memref<!tpu.dma_semaphore, #tpu.memory_space<semaphore_mem>>)
      %add3A_17 = arith.constant 0 : i32
      %add3A_18 = arith.addi %mul3A_10, %add3A_17 : i32
      %dma_start3A_19 = arith.constant 0 : i32
      %dma_start3A_20 = tpu.memref_slice %arg4[%add3A_18, %dma_start3A_19] : memref<2560x128xi32, #tpu.memory_space<hbm>> -> memref<1x128xi32, #tpu.memory_space<hbm>>
      %dma_start3A_21 = tpu.memref_squeeze %dma_start3A_20 : memref<1x128xi32, #tpu.memory_space<hbm>> -> memref<128xi32, #tpu.memory_space<hbm>>
      %dma_start3A_22 = arith.constant 0 : i32
      %dma_start3A_23 = tpu.memref_slice %arg4[%add3A_18, %dma_start3A_22] : memref<2560x128xi32, #tpu.memory_space<hbm>> -> memref<1x128xi32, #tpu.memory_space<hbm>>
      %dma_start3A_24 = tpu.memref_squeeze %dma_start3A_23 : memref<1x128xi32, #tpu.memory_space<hbm>> -> memref<128xi32, #tpu.memory_space<hbm>>
      tpu.enqueue_dma source(%dma_start3A_24 : memref<128xi32, #tpu.memory_space<hbm>>) target(%arg10 : memref<128xi32, #tpu.memory_space<vmem>>) target_semaphore(%arg15 : memref<!tpu.dma_semaphore, #tpu.memory_space<semaphore_mem>>)
      %add3A_25 = arith.constant 1 : i32
      %add3A_26 = arith.addi %mul3A_10, %add3A_25 : i32
      %dma_start3A_27 = arith.constant 0 : i32
      %dma_start3A_28 = tpu.memref_slice %arg3[%add3A_26, %dma_start3A_27] : memref<2560x128xi32, #tpu.memory_space<hbm>> -> memref<1x128xi32, #tpu.memory_space<hbm>>
      %dma_start3A_29 = tpu.memref_squeeze %dma_start3A_28 : memref<1x128xi32, #tpu.memory_space<hbm>> -> memref<128xi32, #tpu.memory_space<hbm>>
      %dma_start3A_30 = arith.constant 0 : i32
      %dma_start3A_31 = tpu.memref_slice %arg3[%add3A_26, %dma_start3A_30] : memref<2560x128xi32, #tpu.memory_space<hbm>> -> memref<1x128xi32, #tpu.memory_space<hbm>>
      %dma_start3A_32 = tpu.memref_squeeze %dma_start3A_31 : memref<1x128xi32, #tpu.memory_space<hbm>> -> memref<128xi32, #tpu.memory_space<hbm>>
      tpu.enqueue_dma source(%dma_start3A_32 : memref<128xi32, #tpu.memory_space<hbm>>) target(%arg8 : memref<128xi32, #tpu.memory_space<vmem>>) target_semaphore(%arg16 : memref<!tpu.dma_semaphore, #tpu.memory_space<semaphore_mem>>)
      %add3A_33 = arith.constant 1 : i32
      %add3A_34 = arith.addi %mul3A_10, %add3A_33 : i32
      %dma_start3A_35 = arith.constant 0 : i32
      %dma_start3A_36 = tpu.memref_slice %arg4[%add3A_34, %dma_start3A_35] : memref<2560x128xi32, #tpu.memory_space<hbm>> -> memref<1x128xi32, #tpu.memory_space<hbm>>
      %dma_start3A_37 = tpu.memref_squeeze %dma_start3A_36 : memref<1x128xi32, #tpu.memory_space<hbm>> -> memref<128xi32, #tpu.memory_space<hbm>>
      %dma_start3A_38 = arith.constant 0 : i32
      %dma_start3A_39 = tpu.memref_slice %arg4[%add3A_34, %dma_start3A_38] : memref<2560x128xi32, #tpu.memory_space<hbm>> -> memref<1x128xi32, #tpu.memory_space<hbm>>
      %dma_start3A_40 = tpu.memref_squeeze %dma_start3A_39 : memref<1x128xi32, #tpu.memory_space<hbm>> -> memref<128xi32, #tpu.memory_space<hbm>>
      tpu.enqueue_dma source(%dma_start3A_40 : memref<128xi32, #tpu.memory_space<hbm>>) target(%arg11 : memref<128xi32, #tpu.memory_space<vmem>>) target_semaphore(%arg16 : memref<!tpu.dma_semaphore, #tpu.memory_space<semaphore_mem>>)
      %scan3A = arith.constant 0 : i32
      %scan3A_41 = arith.constant 0 : i32
      %scan3A_42 = arith.constant 46 : i32
      %scan3A_43 = arith.addi %scan3A_41, %scan3A_42 : i32
      %scan3A_44 = arith.constant 1 : i32
      scf.for %scan3A_89 = %scan3A_41 to %scan3A_43 step %scan3A_44  : i32 {
        %mul3A_90 = arith.constant 3 : i32
        %mul3A_91 = arith.muli %scan3A_89, %mul3A_90 : i32
        %add3A_92 = arith.constant 0 : i32
        %add3A_93 = arith.addi %mul3A_91, %add3A_92 : i32
        %add3A_94 = arith.constant 2 : i32
        %add3A_95 = arith.addi %add3A_93, %add3A_94 : i32
        %add3A_96 = arith.addi %mul3A_10, %add3A_95 : i32
        %dma_start3A_97 = arith.constant 0 : i32
        %dma_start3A_98 = tpu.memref_slice %arg3[%add3A_96, %dma_start3A_97] : memref<2560x128xi32, #tpu.memory_space<hbm>> -> memref<1x128xi32, #tpu.memory_space<hbm>>
        %dma_start3A_99 = tpu.memref_squeeze %dma_start3A_98 : memref<1x128xi32, #tpu.memory_space<hbm>> -> memref<128xi32, #tpu.memory_space<hbm>>
        %dma_start3A_100 = arith.constant 0 : i32
        %dma_start3A_101 = tpu.memref_slice %arg3[%add3A_96, %dma_start3A_100] : memref<2560x128xi32, #tpu.memory_space<hbm>> -> memref<1x128xi32, #tpu.memory_space<hbm>>
        %dma_start3A_102 = tpu.memref_squeeze %dma_start3A_101 : memref<1x128xi32, #tpu.memory_space<hbm>> -> memref<128xi32, #tpu.memory_space<hbm>>
        tpu.enqueue_dma source(%dma_start3A_102 : memref<128xi32, #tpu.memory_space<hbm>>) target(%arg9 : memref<128xi32, #tpu.memory_space<vmem>>) target_semaphore(%arg17 : memref<!tpu.dma_semaphore, #tpu.memory_space<semaphore_mem>>)
        %add3A_103 = arith.addi %mul3A_10, %add3A_95 : i32
        %dma_start3A_104 = arith.constant 0 : i32
        %dma_start3A_105 = tpu.memref_slice %arg4[%add3A_103, %dma_start3A_104] : memref<2560x128xi32, #tpu.memory_space<hbm>> -> memref<1x128xi32, #tpu.memory_space<hbm>>
        %dma_start3A_106 = tpu.memref_squeeze %dma_start3A_105 : memref<1x128xi32, #tpu.memory_space<hbm>> -> memref<128xi32, #tpu.memory_space<hbm>>
        %dma_start3A_107 = arith.constant 0 : i32
        %dma_start3A_108 = tpu.memref_slice %arg4[%add3A_103, %dma_start3A_107] : memref<2560x128xi32, #tpu.memory_space<hbm>> -> memref<1x128xi32, #tpu.memory_space<hbm>>
        %dma_start3A_109 = tpu.memref_squeeze %dma_start3A_108 : memref<1x128xi32, #tpu.memory_space<hbm>> -> memref<128xi32, #tpu.memory_space<hbm>>
        tpu.enqueue_dma source(%dma_start3A_109 : memref<128xi32, #tpu.memory_space<hbm>>) target(%arg12 : memref<128xi32, #tpu.memory_space<vmem>>) target_semaphore(%arg17 : memref<!tpu.dma_semaphore, #tpu.memory_space<semaphore_mem>>)
        %add3A_110 = arith.addi %mul3A_10, %add3A_93 : i32
        %dma_wait3A_111 = arith.constant 0 : i32
        %dma_wait3A_112 = tpu.memref_slice %arg3[%add3A_110, %dma_wait3A_111] : memref<2560x128xi32, #tpu.memory_space<hbm>> -> memref<1x128xi32, #tpu.memory_space<hbm>>
        %dma_wait3A_113 = tpu.memref_squeeze %dma_wait3A_112 : memref<1x128xi32, #tpu.memory_space<hbm>> -> memref<128xi32, #tpu.memory_space<hbm>>
        %dma_wait3A_114 = arith.constant 0 : i32
        %dma_wait3A_115 = tpu.memref_slice %arg3[%add3A_110, %dma_wait3A_114] : memref<2560x128xi32, #tpu.memory_space<hbm>> -> memref<1x128xi32, #tpu.memory_space<hbm>>
        %dma_wait3A_116 = tpu.memref_squeeze %dma_wait3A_115 : memref<1x128xi32, #tpu.memory_space<hbm>> -> memref<128xi32, #tpu.memory_space<hbm>>
        tpu.wait_dma2 semaphore(%arg15 : memref<!tpu.dma_semaphore, #tpu.memory_space<semaphore_mem>>) src(%dma_wait3A_116 : memref<128xi32, #tpu.memory_space<hbm>>) dst(%arg7 : memref<128xi32, #tpu.memory_space<vmem>>)
        %add3A_117 = arith.addi %mul3A_10, %add3A_93 : i32
        %dma_wait3A_118 = arith.constant 0 : i32
        %dma_wait3A_119 = tpu.memref_slice %arg4[%add3A_117, %dma_wait3A_118] : memref<2560x128xi32, #tpu.memory_space<hbm>> -> memref<1x128xi32, #tpu.memory_space<hbm>>
        %dma_wait3A_120 = tpu.memref_squeeze %dma_wait3A_119 : memref<1x128xi32, #tpu.memory_space<hbm>> -> memref<128xi32, #tpu.memory_space<hbm>>
        %dma_wait3A_121 = arith.constant 0 : i32
        %dma_wait3A_122 = tpu.memref_slice %arg4[%add3A_117, %dma_wait3A_121] : memref<2560x128xi32, #tpu.memory_space<hbm>> -> memref<1x128xi32, #tpu.memory_space<hbm>>
        %dma_wait3A_123 = tpu.memref_squeeze %dma_wait3A_122 : memref<1x128xi32, #tpu.memory_space<hbm>> -> memref<128xi32, #tpu.memory_space<hbm>>
        tpu.wait_dma2 semaphore(%arg15 : memref<!tpu.dma_semaphore, #tpu.memory_space<semaphore_mem>>) src(%dma_wait3A_123 : memref<128xi32, #tpu.memory_space<hbm>>) dst(%arg10 : memref<128xi32, #tpu.memory_space<vmem>>)
        %dma_start3A_124 = arith.constant 0 : i32
        %dma_start3A_125 = arith.constant 0 : i32
        %dma_start3A_126 = tpu.memref_slice %arg2[%dma_start3A_124, %dma_start3A_125] : memref<10000x128xf32, #tpu.memory_space<hbm>> -> memref<10000x128xf32, #tpu.memory_space<hbm>>
        tpu.enqueue_indirect_dma source(%dma_start3A_126 : memref<10000x128xf32, #tpu.memory_space<hbm>>) target(%arg13 : memref<128x128xf32, #tpu.memory_space<vmem>>) offsets(%arg7 : memref<128xi32, #tpu.memory_space<vmem>>) semaphore(%arg18 : memref<!tpu.dma_semaphore, #tpu.memory_space<semaphore_mem>>)
        %dma_wait3A_127 = arith.constant 0 : i32
        %dma_wait3A_128 = arith.constant 0 : i32
        %dma_wait3A_129 = tpu.memref_slice %arg2[%dma_wait3A_127, %dma_wait3A_128] : memref<10000x128xf32, #tpu.memory_space<hbm>> -> memref<10000x128xf32, #tpu.memory_space<hbm>>
        tpu.wait_indirect_dma semaphore(%arg18 : memref<!tpu.dma_semaphore, #tpu.memory_space<semaphore_mem>>) src(%dma_wait3A_129 : memref<10000x128xf32, #tpu.memory_space<hbm>>) dst(%arg13 : memref<128x128xf32, #tpu.memory_space<vmem>>)
        "tpu.region"() ({
          %run_scoped3A = tpu.sem_alloc : memref<!tpu.dma_semaphore, #tpu.memory_space<semaphore_mem>>
          %dma_start3A_210 = arith.constant 0 : i32
          %dma_start3A_211 = arith.constant 0 : i32
          %dma_start3A_212 = tpu.memref_slice %arg14[%dma_start3A_210, %dma_start3A_211] : memref<10112x128xf32, #tpu.memory_space<vmem_shared>> -> memref<10112x128xf32, #tpu.memory_space<vmem_shared>>
          tpu.enqueue_indirect_dma source(%arg13 : memref<128x128xf32, #tpu.memory_space<vmem>>) target(%dma_start3A_212 : memref<10112x128xf32, #tpu.memory_space<vmem_shared>>) offsets(%arg10 : memref<128xi32, #tpu.memory_space<vmem>>) semaphore(%run_scoped3A : memref<!tpu.dma_semaphore, #tpu.memory_space<semaphore_mem>>) {add = true}
          %dma_wait3A_213 = arith.constant 0 : i32
          %dma_wait3A_214 = arith.constant 0 : i32
          %dma_wait3A_215 = tpu.memref_slice %arg14[%dma_wait3A_213, %dma_wait3A_214] : memref<10112x128xf32, #tpu.memory_space<vmem_shared>> -> memref<10112x128xf32, #tpu.memory_space<vmem_shared>>
          tpu.wait_indirect_dma semaphore(%run_scoped3A : memref<!tpu.dma_semaphore, #tpu.memory_space<semaphore_mem>>) src(%arg13 : memref<128x128xf32, #tpu.memory_space<vmem>>) dst(%dma_wait3A_215 : memref<10112x128xf32, #tpu.memory_space<vmem_shared>>)
          tpu.yield
        }) : () -> ()
        %mul3A_130 = arith.constant 3 : i32
        %mul3A_131 = arith.muli %scan3A_89, %mul3A_130 : i32
        %add3A_132 = arith.constant 1 : i32
        %add3A_133 = arith.addi %mul3A_131, %add3A_132 : i32
        %add3A_134 = arith.constant 2 : i32
        %add3A_135 = arith.addi %add3A_133, %add3A_134 : i32
        %add3A_136 = arith.addi %mul3A_10, %add3A_135 : i32
        %dma_start3A_137 = arith.constant 0 : i32
        %dma_start3A_138 = tpu.memref_slice %arg3[%add3A_136, %dma_start3A_137] : memref<2560x128xi32, #tpu.memory_space<hbm>> -> memref<1x128xi32, #tpu.memory_space<hbm>>
        %dma_start3A_139 = tpu.memref_squeeze %dma_start3A_138 : memref<1x128xi32, #tpu.memory_space<hbm>> -> memref<128xi32, #tpu.memory_space<hbm>>
        %dma_start3A_140 = arith.constant 0 : i32
        %dma_start3A_141 = tpu.memref_slice %arg3[%add3A_136, %dma_start3A_140] : memref<2560x128xi32, #tpu.memory_space<hbm>> -> memref<1x128xi32, #tpu.memory_space<hbm>>
        %dma_start3A_142 = tpu.memref_squeeze %dma_start3A_141 : memref<1x128xi32, #tpu.memory_space<hbm>> -> memref<128xi32, #tpu.memory_space<hbm>>
        tpu.enqueue_dma source(%dma_start3A_142 : memref<128xi32, #tpu.memory_space<hbm>>) target(%arg7 : memref<128xi32, #tpu.memory_space<vmem>>) target_semaphore(%arg15 : memref<!tpu.dma_semaphore, #tpu.memory_space<semaphore_mem>>)
        %add3A_143 = arith.addi %mul3A_10, %add3A_135 : i32
        %dma_start3A_144 = arith.constant 0 : i32
        %dma_start3A_145 = tpu.memref_slice %arg4[%add3A_143, %dma_start3A_144] : memref<2560x128xi32, #tpu.memory_space<hbm>> -> memref<1x128xi32, #tpu.memory_space<hbm>>
        %dma_start3A_146 = tpu.memref_squeeze %dma_start3A_145 : memref<1x128xi32, #tpu.memory_space<hbm>> -> memref<128xi32, #tpu.memory_space<hbm>>
        %dma_start3A_147 = arith.constant 0 : i32
        %dma_start3A_148 = tpu.memref_slice %arg4[%add3A_143, %dma_start3A_147] : memref<2560x128xi32, #tpu.memory_space<hbm>> -> memref<1x128xi32, #tpu.memory_space<hbm>>
        %dma_start3A_149 = tpu.memref_squeeze %dma_start3A_148 : memref<1x128xi32, #tpu.memory_space<hbm>> -> memref<128xi32, #tpu.memory_space<hbm>>
        tpu.enqueue_dma source(%dma_start3A_149 : memref<128xi32, #tpu.memory_space<hbm>>) target(%arg10 : memref<128xi32, #tpu.memory_space<vmem>>) target_semaphore(%arg15 : memref<!tpu.dma_semaphore, #tpu.memory_space<semaphore_mem>>)
        %add3A_150 = arith.addi %mul3A_10, %add3A_133 : i32
        %dma_wait3A_151 = arith.constant 0 : i32
        %dma_wait3A_152 = tpu.memref_slice %arg3[%add3A_150, %dma_wait3A_151] : memref<2560x128xi32, #tpu.memory_space<hbm>> -> memref<1x128xi32, #tpu.memory_space<hbm>>
        %dma_wait3A_153 = tpu.memref_squeeze %dma_wait3A_152 : memref<1x128xi32, #tpu.memory_space<hbm>> -> memref<128xi32, #tpu.memory_space<hbm>>
        %dma_wait3A_154 = arith.constant 0 : i32
        %dma_wait3A_155 = tpu.memref_slice %arg3[%add3A_150, %dma_wait3A_154] : memref<2560x128xi32, #tpu.memory_space<hbm>> -> memref<1x128xi32, #tpu.memory_space<hbm>>
        %dma_wait3A_156 = tpu.memref_squeeze %dma_wait3A_155 : memref<1x128xi32, #tpu.memory_space<hbm>> -> memref<128xi32, #tpu.memory_space<hbm>>
        tpu.wait_dma2 semaphore(%arg16 : memref<!tpu.dma_semaphore, #tpu.memory_space<semaphore_mem>>) src(%dma_wait3A_156 : memref<128xi32, #tpu.memory_space<hbm>>) dst(%arg8 : memref<128xi32, #tpu.memory_space<vmem>>)
        %add3A_157 = arith.addi %mul3A_10, %add3A_133 : i32
        %dma_wait3A_158 = arith.constant 0 : i32
        %dma_wait3A_159 = tpu.memref_slice %arg4[%add3A_157, %dma_wait3A_158] : memref<2560x128xi32, #tpu.memory_space<hbm>> -> memref<1x128xi32, #tpu.memory_space<hbm>>
        %dma_wait3A_160 = tpu.memref_squeeze %dma_wait3A_159 : memref<1x128xi32, #tpu.memory_space<hbm>> -> memref<128xi32, #tpu.memory_space<hbm>>
        %dma_wait3A_161 = arith.constant 0 : i32
        %dma_wait3A_162 = tpu.memref_slice %arg4[%add3A_157, %dma_wait3A_161] : memref<2560x128xi32, #tpu.memory_space<hbm>> -> memref<1x128xi32, #tpu.memory_space<hbm>>
        %dma_wait3A_163 = tpu.memref_squeeze %dma_wait3A_162 : memref<1x128xi32, #tpu.memory_space<hbm>> -> memref<128xi32, #tpu.memory_space<hbm>>
        tpu.wait_dma2 semaphore(%arg16 : memref<!tpu.dma_semaphore, #tpu.memory_space<semaphore_mem>>) src(%dma_wait3A_163 : memref<128xi32, #tpu.memory_space<hbm>>) dst(%arg11 : memref<128xi32, #tpu.memory_space<vmem>>)
        %dma_start3A_164 = arith.constant 0 : i32
        %dma_start3A_165 = arith.constant 0 : i32
        %dma_start3A_166 = tpu.memref_slice %arg2[%dma_start3A_164, %dma_start3A_165] : memref<10000x128xf32, #tpu.memory_space<hbm>> -> memref<10000x128xf32, #tpu.memory_space<hbm>>
        tpu.enqueue_indirect_dma source(%dma_start3A_166 : memref<10000x128xf32, #tpu.memory_space<hbm>>) target(%arg13 : memref<128x128xf32, #tpu.memory_space<vmem>>) offsets(%arg8 : memref<128xi32, #tpu.memory_space<vmem>>) semaphore(%arg18 : memref<!tpu.dma_semaphore, #tpu.memory_space<semaphore_mem>>)
        %dma_wait3A_167 = arith.constant 0 : i32
        %dma_wait3A_168 = arith.constant 0 : i32
        %dma_wait3A_169 = tpu.memref_slice %arg2[%dma_wait3A_167, %dma_wait3A_168] : memref<10000x128xf32, #tpu.memory_space<hbm>> -> memref<10000x128xf32, #tpu.memory_space<hbm>>
        tpu.wait_indirect_dma semaphore(%arg18 : memref<!tpu.dma_semaphore, #tpu.memory_space<semaphore_mem>>) src(%dma_wait3A_169 : memref<10000x128xf32, #tpu.memory_space<hbm>>) dst(%arg13 : memref<128x128xf32, #tpu.memory_space<vmem>>)
        "tpu.region"() ({
          %run_scoped3A = tpu.sem_alloc : memref<!tpu.dma_semaphore, #tpu.memory_space<semaphore_mem>>
          %dma_start3A_210 = arith.constant 0 : i32
          %dma_start3A_211 = arith.constant 0 : i32
          %dma_start3A_212 = tpu.memref_slice %arg14[%dma_start3A_210, %dma_start3A_211] : memref<10112x128xf32, #tpu.memory_space<vmem_shared>> -> memref<10112x128xf32, #tpu.memory_space<vmem_shared>>
          tpu.enqueue_indirect_dma source(%arg13 : memref<128x128xf32, #tpu.memory_space<vmem>>) target(%dma_start3A_212 : memref<10112x128xf32, #tpu.memory_space<vmem_shared>>) offsets(%arg11 : memref<128xi32, #tpu.memory_space<vmem>>) semaphore(%run_scoped3A : memref<!tpu.dma_semaphore, #tpu.memory_space<semaphore_mem>>) {add = true}
          %dma_wait3A_213 = arith.constant 0 : i32
          %dma_wait3A_214 = arith.constant 0 : i32
          %dma_wait3A_215 = tpu.memref_slice %arg14[%dma_wait3A_213, %dma_wait3A_214] : memref<10112x128xf32, #tpu.memory_space<vmem_shared>> -> memref<10112x128xf32, #tpu.memory_space<vmem_shared>>
          tpu.wait_indirect_dma semaphore(%run_scoped3A : memref<!tpu.dma_semaphore, #tpu.memory_space<semaphore_mem>>) src(%arg13 : memref<128x128xf32, #tpu.memory_space<vmem>>) dst(%dma_wait3A_215 : memref<10112x128xf32, #tpu.memory_space<vmem_shared>>)
          tpu.yield
        }) : () -> ()
        %mul3A_170 = arith.constant 3 : i32
        %mul3A_171 = arith.muli %scan3A_89, %mul3A_170 : i32
        %add3A_172 = arith.constant 2 : i32
        %add3A_173 = arith.addi %mul3A_171, %add3A_172 : i32
        %add3A_174 = arith.constant 2 : i32
        %add3A_175 = arith.addi %add3A_173, %add3A_174 : i32
        %add3A_176 = arith.addi %mul3A_10, %add3A_175 : i32
        %dma_start3A_177 = arith.constant 0 : i32
        %dma_start3A_178 = tpu.memref_slice %arg3[%add3A_176, %dma_start3A_177] : memref<2560x128xi32, #tpu.memory_space<hbm>> -> memref<1x128xi32, #tpu.memory_space<hbm>>
        %dma_start3A_179 = tpu.memref_squeeze %dma_start3A_178 : memref<1x128xi32, #tpu.memory_space<hbm>> -> memref<128xi32, #tpu.memory_space<hbm>>
        %dma_start3A_180 = arith.constant 0 : i32
        %dma_start3A_181 = tpu.memref_slice %arg3[%add3A_176, %dma_start3A_180] : memref<2560x128xi32, #tpu.memory_space<hbm>> -> memref<1x128xi32, #tpu.memory_space<hbm>>
        %dma_start3A_182 = tpu.memref_squeeze %dma_start3A_181 : memref<1x128xi32, #tpu.memory_space<hbm>> -> memref<128xi32, #tpu.memory_space<hbm>>
        tpu.enqueue_dma source(%dma_start3A_182 : memref<128xi32, #tpu.memory_space<hbm>>) target(%arg8 : memref<128xi32, #tpu.memory_space<vmem>>) target_semaphore(%arg16 : memref<!tpu.dma_semaphore, #tpu.memory_space<semaphore_mem>>)
        %add3A_183 = arith.addi %mul3A_10, %add3A_175 : i32
        %dma_start3A_184 = arith.constant 0 : i32
        %dma_start3A_185 = tpu.memref_slice %arg4[%add3A_183, %dma_start3A_184] : memref<2560x128xi32, #tpu.memory_space<hbm>> -> memref<1x128xi32, #tpu.memory_space<hbm>>
        %dma_start3A_186 = tpu.memref_squeeze %dma_start3A_185 : memref<1x128xi32, #tpu.memory_space<hbm>> -> memref<128xi32, #tpu.memory_space<hbm>>
        %dma_start3A_187 = arith.constant 0 : i32
        %dma_start3A_188 = tpu.memref_slice %arg4[%add3A_183, %dma_start3A_187] : memref<2560x128xi32, #tpu.memory_space<hbm>> -> memref<1x128xi32, #tpu.memory_space<hbm>>
        %dma_start3A_189 = tpu.memref_squeeze %dma_start3A_188 : memref<1x128xi32, #tpu.memory_space<hbm>> -> memref<128xi32, #tpu.memory_space<hbm>>
        tpu.enqueue_dma source(%dma_start3A_189 : memref<128xi32, #tpu.memory_space<hbm>>) target(%arg11 : memref<128xi32, #tpu.memory_space<vmem>>) target_semaphore(%arg16 : memref<!tpu.dma_semaphore, #tpu.memory_space<semaphore_mem>>)
        %add3A_190 = arith.addi %mul3A_10, %add3A_173 : i32
        %dma_wait3A_191 = arith.constant 0 : i32
        %dma_wait3A_192 = tpu.memref_slice %arg3[%add3A_190, %dma_wait3A_191] : memref<2560x128xi32, #tpu.memory_space<hbm>> -> memref<1x128xi32, #tpu.memory_space<hbm>>
        %dma_wait3A_193 = tpu.memref_squeeze %dma_wait3A_192 : memref<1x128xi32, #tpu.memory_space<hbm>> -> memref<128xi32, #tpu.memory_space<hbm>>
        %dma_wait3A_194 = arith.constant 0 : i32
        %dma_wait3A_195 = tpu.memref_slice %arg3[%add3A_190, %dma_wait3A_194] : memref<2560x128xi32, #tpu.memory_space<hbm>> -> memref<1x128xi32, #tpu.memory_space<hbm>>
        %dma_wait3A_196 = tpu.memref_squeeze %dma_wait3A_195 : memref<1x128xi32, #tpu.memory_space<hbm>> -> memref<128xi32, #tpu.memory_space<hbm>>
        tpu.wait_dma2 semaphore(%arg17 : memref<!tpu.dma_semaphore, #tpu.memory_space<semaphore_mem>>) src(%dma_wait3A_196 : memref<128xi32, #tpu.memory_space<hbm>>) dst(%arg9 : memref<128xi32, #tpu.memory_space<vmem>>)
        %add3A_197 = arith.addi %mul3A_10, %add3A_173 : i32
        %dma_wait3A_198 = arith.constant 0 : i32
        %dma_wait3A_199 = tpu.memref_slice %arg4[%add3A_197, %dma_wait3A_198] : memref<2560x128xi32, #tpu.memory_space<hbm>> -> memref<1x128xi32, #tpu.memory_space<hbm>>
        %dma_wait3A_200 = tpu.memref_squeeze %dma_wait3A_199 : memref<1x128xi32, #tpu.memory_space<hbm>> -> memref<128xi32, #tpu.memory_space<hbm>>
        %dma_wait3A_201 = arith.constant 0 : i32
        %dma_wait3A_202 = tpu.memref_slice %arg4[%add3A_197, %dma_wait3A_201] : memref<2560x128xi32, #tpu.memory_space<hbm>> -> memref<1x128xi32, #tpu.memory_space<hbm>>
        %dma_wait3A_203 = tpu.memref_squeeze %dma_wait3A_202 : memref<1x128xi32, #tpu.memory_space<hbm>> -> memref<128xi32, #tpu.memory_space<hbm>>
        tpu.wait_dma2 semaphore(%arg17 : memref<!tpu.dma_semaphore, #tpu.memory_space<semaphore_mem>>) src(%dma_wait3A_203 : memref<128xi32, #tpu.memory_space<hbm>>) dst(%arg12 : memref<128xi32, #tpu.memory_space<vmem>>)
        %dma_start3A_204 = arith.constant 0 : i32
        %dma_start3A_205 = arith.constant 0 : i32
        %dma_start3A_206 = tpu.memref_slice %arg2[%dma_start3A_204, %dma_start3A_205] : memref<10000x128xf32, #tpu.memory_space<hbm>> -> memref<10000x128xf32, #tpu.memory_space<hbm>>
        tpu.enqueue_indirect_dma source(%dma_start3A_206 : memref<10000x128xf32, #tpu.memory_space<hbm>>) target(%arg13 : memref<128x128xf32, #tpu.memory_space<vmem>>) offsets(%arg9 : memref<128xi32, #tpu.memory_space<vmem>>) semaphore(%arg18 : memref<!tpu.dma_semaphore, #tpu.memory_space<semaphore_mem>>)
        %dma_wait3A_207 = arith.constant 0 : i32
        %dma_wait3A_208 = arith.constant 0 : i32
        %dma_wait3A_209 = tpu.memref_slice %arg2[%dma_wait3A_207, %dma_wait3A_208] : memref<10000x128xf32, #tpu.memory_space<hbm>> -> memref<10000x128xf32, #tpu.memory_space<hbm>>
        tpu.wait_indirect_dma semaphore(%arg18 : memref<!tpu.dma_semaphore, #tpu.memory_space<semaphore_mem>>) src(%dma_wait3A_209 : memref<10000x128xf32, #tpu.memory_space<hbm>>) dst(%arg13 : memref<128x128xf32, #tpu.memory_space<vmem>>)
        "tpu.region"() ({
          %run_scoped3A = tpu.sem_alloc : memref<!tpu.dma_semaphore, #tpu.memory_space<semaphore_mem>>
          %dma_start3A_210 = arith.constant 0 : i32
          %dma_start3A_211 = arith.constant 0 : i32
          %dma_start3A_212 = tpu.memref_slice %arg14[%dma_start3A_210, %dma_start3A_211] : memref<10112x128xf32, #tpu.memory_space<vmem_shared>> -> memref<10112x128xf32, #tpu.memory_space<vmem_shared>>
          tpu.enqueue_indirect_dma source(%arg13 : memref<128x128xf32, #tpu.memory_space<vmem>>) target(%dma_start3A_212 : memref<10112x128xf32, #tpu.memory_space<vmem_shared>>) offsets(%arg12 : memref<128xi32, #tpu.memory_space<vmem>>) semaphore(%run_scoped3A : memref<!tpu.dma_semaphore, #tpu.memory_space<semaphore_mem>>) {add = true}
          %dma_wait3A_213 = arith.constant 0 : i32
          %dma_wait3A_214 = arith.constant 0 : i32
          %dma_wait3A_215 = tpu.memref_slice %arg14[%dma_wait3A_213, %dma_wait3A_214] : memref<10112x128xf32, #tpu.memory_space<vmem_shared>> -> memref<10112x128xf32, #tpu.memory_space<vmem_shared>>
          tpu.wait_indirect_dma semaphore(%run_scoped3A : memref<!tpu.dma_semaphore, #tpu.memory_space<semaphore_mem>>) src(%arg13 : memref<128x128xf32, #tpu.memory_space<vmem>>) dst(%dma_wait3A_215 : memref<10112x128xf32, #tpu.memory_space<vmem_shared>>)
          tpu.yield
        }) : () -> ()
      }
      %scan3A_45 = arith.constant 46 : i32
      %add3A_46 = arith.constant 138 : i32
      %add3A_47 = arith.addi %mul3A_10, %add3A_46 : i32
      %dma_wait3A = arith.constant 0 : i32
      %dma_wait3A_48 = tpu.memref_slice %arg3[%add3A_47, %dma_wait3A] : memref<2560x128xi32, #tpu.memory_space<hbm>> -> memref<1x128xi32, #tpu.memory_space<hbm>>
      %dma_wait3A_49 = tpu.memref_squeeze %dma_wait3A_48 : memref<1x128xi32, #tpu.memory_space<hbm>> -> memref<128xi32, #tpu.memory_space<hbm>>
      %dma_wait3A_50 = arith.constant 0 : i32
      %dma_wait3A_51 = tpu.memref_slice %arg3[%add3A_47, %dma_wait3A_50] : memref<2560x128xi32, #tpu.memory_space<hbm>> -> memref<1x128xi32, #tpu.memory_space<hbm>>
      %dma_wait3A_52 = tpu.memref_squeeze %dma_wait3A_51 : memref<1x128xi32, #tpu.memory_space<hbm>> -> memref<128xi32, #tpu.memory_space<hbm>>
      tpu.wait_dma2 semaphore(%arg15 : memref<!tpu.dma_semaphore, #tpu.memory_space<semaphore_mem>>) src(%dma_wait3A_52 : memref<128xi32, #tpu.memory_space<hbm>>) dst(%arg7 : memref<128xi32, #tpu.memory_space<vmem>>)
      %add3A_53 = arith.constant 138 : i32
      %add3A_54 = arith.addi %mul3A_10, %add3A_53 : i32
      %dma_wait3A_55 = arith.constant 0 : i32
      %dma_wait3A_56 = tpu.memref_slice %arg4[%add3A_54, %dma_wait3A_55] : memref<2560x128xi32, #tpu.memory_space<hbm>> -> memref<1x128xi32, #tpu.memory_space<hbm>>
      %dma_wait3A_57 = tpu.memref_squeeze %dma_wait3A_56 : memref<1x128xi32, #tpu.memory_space<hbm>> -> memref<128xi32, #tpu.memory_space<hbm>>
      %dma_wait3A_58 = arith.constant 0 : i32
      %dma_wait3A_59 = tpu.memref_slice %arg4[%add3A_54, %dma_wait3A_58] : memref<2560x128xi32, #tpu.memory_space<hbm>> -> memref<1x128xi32, #tpu.memory_space<hbm>>
      %dma_wait3A_60 = tpu.memref_squeeze %dma_wait3A_59 : memref<1x128xi32, #tpu.memory_space<hbm>> -> memref<128xi32, #tpu.memory_space<hbm>>
      tpu.wait_dma2 semaphore(%arg15 : memref<!tpu.dma_semaphore, #tpu.memory_space<semaphore_mem>>) src(%dma_wait3A_60 : memref<128xi32, #tpu.memory_space<hbm>>) dst(%arg10 : memref<128xi32, #tpu.memory_space<vmem>>)
      %dma_start3A_61 = arith.constant 0 : i32
      %dma_start3A_62 = arith.constant 0 : i32
      %dma_start3A_63 = tpu.memref_slice %arg2[%dma_start3A_61, %dma_start3A_62] : memref<10000x128xf32, #tpu.memory_space<hbm>> -> memref<10000x128xf32, #tpu.memory_space<hbm>>
      tpu.enqueue_indirect_dma source(%dma_start3A_63 : memref<10000x128xf32, #tpu.memory_space<hbm>>) target(%arg13 : memref<128x128xf32, #tpu.memory_space<vmem>>) offsets(%arg7 : memref<128xi32, #tpu.memory_space<vmem>>) semaphore(%arg18 : memref<!tpu.dma_semaphore, #tpu.memory_space<semaphore_mem>>)
      %dma_wait3A_64 = arith.constant 0 : i32
      %dma_wait3A_65 = arith.constant 0 : i32
      %dma_wait3A_66 = tpu.memref_slice %arg2[%dma_wait3A_64, %dma_wait3A_65] : memref<10000x128xf32, #tpu.memory_space<hbm>> -> memref<10000x128xf32, #tpu.memory_space<hbm>>
      tpu.wait_indirect_dma semaphore(%arg18 : memref<!tpu.dma_semaphore, #tpu.memory_space<semaphore_mem>>) src(%dma_wait3A_66 : memref<10000x128xf32, #tpu.memory_space<hbm>>) dst(%arg13 : memref<128x128xf32, #tpu.memory_space<vmem>>)
      "tpu.region"() ({
        %run_scoped3A = tpu.sem_alloc : memref<!tpu.dma_semaphore, #tpu.memory_space<semaphore_mem>>
        %dma_start3A_89 = arith.constant 0 : i32
        %dma_start3A_90 = arith.constant 0 : i32
        %dma_start3A_91 = tpu.memref_slice %arg14[%dma_start3A_89, %dma_start3A_90] : memref<10112x128xf32, #tpu.memory_space<vmem_shared>> -> memref<10112x128xf32, #tpu.memory_space<vmem_shared>>
        tpu.enqueue_indirect_dma source(%arg13 : memref<128x128xf32, #tpu.memory_space<vmem>>) target(%dma_start3A_91 : memref<10112x128xf32, #tpu.memory_space<vmem_shared>>) offsets(%arg10 : memref<128xi32, #tpu.memory_space<vmem>>) semaphore(%run_scoped3A : memref<!tpu.dma_semaphore, #tpu.memory_space<semaphore_mem>>) {add = true}
        %dma_wait3A_92 = arith.constant 0 : i32
        %dma_wait3A_93 = arith.constant 0 : i32
        %dma_wait3A_94 = tpu.memref_slice %arg14[%dma_wait3A_92, %dma_wait3A_93] : memref<10112x128xf32, #tpu.memory_space<vmem_shared>> -> memref<10112x128xf32, #tpu.memory_space<vmem_shared>>
        tpu.wait_indirect_dma semaphore(%run_scoped3A : memref<!tpu.dma_semaphore, #tpu.memory_space<semaphore_mem>>) src(%arg13 : memref<128x128xf32, #tpu.memory_space<vmem>>) dst(%dma_wait3A_94 : memref<10112x128xf32, #tpu.memory_space<vmem_shared>>)
        tpu.yield
      }) : () -> ()
      %add3A_67 = arith.constant 139 : i32
      %add3A_68 = arith.addi %mul3A_10, %add3A_67 : i32
      %dma_wait3A_69 = arith.constant 0 : i32
      %dma_wait3A_70 = tpu.memref_slice %arg3[%add3A_68, %dma_wait3A_69] : memref<2560x128xi32, #tpu.memory_space<hbm>> -> memref<1x128xi32, #tpu.memory_space<hbm>>
      %dma_wait3A_71 = tpu.memref_squeeze %dma_wait3A_70 : memref<1x128xi32, #tpu.memory_space<hbm>> -> memref<128xi32, #tpu.memory_space<hbm>>
      %dma_wait3A_72 = arith.constant 0 : i32
      %dma_wait3A_73 = tpu.memref_slice %arg3[%add3A_68, %dma_wait3A_72] : memref<2560x128xi32, #tpu.memory_space<hbm>> -> memref<1x128xi32, #tpu.memory_space<hbm>>
      %dma_wait3A_74 = tpu.memref_squeeze %dma_wait3A_73 : memref<1x128xi32, #tpu.memory_space<hbm>> -> memref<128xi32, #tpu.memory_space<hbm>>
      tpu.wait_dma2 semaphore(%arg16 : memref<!tpu.dma_semaphore, #tpu.memory_space<semaphore_mem>>) src(%dma_wait3A_74 : memref<128xi32, #tpu.memory_space<hbm>>) dst(%arg8 : memref<128xi32, #tpu.memory_space<vmem>>)
      %add3A_75 = arith.constant 139 : i32
      %add3A_76 = arith.addi %mul3A_10, %add3A_75 : i32
      %dma_wait3A_77 = arith.constant 0 : i32
      %dma_wait3A_78 = tpu.memref_slice %arg4[%add3A_76, %dma_wait3A_77] : memref<2560x128xi32, #tpu.memory_space<hbm>> -> memref<1x128xi32, #tpu.memory_space<hbm>>
      %dma_wait3A_79 = tpu.memref_squeeze %dma_wait3A_78 : memref<1x128xi32, #tpu.memory_space<hbm>> -> memref<128xi32, #tpu.memory_space<hbm>>
      %dma_wait3A_80 = arith.constant 0 : i32
      %dma_wait3A_81 = tpu.memref_slice %arg4[%add3A_76, %dma_wait3A_80] : memref<2560x128xi32, #tpu.memory_space<hbm>> -> memref<1x128xi32, #tpu.memory_space<hbm>>
      %dma_wait3A_82 = tpu.memref_squeeze %dma_wait3A_81 : memref<1x128xi32, #tpu.memory_space<hbm>> -> memref<128xi32, #tpu.memory_space<hbm>>
      tpu.wait_dma2 semaphore(%arg16 : memref<!tpu.dma_semaphore, #tpu.memory_space<semaphore_mem>>) src(%dma_wait3A_82 : memref<128xi32, #tpu.memory_space<hbm>>) dst(%arg11 : memref<128xi32, #tpu.memory_space<vmem>>)
      %dma_start3A_83 = arith.constant 0 : i32
      %dma_start3A_84 = arith.constant 0 : i32
      %dma_start3A_85 = tpu.memref_slice %arg2[%dma_start3A_83, %dma_start3A_84] : memref<10000x128xf32, #tpu.memory_space<hbm>> -> memref<10000x128xf32, #tpu.memory_space<hbm>>
      tpu.enqueue_indirect_dma source(%dma_start3A_85 : memref<10000x128xf32, #tpu.memory_space<hbm>>) target(%arg13 : memref<128x128xf32, #tpu.memory_space<vmem>>) offsets(%arg8 : memref<128xi32, #tpu.memory_space<vmem>>) semaphore(%arg18 : memref<!tpu.dma_semaphore, #tpu.memory_space<semaphore_mem>>)
      %dma_wait3A_86 = arith.constant 0 : i32
      %dma_wait3A_87 = arith.constant 0 : i32
      %dma_wait3A_88 = tpu.memref_slice %arg2[%dma_wait3A_86, %dma_wait3A_87] : memref<10000x128xf32, #tpu.memory_space<hbm>> -> memref<10000x128xf32, #tpu.memory_space<hbm>>
      tpu.wait_indirect_dma semaphore(%arg18 : memref<!tpu.dma_semaphore, #tpu.memory_space<semaphore_mem>>) src(%dma_wait3A_88 : memref<10000x128xf32, #tpu.memory_space<hbm>>) dst(%arg13 : memref<128x128xf32, #tpu.memory_space<vmem>>)
      "tpu.region"() ({
        %run_scoped3A = tpu.sem_alloc : memref<!tpu.dma_semaphore, #tpu.memory_space<semaphore_mem>>
        %dma_start3A_89 = arith.constant 0 : i32
        %dma_start3A_90 = arith.constant 0 : i32
        %dma_start3A_91 = tpu.memref_slice %arg14[%dma_start3A_89, %dma_start3A_90] : memref<10112x128xf32, #tpu.memory_space<vmem_shared>> -> memref<10112x128xf32, #tpu.memory_space<vmem_shared>>
        tpu.enqueue_indirect_dma source(%arg13 : memref<128x128xf32, #tpu.memory_space<vmem>>) target(%dma_start3A_91 : memref<10112x128xf32, #tpu.memory_space<vmem_shared>>) offsets(%arg11 : memref<128xi32, #tpu.memory_space<vmem>>) semaphore(%run_scoped3A : memref<!tpu.dma_semaphore, #tpu.memory_space<semaphore_mem>>) {add = true}
        %dma_wait3A_92 = arith.constant 0 : i32
        %dma_wait3A_93 = arith.constant 0 : i32
        %dma_wait3A_94 = tpu.memref_slice %arg14[%dma_wait3A_92, %dma_wait3A_93] : memref<10112x128xf32, #tpu.memory_space<vmem_shared>> -> memref<10112x128xf32, #tpu.memory_space<vmem_shared>>
        tpu.wait_indirect_dma semaphore(%run_scoped3A : memref<!tpu.dma_semaphore, #tpu.memory_space<semaphore_mem>>) src(%arg13 : memref<128x128xf32, #tpu.memory_space<vmem>>) dst(%dma_wait3A_94 : memref<10112x128xf32, #tpu.memory_space<vmem_shared>>)
        tpu.yield
      }) : () -> ()
    } else {
    }
    %eq3A_3 = arith.constant 1 : i32
    %eq3A_4 = arith.cmpi eq, %arg0, %eq3A_3 : i32
    %convert_element_type3A_5 = arith.extui %eq3A_4 : i1 to i32
    %cond3A_6 = arith.constant 0 : i32
    %cond3A_7 = arith.cmpi ne, %convert_element_type3A_5, %cond3A_6 : i32
    scf.if %cond3A_7 {
      %mul3A_9 = arith.constant 20 : i32
      %mul3A_10 = arith.muli %arg1, %mul3A_9 : i32
      %add3A = arith.constant 2240 : i32
      %add3A_11 = arith.addi %add3A, %mul3A_10 : i32
      %add3A_12 = arith.constant 0 : i32
      %add3A_13 = arith.addi %add3A_11, %add3A_12 : i32
      %dma_start3A = arith.constant 0 : i32
      %dma_start3A_14 = tpu.memref_slice %arg3[%add3A_13, %dma_start3A] : memref<2560x128xi32, #tpu.memory_space<hbm>> -> memref<1x128xi32, #tpu.memory_space<hbm>>
      %dma_start3A_15 = tpu.memref_squeeze %dma_start3A_14 : memref<1x128xi32, #tpu.memory_space<hbm>> -> memref<128xi32, #tpu.memory_space<hbm>>
      %dma_start3A_16 = arith.constant 0 : i32
      %dma_start3A_17 = tpu.memref_slice %arg3[%add3A_13, %dma_start3A_16] : memref<2560x128xi32, #tpu.memory_space<hbm>> -> memref<1x128xi32, #tpu.memory_space<hbm>>
      %dma_start3A_18 = tpu.memref_squeeze %dma_start3A_17 : memref<1x128xi32, #tpu.memory_space<hbm>> -> memref<128xi32, #tpu.memory_space<hbm>>
      tpu.enqueue_dma source(%dma_start3A_18 : memref<128xi32, #tpu.memory_space<hbm>>) target(%arg7 : memref<128xi32, #tpu.memory_space<vmem>>) target_semaphore(%arg15 : memref<!tpu.dma_semaphore, #tpu.memory_space<semaphore_mem>>)
      %add3A_19 = arith.constant 0 : i32
      %add3A_20 = arith.addi %add3A_11, %add3A_19 : i32
      %dma_start3A_21 = arith.constant 0 : i32
      %dma_start3A_22 = tpu.memref_slice %arg4[%add3A_20, %dma_start3A_21] : memref<2560x128xi32, #tpu.memory_space<hbm>> -> memref<1x128xi32, #tpu.memory_space<hbm>>
      %dma_start3A_23 = tpu.memref_squeeze %dma_start3A_22 : memref<1x128xi32, #tpu.memory_space<hbm>> -> memref<128xi32, #tpu.memory_space<hbm>>
      %dma_start3A_24 = arith.constant 0 : i32
      %dma_start3A_25 = tpu.memref_slice %arg4[%add3A_20, %dma_start3A_24] : memref<2560x128xi32, #tpu.memory_space<hbm>> -> memref<1x128xi32, #tpu.memory_space<hbm>>
      %dma_start3A_26 = tpu.memref_squeeze %dma_start3A_25 : memref<1x128xi32, #tpu.memory_space<hbm>> -> memref<128xi32, #tpu.memory_space<hbm>>
      tpu.enqueue_dma source(%dma_start3A_26 : memref<128xi32, #tpu.memory_space<hbm>>) target(%arg10 : memref<128xi32, #tpu.memory_space<vmem>>) target_semaphore(%arg15 : memref<!tpu.dma_semaphore, #tpu.memory_space<semaphore_mem>>)
      %add3A_27 = arith.constant 1 : i32
      %add3A_28 = arith.addi %add3A_11, %add3A_27 : i32
      %dma_start3A_29 = arith.constant 0 : i32
      %dma_start3A_30 = tpu.memref_slice %arg3[%add3A_28, %dma_start3A_29] : memref<2560x128xi32, #tpu.memory_space<hbm>> -> memref<1x128xi32, #tpu.memory_space<hbm>>
      %dma_start3A_31 = tpu.memref_squeeze %dma_start3A_30 : memref<1x128xi32, #tpu.memory_space<hbm>> -> memref<128xi32, #tpu.memory_space<hbm>>
      %dma_start3A_32 = arith.constant 0 : i32
      %dma_start3A_33 = tpu.memref_slice %arg3[%add3A_28, %dma_start3A_32] : memref<2560x128xi32, #tpu.memory_space<hbm>> -> memref<1x128xi32, #tpu.memory_space<hbm>>
      %dma_start3A_34 = tpu.memref_squeeze %dma_start3A_33 : memref<1x128xi32, #tpu.memory_space<hbm>> -> memref<128xi32, #tpu.memory_space<hbm>>
      tpu.enqueue_dma source(%dma_start3A_34 : memref<128xi32, #tpu.memory_space<hbm>>) target(%arg8 : memref<128xi32, #tpu.memory_space<vmem>>) target_semaphore(%arg16 : memref<!tpu.dma_semaphore, #tpu.memory_space<semaphore_mem>>)
      %add3A_35 = arith.constant 1 : i32
      %add3A_36 = arith.addi %add3A_11, %add3A_35 : i32
      %dma_start3A_37 = arith.constant 0 : i32
      %dma_start3A_38 = tpu.memref_slice %arg4[%add3A_36, %dma_start3A_37] : memref<2560x128xi32, #tpu.memory_space<hbm>> -> memref<1x128xi32, #tpu.memory_space<hbm>>
      %dma_start3A_39 = tpu.memref_squeeze %dma_start3A_38 : memref<1x128xi32, #tpu.memory_space<hbm>> -> memref<128xi32, #tpu.memory_space<hbm>>
      %dma_start3A_40 = arith.constant 0 : i32
      %dma_start3A_41 = tpu.memref_slice %arg4[%add3A_36, %dma_start3A_40] : memref<2560x128xi32, #tpu.memory_space<hbm>> -> memref<1x128xi32, #tpu.memory_space<hbm>>
      %dma_start3A_42 = tpu.memref_squeeze %dma_start3A_41 : memref<1x128xi32, #tpu.memory_space<hbm>> -> memref<128xi32, #tpu.memory_space<hbm>>
      tpu.enqueue_dma source(%dma_start3A_42 : memref<128xi32, #tpu.memory_space<hbm>>) target(%arg11 : memref<128xi32, #tpu.memory_space<vmem>>) target_semaphore(%arg16 : memref<!tpu.dma_semaphore, #tpu.memory_space<semaphore_mem>>)
      %scan3A = arith.constant 0 : i32
      %scan3A_43 = arith.constant 0 : i32
      %scan3A_44 = arith.constant 6 : i32
      %scan3A_45 = arith.addi %scan3A_43, %scan3A_44 : i32
      %scan3A_46 = arith.constant 1 : i32
      scf.for %scan3A_91 = %scan3A_43 to %scan3A_45 step %scan3A_46  : i32 {
        %mul3A_92 = arith.constant 3 : i32
        %mul3A_93 = arith.muli %scan3A_91, %mul3A_92 : i32
        %add3A_94 = arith.constant 0 : i32
        %add3A_95 = arith.addi %mul3A_93, %add3A_94 : i32
        %add3A_96 = arith.constant 2 : i32
        %add3A_97 = arith.addi %add3A_95, %add3A_96 : i32
        %add3A_98 = arith.addi %add3A_11, %add3A_97 : i32
        %dma_start3A_99 = arith.constant 0 : i32
        %dma_start3A_100 = tpu.memref_slice %arg3[%add3A_98, %dma_start3A_99] : memref<2560x128xi32, #tpu.memory_space<hbm>> -> memref<1x128xi32, #tpu.memory_space<hbm>>
        %dma_start3A_101 = tpu.memref_squeeze %dma_start3A_100 : memref<1x128xi32, #tpu.memory_space<hbm>> -> memref<128xi32, #tpu.memory_space<hbm>>
        %dma_start3A_102 = arith.constant 0 : i32
        %dma_start3A_103 = tpu.memref_slice %arg3[%add3A_98, %dma_start3A_102] : memref<2560x128xi32, #tpu.memory_space<hbm>> -> memref<1x128xi32, #tpu.memory_space<hbm>>
        %dma_start3A_104 = tpu.memref_squeeze %dma_start3A_103 : memref<1x128xi32, #tpu.memory_space<hbm>> -> memref<128xi32, #tpu.memory_space<hbm>>
        tpu.enqueue_dma source(%dma_start3A_104 : memref<128xi32, #tpu.memory_space<hbm>>) target(%arg9 : memref<128xi32, #tpu.memory_space<vmem>>) target_semaphore(%arg17 : memref<!tpu.dma_semaphore, #tpu.memory_space<semaphore_mem>>)
        %add3A_105 = arith.addi %add3A_11, %add3A_97 : i32
        %dma_start3A_106 = arith.constant 0 : i32
        %dma_start3A_107 = tpu.memref_slice %arg4[%add3A_105, %dma_start3A_106] : memref<2560x128xi32, #tpu.memory_space<hbm>> -> memref<1x128xi32, #tpu.memory_space<hbm>>
        %dma_start3A_108 = tpu.memref_squeeze %dma_start3A_107 : memref<1x128xi32, #tpu.memory_space<hbm>> -> memref<128xi32, #tpu.memory_space<hbm>>
        %dma_start3A_109 = arith.constant 0 : i32
        %dma_start3A_110 = tpu.memref_slice %arg4[%add3A_105, %dma_start3A_109] : memref<2560x128xi32, #tpu.memory_space<hbm>> -> memref<1x128xi32, #tpu.memory_space<hbm>>
        %dma_start3A_111 = tpu.memref_squeeze %dma_start3A_110 : memref<1x128xi32, #tpu.memory_space<hbm>> -> memref<128xi32, #tpu.memory_space<hbm>>
        tpu.enqueue_dma source(%dma_start3A_111 : memref<128xi32, #tpu.memory_space<hbm>>) target(%arg12 : memref<128xi32, #tpu.memory_space<vmem>>) target_semaphore(%arg17 : memref<!tpu.dma_semaphore, #tpu.memory_space<semaphore_mem>>)
        %add3A_112 = arith.addi %add3A_11, %add3A_95 : i32
        %dma_wait3A_113 = arith.constant 0 : i32
        %dma_wait3A_114 = tpu.memref_slice %arg3[%add3A_112, %dma_wait3A_113] : memref<2560x128xi32, #tpu.memory_space<hbm>> -> memref<1x128xi32, #tpu.memory_space<hbm>>
        %dma_wait3A_115 = tpu.memref_squeeze %dma_wait3A_114 : memref<1x128xi32, #tpu.memory_space<hbm>> -> memref<128xi32, #tpu.memory_space<hbm>>
        %dma_wait3A_116 = arith.constant 0 : i32
        %dma_wait3A_117 = tpu.memref_slice %arg3[%add3A_112, %dma_wait3A_116] : memref<2560x128xi32, #tpu.memory_space<hbm>> -> memref<1x128xi32, #tpu.memory_space<hbm>>
        %dma_wait3A_118 = tpu.memref_squeeze %dma_wait3A_117 : memref<1x128xi32, #tpu.memory_space<hbm>> -> memref<128xi32, #tpu.memory_space<hbm>>
        tpu.wait_dma2 semaphore(%arg15 : memref<!tpu.dma_semaphore, #tpu.memory_space<semaphore_mem>>) src(%dma_wait3A_118 : memref<128xi32, #tpu.memory_space<hbm>>) dst(%arg7 : memref<128xi32, #tpu.memory_space<vmem>>)
        %add3A_119 = arith.addi %add3A_11, %add3A_95 : i32
        %dma_wait3A_120 = arith.constant 0 : i32
        %dma_wait3A_121 = tpu.memref_slice %arg4[%add3A_119, %dma_wait3A_120] : memref<2560x128xi32, #tpu.memory_space<hbm>> -> memref<1x128xi32, #tpu.memory_space<hbm>>
        %dma_wait3A_122 = tpu.memref_squeeze %dma_wait3A_121 : memref<1x128xi32, #tpu.memory_space<hbm>> -> memref<128xi32, #tpu.memory_space<hbm>>
        %dma_wait3A_123 = arith.constant 0 : i32
        %dma_wait3A_124 = tpu.memref_slice %arg4[%add3A_119, %dma_wait3A_123] : memref<2560x128xi32, #tpu.memory_space<hbm>> -> memref<1x128xi32, #tpu.memory_space<hbm>>
        %dma_wait3A_125 = tpu.memref_squeeze %dma_wait3A_124 : memref<1x128xi32, #tpu.memory_space<hbm>> -> memref<128xi32, #tpu.memory_space<hbm>>
        tpu.wait_dma2 semaphore(%arg15 : memref<!tpu.dma_semaphore, #tpu.memory_space<semaphore_mem>>) src(%dma_wait3A_125 : memref<128xi32, #tpu.memory_space<hbm>>) dst(%arg10 : memref<128xi32, #tpu.memory_space<vmem>>)
        %dma_start3A_126 = arith.constant 0 : i32
        %dma_start3A_127 = arith.constant 0 : i32
        %dma_start3A_128 = tpu.memref_slice %arg2[%dma_start3A_126, %dma_start3A_127] : memref<10000x128xf32, #tpu.memory_space<hbm>> -> memref<10000x128xf32, #tpu.memory_space<hbm>>
        tpu.enqueue_indirect_dma source(%dma_start3A_128 : memref<10000x128xf32, #tpu.memory_space<hbm>>) target(%arg13 : memref<128x128xf32, #tpu.memory_space<vmem>>) offsets(%arg7 : memref<128xi32, #tpu.memory_space<vmem>>) semaphore(%arg18 : memref<!tpu.dma_semaphore, #tpu.memory_space<semaphore_mem>>)
        %dma_wait3A_129 = arith.constant 0 : i32
        %dma_wait3A_130 = arith.constant 0 : i32
        %dma_wait3A_131 = tpu.memref_slice %arg2[%dma_wait3A_129, %dma_wait3A_130] : memref<10000x128xf32, #tpu.memory_space<hbm>> -> memref<10000x128xf32, #tpu.memory_space<hbm>>
        tpu.wait_indirect_dma semaphore(%arg18 : memref<!tpu.dma_semaphore, #tpu.memory_space<semaphore_mem>>) src(%dma_wait3A_131 : memref<10000x128xf32, #tpu.memory_space<hbm>>) dst(%arg13 : memref<128x128xf32, #tpu.memory_space<vmem>>)
        "tpu.region"() ({
          %run_scoped3A = tpu.sem_alloc : memref<!tpu.dma_semaphore, #tpu.memory_space<semaphore_mem>>
          %dma_start3A_212 = arith.constant 0 : i32
          %dma_start3A_213 = arith.constant 0 : i32
          %dma_start3A_214 = tpu.memref_slice %arg14[%dma_start3A_212, %dma_start3A_213] : memref<10112x128xf32, #tpu.memory_space<vmem_shared>> -> memref<10112x128xf32, #tpu.memory_space<vmem_shared>>
          tpu.enqueue_indirect_dma source(%arg13 : memref<128x128xf32, #tpu.memory_space<vmem>>) target(%dma_start3A_214 : memref<10112x128xf32, #tpu.memory_space<vmem_shared>>) offsets(%arg10 : memref<128xi32, #tpu.memory_space<vmem>>) semaphore(%run_scoped3A : memref<!tpu.dma_semaphore, #tpu.memory_space<semaphore_mem>>) {add = true}
          %dma_wait3A_215 = arith.constant 0 : i32
          %dma_wait3A_216 = arith.constant 0 : i32
          %dma_wait3A_217 = tpu.memref_slice %arg14[%dma_wait3A_215, %dma_wait3A_216] : memref<10112x128xf32, #tpu.memory_space<vmem_shared>> -> memref<10112x128xf32, #tpu.memory_space<vmem_shared>>
          tpu.wait_indirect_dma semaphore(%run_scoped3A : memref<!tpu.dma_semaphore, #tpu.memory_space<semaphore_mem>>) src(%arg13 : memref<128x128xf32, #tpu.memory_space<vmem>>) dst(%dma_wait3A_217 : memref<10112x128xf32, #tpu.memory_space<vmem_shared>>)
          tpu.yield
        }) : () -> ()
        %mul3A_132 = arith.constant 3 : i32
        %mul3A_133 = arith.muli %scan3A_91, %mul3A_132 : i32
        %add3A_134 = arith.constant 1 : i32
        %add3A_135 = arith.addi %mul3A_133, %add3A_134 : i32
        %add3A_136 = arith.constant 2 : i32
        %add3A_137 = arith.addi %add3A_135, %add3A_136 : i32
        %add3A_138 = arith.addi %add3A_11, %add3A_137 : i32
        %dma_start3A_139 = arith.constant 0 : i32
        %dma_start3A_140 = tpu.memref_slice %arg3[%add3A_138, %dma_start3A_139] : memref<2560x128xi32, #tpu.memory_space<hbm>> -> memref<1x128xi32, #tpu.memory_space<hbm>>
        %dma_start3A_141 = tpu.memref_squeeze %dma_start3A_140 : memref<1x128xi32, #tpu.memory_space<hbm>> -> memref<128xi32, #tpu.memory_space<hbm>>
        %dma_start3A_142 = arith.constant 0 : i32
        %dma_start3A_143 = tpu.memref_slice %arg3[%add3A_138, %dma_start3A_142] : memref<2560x128xi32, #tpu.memory_space<hbm>> -> memref<1x128xi32, #tpu.memory_space<hbm>>
        %dma_start3A_144 = tpu.memref_squeeze %dma_start3A_143 : memref<1x128xi32, #tpu.memory_space<hbm>> -> memref<128xi32, #tpu.memory_space<hbm>>
        tpu.enqueue_dma source(%dma_start3A_144 : memref<128xi32, #tpu.memory_space<hbm>>) target(%arg7 : memref<128xi32, #tpu.memory_space<vmem>>) target_semaphore(%arg15 : memref<!tpu.dma_semaphore, #tpu.memory_space<semaphore_mem>>)
        %add3A_145 = arith.addi %add3A_11, %add3A_137 : i32
        %dma_start3A_146 = arith.constant 0 : i32
        %dma_start3A_147 = tpu.memref_slice %arg4[%add3A_145, %dma_start3A_146] : memref<2560x128xi32, #tpu.memory_space<hbm>> -> memref<1x128xi32, #tpu.memory_space<hbm>>
        %dma_start3A_148 = tpu.memref_squeeze %dma_start3A_147 : memref<1x128xi32, #tpu.memory_space<hbm>> -> memref<128xi32, #tpu.memory_space<hbm>>
        %dma_start3A_149 = arith.constant 0 : i32
        %dma_start3A_150 = tpu.memref_slice %arg4[%add3A_145, %dma_start3A_149] : memref<2560x128xi32, #tpu.memory_space<hbm>> -> memref<1x128xi32, #tpu.memory_space<hbm>>
        %dma_start3A_151 = tpu.memref_squeeze %dma_start3A_150 : memref<1x128xi32, #tpu.memory_space<hbm>> -> memref<128xi32, #tpu.memory_space<hbm>>
        tpu.enqueue_dma source(%dma_start3A_151 : memref<128xi32, #tpu.memory_space<hbm>>) target(%arg10 : memref<128xi32, #tpu.memory_space<vmem>>) target_semaphore(%arg15 : memref<!tpu.dma_semaphore, #tpu.memory_space<semaphore_mem>>)
        %add3A_152 = arith.addi %add3A_11, %add3A_135 : i32
        %dma_wait3A_153 = arith.constant 0 : i32
        %dma_wait3A_154 = tpu.memref_slice %arg3[%add3A_152, %dma_wait3A_153] : memref<2560x128xi32, #tpu.memory_space<hbm>> -> memref<1x128xi32, #tpu.memory_space<hbm>>
        %dma_wait3A_155 = tpu.memref_squeeze %dma_wait3A_154 : memref<1x128xi32, #tpu.memory_space<hbm>> -> memref<128xi32, #tpu.memory_space<hbm>>
        %dma_wait3A_156 = arith.constant 0 : i32
        %dma_wait3A_157 = tpu.memref_slice %arg3[%add3A_152, %dma_wait3A_156] : memref<2560x128xi32, #tpu.memory_space<hbm>> -> memref<1x128xi32, #tpu.memory_space<hbm>>
        %dma_wait3A_158 = tpu.memref_squeeze %dma_wait3A_157 : memref<1x128xi32, #tpu.memory_space<hbm>> -> memref<128xi32, #tpu.memory_space<hbm>>
        tpu.wait_dma2 semaphore(%arg16 : memref<!tpu.dma_semaphore, #tpu.memory_space<semaphore_mem>>) src(%dma_wait3A_158 : memref<128xi32, #tpu.memory_space<hbm>>) dst(%arg8 : memref<128xi32, #tpu.memory_space<vmem>>)
        %add3A_159 = arith.addi %add3A_11, %add3A_135 : i32
        %dma_wait3A_160 = arith.constant 0 : i32
        %dma_wait3A_161 = tpu.memref_slice %arg4[%add3A_159, %dma_wait3A_160] : memref<2560x128xi32, #tpu.memory_space<hbm>> -> memref<1x128xi32, #tpu.memory_space<hbm>>
        %dma_wait3A_162 = tpu.memref_squeeze %dma_wait3A_161 : memref<1x128xi32, #tpu.memory_space<hbm>> -> memref<128xi32, #tpu.memory_space<hbm>>
        %dma_wait3A_163 = arith.constant 0 : i32
        %dma_wait3A_164 = tpu.memref_slice %arg4[%add3A_159, %dma_wait3A_163] : memref<2560x128xi32, #tpu.memory_space<hbm>> -> memref<1x128xi32, #tpu.memory_space<hbm>>
        %dma_wait3A_165 = tpu.memref_squeeze %dma_wait3A_164 : memref<1x128xi32, #tpu.memory_space<hbm>> -> memref<128xi32, #tpu.memory_space<hbm>>
        tpu.wait_dma2 semaphore(%arg16 : memref<!tpu.dma_semaphore, #tpu.memory_space<semaphore_mem>>) src(%dma_wait3A_165 : memref<128xi32, #tpu.memory_space<hbm>>) dst(%arg11 : memref<128xi32, #tpu.memory_space<vmem>>)
        %dma_start3A_166 = arith.constant 0 : i32
        %dma_start3A_167 = arith.constant 0 : i32
        %dma_start3A_168 = tpu.memref_slice %arg2[%dma_start3A_166, %dma_start3A_167] : memref<10000x128xf32, #tpu.memory_space<hbm>> -> memref<10000x128xf32, #tpu.memory_space<hbm>>
        tpu.enqueue_indirect_dma source(%dma_start3A_168 : memref<10000x128xf32, #tpu.memory_space<hbm>>) target(%arg13 : memref<128x128xf32, #tpu.memory_space<vmem>>) offsets(%arg8 : memref<128xi32, #tpu.memory_space<vmem>>) semaphore(%arg18 : memref<!tpu.dma_semaphore, #tpu.memory_space<semaphore_mem>>)
        %dma_wait3A_169 = arith.constant 0 : i32
        %dma_wait3A_170 = arith.constant 0 : i32
        %dma_wait3A_171 = tpu.memref_slice %arg2[%dma_wait3A_169, %dma_wait3A_170] : memref<10000x128xf32, #tpu.memory_space<hbm>> -> memref<10000x128xf32, #tpu.memory_space<hbm>>
        tpu.wait_indirect_dma semaphore(%arg18 : memref<!tpu.dma_semaphore, #tpu.memory_space<semaphore_mem>>) src(%dma_wait3A_171 : memref<10000x128xf32, #tpu.memory_space<hbm>>) dst(%arg13 : memref<128x128xf32, #tpu.memory_space<vmem>>)
        "tpu.region"() ({
          %run_scoped3A = tpu.sem_alloc : memref<!tpu.dma_semaphore, #tpu.memory_space<semaphore_mem>>
          %dma_start3A_212 = arith.constant 0 : i32
          %dma_start3A_213 = arith.constant 0 : i32
          %dma_start3A_214 = tpu.memref_slice %arg14[%dma_start3A_212, %dma_start3A_213] : memref<10112x128xf32, #tpu.memory_space<vmem_shared>> -> memref<10112x128xf32, #tpu.memory_space<vmem_shared>>
          tpu.enqueue_indirect_dma source(%arg13 : memref<128x128xf32, #tpu.memory_space<vmem>>) target(%dma_start3A_214 : memref<10112x128xf32, #tpu.memory_space<vmem_shared>>) offsets(%arg11 : memref<128xi32, #tpu.memory_space<vmem>>) semaphore(%run_scoped3A : memref<!tpu.dma_semaphore, #tpu.memory_space<semaphore_mem>>) {add = true}
          %dma_wait3A_215 = arith.constant 0 : i32
          %dma_wait3A_216 = arith.constant 0 : i32
          %dma_wait3A_217 = tpu.memref_slice %arg14[%dma_wait3A_215, %dma_wait3A_216] : memref<10112x128xf32, #tpu.memory_space<vmem_shared>> -> memref<10112x128xf32, #tpu.memory_space<vmem_shared>>
          tpu.wait_indirect_dma semaphore(%run_scoped3A : memref<!tpu.dma_semaphore, #tpu.memory_space<semaphore_mem>>) src(%arg13 : memref<128x128xf32, #tpu.memory_space<vmem>>) dst(%dma_wait3A_217 : memref<10112x128xf32, #tpu.memory_space<vmem_shared>>)
          tpu.yield
        }) : () -> ()
        %mul3A_172 = arith.constant 3 : i32
        %mul3A_173 = arith.muli %scan3A_91, %mul3A_172 : i32
        %add3A_174 = arith.constant 2 : i32
        %add3A_175 = arith.addi %mul3A_173, %add3A_174 : i32
        %add3A_176 = arith.constant 2 : i32
        %add3A_177 = arith.addi %add3A_175, %add3A_176 : i32
        %add3A_178 = arith.addi %add3A_11, %add3A_177 : i32
        %dma_start3A_179 = arith.constant 0 : i32
        %dma_start3A_180 = tpu.memref_slice %arg3[%add3A_178, %dma_start3A_179] : memref<2560x128xi32, #tpu.memory_space<hbm>> -> memref<1x128xi32, #tpu.memory_space<hbm>>
        %dma_start3A_181 = tpu.memref_squeeze %dma_start3A_180 : memref<1x128xi32, #tpu.memory_space<hbm>> -> memref<128xi32, #tpu.memory_space<hbm>>
        %dma_start3A_182 = arith.constant 0 : i32
        %dma_start3A_183 = tpu.memref_slice %arg3[%add3A_178, %dma_start3A_182] : memref<2560x128xi32, #tpu.memory_space<hbm>> -> memref<1x128xi32, #tpu.memory_space<hbm>>
        %dma_start3A_184 = tpu.memref_squeeze %dma_start3A_183 : memref<1x128xi32, #tpu.memory_space<hbm>> -> memref<128xi32, #tpu.memory_space<hbm>>
        tpu.enqueue_dma source(%dma_start3A_184 : memref<128xi32, #tpu.memory_space<hbm>>) target(%arg8 : memref<128xi32, #tpu.memory_space<vmem>>) target_semaphore(%arg16 : memref<!tpu.dma_semaphore, #tpu.memory_space<semaphore_mem>>)
        %add3A_185 = arith.addi %add3A_11, %add3A_177 : i32
        %dma_start3A_186 = arith.constant 0 : i32
        %dma_start3A_187 = tpu.memref_slice %arg4[%add3A_185, %dma_start3A_186] : memref<2560x128xi32, #tpu.memory_space<hbm>> -> memref<1x128xi32, #tpu.memory_space<hbm>>
        %dma_start3A_188 = tpu.memref_squeeze %dma_start3A_187 : memref<1x128xi32, #tpu.memory_space<hbm>> -> memref<128xi32, #tpu.memory_space<hbm>>
        %dma_start3A_189 = arith.constant 0 : i32
        %dma_start3A_190 = tpu.memref_slice %arg4[%add3A_185, %dma_start3A_189] : memref<2560x128xi32, #tpu.memory_space<hbm>> -> memref<1x128xi32, #tpu.memory_space<hbm>>
        %dma_start3A_191 = tpu.memref_squeeze %dma_start3A_190 : memref<1x128xi32, #tpu.memory_space<hbm>> -> memref<128xi32, #tpu.memory_space<hbm>>
        tpu.enqueue_dma source(%dma_start3A_191 : memref<128xi32, #tpu.memory_space<hbm>>) target(%arg11 : memref<128xi32, #tpu.memory_space<vmem>>) target_semaphore(%arg16 : memref<!tpu.dma_semaphore, #tpu.memory_space<semaphore_mem>>)
        %add3A_192 = arith.addi %add3A_11, %add3A_175 : i32
        %dma_wait3A_193 = arith.constant 0 : i32
        %dma_wait3A_194 = tpu.memref_slice %arg3[%add3A_192, %dma_wait3A_193] : memref<2560x128xi32, #tpu.memory_space<hbm>> -> memref<1x128xi32, #tpu.memory_space<hbm>>
        %dma_wait3A_195 = tpu.memref_squeeze %dma_wait3A_194 : memref<1x128xi32, #tpu.memory_space<hbm>> -> memref<128xi32, #tpu.memory_space<hbm>>
        %dma_wait3A_196 = arith.constant 0 : i32
        %dma_wait3A_197 = tpu.memref_slice %arg3[%add3A_192, %dma_wait3A_196] : memref<2560x128xi32, #tpu.memory_space<hbm>> -> memref<1x128xi32, #tpu.memory_space<hbm>>
        %dma_wait3A_198 = tpu.memref_squeeze %dma_wait3A_197 : memref<1x128xi32, #tpu.memory_space<hbm>> -> memref<128xi32, #tpu.memory_space<hbm>>
        tpu.wait_dma2 semaphore(%arg17 : memref<!tpu.dma_semaphore, #tpu.memory_space<semaphore_mem>>) src(%dma_wait3A_198 : memref<128xi32, #tpu.memory_space<hbm>>) dst(%arg9 : memref<128xi32, #tpu.memory_space<vmem>>)
        %add3A_199 = arith.addi %add3A_11, %add3A_175 : i32
        %dma_wait3A_200 = arith.constant 0 : i32
        %dma_wait3A_201 = tpu.memref_slice %arg4[%add3A_199, %dma_wait3A_200] : memref<2560x128xi32, #tpu.memory_space<hbm>> -> memref<1x128xi32, #tpu.memory_space<hbm>>
        %dma_wait3A_202 = tpu.memref_squeeze %dma_wait3A_201 : memref<1x128xi32, #tpu.memory_space<hbm>> -> memref<128xi32, #tpu.memory_space<hbm>>
        %dma_wait3A_203 = arith.constant 0 : i32
        %dma_wait3A_204 = tpu.memref_slice %arg4[%add3A_199, %dma_wait3A_203] : memref<2560x128xi32, #tpu.memory_space<hbm>> -> memref<1x128xi32, #tpu.memory_space<hbm>>
        %dma_wait3A_205 = tpu.memref_squeeze %dma_wait3A_204 : memref<1x128xi32, #tpu.memory_space<hbm>> -> memref<128xi32, #tpu.memory_space<hbm>>
        tpu.wait_dma2 semaphore(%arg17 : memref<!tpu.dma_semaphore, #tpu.memory_space<semaphore_mem>>) src(%dma_wait3A_205 : memref<128xi32, #tpu.memory_space<hbm>>) dst(%arg12 : memref<128xi32, #tpu.memory_space<vmem>>)
        %dma_start3A_206 = arith.constant 0 : i32
        %dma_start3A_207 = arith.constant 0 : i32
        %dma_start3A_208 = tpu.memref_slice %arg2[%dma_start3A_206, %dma_start3A_207] : memref<10000x128xf32, #tpu.memory_space<hbm>> -> memref<10000x128xf32, #tpu.memory_space<hbm>>
        tpu.enqueue_indirect_dma source(%dma_start3A_208 : memref<10000x128xf32, #tpu.memory_space<hbm>>) target(%arg13 : memref<128x128xf32, #tpu.memory_space<vmem>>) offsets(%arg9 : memref<128xi32, #tpu.memory_space<vmem>>) semaphore(%arg18 : memref<!tpu.dma_semaphore, #tpu.memory_space<semaphore_mem>>)
        %dma_wait3A_209 = arith.constant 0 : i32
        %dma_wait3A_210 = arith.constant 0 : i32
        %dma_wait3A_211 = tpu.memref_slice %arg2[%dma_wait3A_209, %dma_wait3A_210] : memref<10000x128xf32, #tpu.memory_space<hbm>> -> memref<10000x128xf32, #tpu.memory_space<hbm>>
        tpu.wait_indirect_dma semaphore(%arg18 : memref<!tpu.dma_semaphore, #tpu.memory_space<semaphore_mem>>) src(%dma_wait3A_211 : memref<10000x128xf32, #tpu.memory_space<hbm>>) dst(%arg13 : memref<128x128xf32, #tpu.memory_space<vmem>>)
        "tpu.region"() ({
          %run_scoped3A = tpu.sem_alloc : memref<!tpu.dma_semaphore, #tpu.memory_space<semaphore_mem>>
          %dma_start3A_212 = arith.constant 0 : i32
          %dma_start3A_213 = arith.constant 0 : i32
          %dma_start3A_214 = tpu.memref_slice %arg14[%dma_start3A_212, %dma_start3A_213] : memref<10112x128xf32, #tpu.memory_space<vmem_shared>> -> memref<10112x128xf32, #tpu.memory_space<vmem_shared>>
          tpu.enqueue_indirect_dma source(%arg13 : memref<128x128xf32, #tpu.memory_space<vmem>>) target(%dma_start3A_214 : memref<10112x128xf32, #tpu.memory_space<vmem_shared>>) offsets(%arg12 : memref<128xi32, #tpu.memory_space<vmem>>) semaphore(%run_scoped3A : memref<!tpu.dma_semaphore, #tpu.memory_space<semaphore_mem>>) {add = true}
          %dma_wait3A_215 = arith.constant 0 : i32
          %dma_wait3A_216 = arith.constant 0 : i32
          %dma_wait3A_217 = tpu.memref_slice %arg14[%dma_wait3A_215, %dma_wait3A_216] : memref<10112x128xf32, #tpu.memory_space<vmem_shared>> -> memref<10112x128xf32, #tpu.memory_space<vmem_shared>>
          tpu.wait_indirect_dma semaphore(%run_scoped3A : memref<!tpu.dma_semaphore, #tpu.memory_space<semaphore_mem>>) src(%arg13 : memref<128x128xf32, #tpu.memory_space<vmem>>) dst(%dma_wait3A_217 : memref<10112x128xf32, #tpu.memory_space<vmem_shared>>)
          tpu.yield
        }) : () -> ()
      }
      %scan3A_47 = arith.constant 6 : i32
      %add3A_48 = arith.constant 18 : i32
      %add3A_49 = arith.addi %add3A_11, %add3A_48 : i32
      %dma_wait3A = arith.constant 0 : i32
      %dma_wait3A_50 = tpu.memref_slice %arg3[%add3A_49, %dma_wait3A] : memref<2560x128xi32, #tpu.memory_space<hbm>> -> memref<1x128xi32, #tpu.memory_space<hbm>>
      %dma_wait3A_51 = tpu.memref_squeeze %dma_wait3A_50 : memref<1x128xi32, #tpu.memory_space<hbm>> -> memref<128xi32, #tpu.memory_space<hbm>>
      %dma_wait3A_52 = arith.constant 0 : i32
      %dma_wait3A_53 = tpu.memref_slice %arg3[%add3A_49, %dma_wait3A_52] : memref<2560x128xi32, #tpu.memory_space<hbm>> -> memref<1x128xi32, #tpu.memory_space<hbm>>
      %dma_wait3A_54 = tpu.memref_squeeze %dma_wait3A_53 : memref<1x128xi32, #tpu.memory_space<hbm>> -> memref<128xi32, #tpu.memory_space<hbm>>
      tpu.wait_dma2 semaphore(%arg15 : memref<!tpu.dma_semaphore, #tpu.memory_space<semaphore_mem>>) src(%dma_wait3A_54 : memref<128xi32, #tpu.memory_space<hbm>>) dst(%arg7 : memref<128xi32, #tpu.memory_space<vmem>>)
      %add3A_55 = arith.constant 18 : i32
      %add3A_56 = arith.addi %add3A_11, %add3A_55 : i32
      %dma_wait3A_57 = arith.constant 0 : i32
      %dma_wait3A_58 = tpu.memref_slice %arg4[%add3A_56, %dma_wait3A_57] : memref<2560x128xi32, #tpu.memory_space<hbm>> -> memref<1x128xi32, #tpu.memory_space<hbm>>
      %dma_wait3A_59 = tpu.memref_squeeze %dma_wait3A_58 : memref<1x128xi32, #tpu.memory_space<hbm>> -> memref<128xi32, #tpu.memory_space<hbm>>
      %dma_wait3A_60 = arith.constant 0 : i32
      %dma_wait3A_61 = tpu.memref_slice %arg4[%add3A_56, %dma_wait3A_60] : memref<2560x128xi32, #tpu.memory_space<hbm>> -> memref<1x128xi32, #tpu.memory_space<hbm>>
      %dma_wait3A_62 = tpu.memref_squeeze %dma_wait3A_61 : memref<1x128xi32, #tpu.memory_space<hbm>> -> memref<128xi32, #tpu.memory_space<hbm>>
      tpu.wait_dma2 semaphore(%arg15 : memref<!tpu.dma_semaphore, #tpu.memory_space<semaphore_mem>>) src(%dma_wait3A_62 : memref<128xi32, #tpu.memory_space<hbm>>) dst(%arg10 : memref<128xi32, #tpu.memory_space<vmem>>)
      %dma_start3A_63 = arith.constant 0 : i32
      %dma_start3A_64 = arith.constant 0 : i32
      %dma_start3A_65 = tpu.memref_slice %arg2[%dma_start3A_63, %dma_start3A_64] : memref<10000x128xf32, #tpu.memory_space<hbm>> -> memref<10000x128xf32, #tpu.memory_space<hbm>>
      tpu.enqueue_indirect_dma source(%dma_start3A_65 : memref<10000x128xf32, #tpu.memory_space<hbm>>) target(%arg13 : memref<128x128xf32, #tpu.memory_space<vmem>>) offsets(%arg7 : memref<128xi32, #tpu.memory_space<vmem>>) semaphore(%arg18 : memref<!tpu.dma_semaphore, #tpu.memory_space<semaphore_mem>>)
      %dma_wait3A_66 = arith.constant 0 : i32
      %dma_wait3A_67 = arith.constant 0 : i32
      %dma_wait3A_68 = tpu.memref_slice %arg2[%dma_wait3A_66, %dma_wait3A_67] : memref<10000x128xf32, #tpu.memory_space<hbm>> -> memref<10000x128xf32, #tpu.memory_space<hbm>>
      tpu.wait_indirect_dma semaphore(%arg18 : memref<!tpu.dma_semaphore, #tpu.memory_space<semaphore_mem>>) src(%dma_wait3A_68 : memref<10000x128xf32, #tpu.memory_space<hbm>>) dst(%arg13 : memref<128x128xf32, #tpu.memory_space<vmem>>)
      "tpu.region"() ({
        %run_scoped3A = tpu.sem_alloc : memref<!tpu.dma_semaphore, #tpu.memory_space<semaphore_mem>>
        %dma_start3A_91 = arith.constant 0 : i32
        %dma_start3A_92 = arith.constant 0 : i32
        %dma_start3A_93 = tpu.memref_slice %arg14[%dma_start3A_91, %dma_start3A_92] : memref<10112x128xf32, #tpu.memory_space<vmem_shared>> -> memref<10112x128xf32, #tpu.memory_space<vmem_shared>>
        tpu.enqueue_indirect_dma source(%arg13 : memref<128x128xf32, #tpu.memory_space<vmem>>) target(%dma_start3A_93 : memref<10112x128xf32, #tpu.memory_space<vmem_shared>>) offsets(%arg10 : memref<128xi32, #tpu.memory_space<vmem>>) semaphore(%run_scoped3A : memref<!tpu.dma_semaphore, #tpu.memory_space<semaphore_mem>>) {add = true}
        %dma_wait3A_94 = arith.constant 0 : i32
        %dma_wait3A_95 = arith.constant 0 : i32
        %dma_wait3A_96 = tpu.memref_slice %arg14[%dma_wait3A_94, %dma_wait3A_95] : memref<10112x128xf32, #tpu.memory_space<vmem_shared>> -> memref<10112x128xf32, #tpu.memory_space<vmem_shared>>
        tpu.wait_indirect_dma semaphore(%run_scoped3A : memref<!tpu.dma_semaphore, #tpu.memory_space<semaphore_mem>>) src(%arg13 : memref<128x128xf32, #tpu.memory_space<vmem>>) dst(%dma_wait3A_96 : memref<10112x128xf32, #tpu.memory_space<vmem_shared>>)
        tpu.yield
      }) : () -> ()
      %add3A_69 = arith.constant 19 : i32
      %add3A_70 = arith.addi %add3A_11, %add3A_69 : i32
      %dma_wait3A_71 = arith.constant 0 : i32
      %dma_wait3A_72 = tpu.memref_slice %arg3[%add3A_70, %dma_wait3A_71] : memref<2560x128xi32, #tpu.memory_space<hbm>> -> memref<1x128xi32, #tpu.memory_space<hbm>>
      %dma_wait3A_73 = tpu.memref_squeeze %dma_wait3A_72 : memref<1x128xi32, #tpu.memory_space<hbm>> -> memref<128xi32, #tpu.memory_space<hbm>>
      %dma_wait3A_74 = arith.constant 0 : i32
      %dma_wait3A_75 = tpu.memref_slice %arg3[%add3A_70, %dma_wait3A_74] : memref<2560x128xi32, #tpu.memory_space<hbm>> -> memref<1x128xi32, #tpu.memory_space<hbm>>
      %dma_wait3A_76 = tpu.memref_squeeze %dma_wait3A_75 : memref<1x128xi32, #tpu.memory_space<hbm>> -> memref<128xi32, #tpu.memory_space<hbm>>
      tpu.wait_dma2 semaphore(%arg16 : memref<!tpu.dma_semaphore, #tpu.memory_space<semaphore_mem>>) src(%dma_wait3A_76 : memref<128xi32, #tpu.memory_space<hbm>>) dst(%arg8 : memref<128xi32, #tpu.memory_space<vmem>>)
      %add3A_77 = arith.constant 19 : i32
      %add3A_78 = arith.addi %add3A_11, %add3A_77 : i32
      %dma_wait3A_79 = arith.constant 0 : i32
      %dma_wait3A_80 = tpu.memref_slice %arg4[%add3A_78, %dma_wait3A_79] : memref<2560x128xi32, #tpu.memory_space<hbm>> -> memref<1x128xi32, #tpu.memory_space<hbm>>
      %dma_wait3A_81 = tpu.memref_squeeze %dma_wait3A_80 : memref<1x128xi32, #tpu.memory_space<hbm>> -> memref<128xi32, #tpu.memory_space<hbm>>
      %dma_wait3A_82 = arith.constant 0 : i32
      %dma_wait3A_83 = tpu.memref_slice %arg4[%add3A_78, %dma_wait3A_82] : memref<2560x128xi32, #tpu.memory_space<hbm>> -> memref<1x128xi32, #tpu.memory_space<hbm>>
      %dma_wait3A_84 = tpu.memref_squeeze %dma_wait3A_83 : memref<1x128xi32, #tpu.memory_space<hbm>> -> memref<128xi32, #tpu.memory_space<hbm>>
      tpu.wait_dma2 semaphore(%arg16 : memref<!tpu.dma_semaphore, #tpu.memory_space<semaphore_mem>>) src(%dma_wait3A_84 : memref<128xi32, #tpu.memory_space<hbm>>) dst(%arg11 : memref<128xi32, #tpu.memory_space<vmem>>)
      %dma_start3A_85 = arith.constant 0 : i32
      %dma_start3A_86 = arith.constant 0 : i32
      %dma_start3A_87 = tpu.memref_slice %arg2[%dma_start3A_85, %dma_start3A_86] : memref<10000x128xf32, #tpu.memory_space<hbm>> -> memref<10000x128xf32, #tpu.memory_space<hbm>>
      tpu.enqueue_indirect_dma source(%dma_start3A_87 : memref<10000x128xf32, #tpu.memory_space<hbm>>) target(%arg13 : memref<128x128xf32, #tpu.memory_space<vmem>>) offsets(%arg8 : memref<128xi32, #tpu.memory_space<vmem>>) semaphore(%arg18 : memref<!tpu.dma_semaphore, #tpu.memory_space<semaphore_mem>>)
      %dma_wait3A_88 = arith.constant 0 : i32
      %dma_wait3A_89 = arith.constant 0 : i32
      %dma_wait3A_90 = tpu.memref_slice %arg2[%dma_wait3A_88, %dma_wait3A_89] : memref<10000x128xf32, #tpu.memory_space<hbm>> -> memref<10000x128xf32, #tpu.memory_space<hbm>>
      tpu.wait_indirect_dma semaphore(%arg18 : memref<!tpu.dma_semaphore, #tpu.memory_space<semaphore_mem>>) src(%dma_wait3A_90 : memref<10000x128xf32, #tpu.memory_space<hbm>>) dst(%arg13 : memref<128x128xf32, #tpu.memory_space<vmem>>)
      "tpu.region"() ({
        %run_scoped3A = tpu.sem_alloc : memref<!tpu.dma_semaphore, #tpu.memory_space<semaphore_mem>>
        %dma_start3A_91 = arith.constant 0 : i32
        %dma_start3A_92 = arith.constant 0 : i32
        %dma_start3A_93 = tpu.memref_slice %arg14[%dma_start3A_91, %dma_start3A_92] : memref<10112x128xf32, #tpu.memory_space<vmem_shared>> -> memref<10112x128xf32, #tpu.memory_space<vmem_shared>>
        tpu.enqueue_indirect_dma source(%arg13 : memref<128x128xf32, #tpu.memory_space<vmem>>) target(%dma_start3A_93 : memref<10112x128xf32, #tpu.memory_space<vmem_shared>>) offsets(%arg11 : memref<128xi32, #tpu.memory_space<vmem>>) semaphore(%run_scoped3A : memref<!tpu.dma_semaphore, #tpu.memory_space<semaphore_mem>>) {add = true}
        %dma_wait3A_94 = arith.constant 0 : i32
        %dma_wait3A_95 = arith.constant 0 : i32
        %dma_wait3A_96 = tpu.memref_slice %arg14[%dma_wait3A_94, %dma_wait3A_95] : memref<10112x128xf32, #tpu.memory_space<vmem_shared>> -> memref<10112x128xf32, #tpu.memory_space<vmem_shared>>
        tpu.wait_indirect_dma semaphore(%run_scoped3A : memref<!tpu.dma_semaphore, #tpu.memory_space<semaphore_mem>>) src(%arg13 : memref<128x128xf32, #tpu.memory_space<vmem>>) dst(%dma_wait3A_96 : memref<10112x128xf32, #tpu.memory_space<vmem_shared>>)
        tpu.yield
      }) : () -> ()
    } else {
    }
    %barrier3A_8 = arith.constant 0 : index
    tpu.barrier barrier_id(%barrier3A_8)
    "tpu.region"() ({
      %run_scoped3A = tpu.sem_alloc : memref<!tpu.dma_semaphore, #tpu.memory_space<semaphore_mem>>
      %dma_start3A = arith.constant 0 : i32
      %dma_start3A_9 = tpu.memref_slice %arg6[%arg0, %mul3A_0, %dma_start3A] : memref<2x10112x128xf32, #tpu.memory_space<hbm>> -> memref<1x632x128xf32, #tpu.memory_space<hbm>>
      %dma_start3A_10 = tpu.memref_squeeze %dma_start3A_9 : memref<1x632x128xf32, #tpu.memory_space<hbm>> -> memref<632x128xf32, #tpu.memory_space<hbm>>
      %dma_start3A_11 = arith.constant 0 : i32
      %dma_start3A_12 = tpu.memref_slice %arg14[%mul3A_0, %dma_start3A_11] : memref<10112x128xf32, #tpu.memory_space<vmem_shared>> -> memref<632x128xf32, #tpu.memory_space<vmem_shared>>
      tpu.enqueue_dma source(%dma_start3A_12 : memref<632x128xf32, #tpu.memory_space<vmem_shared>>) target(%dma_start3A_10 : memref<632x128xf32, #tpu.memory_space<hbm>>) target_semaphore(%run_scoped3A : memref<!tpu.dma_semaphore, #tpu.memory_space<semaphore_mem>>)
      %dma_wait3A = arith.constant 0 : i32
      %dma_wait3A_13 = tpu.memref_slice %arg6[%arg0, %mul3A_0, %dma_wait3A] : memref<2x10112x128xf32, #tpu.memory_space<hbm>> -> memref<1x632x128xf32, #tpu.memory_space<hbm>>
      %dma_wait3A_14 = tpu.memref_squeeze %dma_wait3A_13 : memref<1x632x128xf32, #tpu.memory_space<hbm>> -> memref<632x128xf32, #tpu.memory_space<hbm>>
      %dma_wait3A_15 = arith.constant 0 : i32
      %dma_wait3A_16 = tpu.memref_slice %arg14[%mul3A_0, %dma_wait3A_15] : memref<10112x128xf32, #tpu.memory_space<vmem_shared>> -> memref<632x128xf32, #tpu.memory_space<vmem_shared>>
      tpu.wait_dma2 semaphore(%run_scoped3A : memref<!tpu.dma_semaphore, #tpu.memory_space<semaphore_mem>>) src(%dma_wait3A_16 : memref<632x128xf32, #tpu.memory_space<vmem_shared>>) dst(%dma_wait3A_14 : memref<632x128xf32, #tpu.memory_space<hbm>>)
      tpu.yield
    }) : () -> ()
    return
  }
}

module attributes {stable_mosaic.version = 14 : i64} {
  func.func @_emb_body(%arg0: i32, %arg1: memref<2000x128xf32, #tpu.memory_space<vmem>>, %arg2: memref<128x128xf32, #tpu.memory_space<vmem>>, %arg3: memref<1x128xf32, #tpu.memory_space<vmem>>, %arg4: memref<2000x128xf32, #tpu.memory_space<vmem>>) attributes {dimension_semantics = [#tpu.dimension_semantics<arbitrary>], iteration_bounds = array<i64: 5>, scalar_prefetch = 0 : i64, scratch_operands = 0 : i64, tpu.core_type = #tpu.core_type<tc>, window_params = [{transform_indices = @transform_0, window_bounds = array<i64: 2000, 128>}, {pipeline_mode = #tpu.pipeline_mode<synchronous>, transform_indices = @transform_1, window_bounds = array<i64: 128, 128>}, {pipeline_mode = #tpu.pipeline_mode<synchronous>, transform_indices = @transform_2, window_bounds = array<i64: 1, 128>}, {transform_indices = @transform_3, window_bounds = array<i64: 2000, 128>}]} {
    %get3A = arith.constant 0 : index
    %get3A_0 = arith.constant 0 : index
    %get3A_1 = vector.load %arg1[%get3A, %get3A_0] : memref<2000x128xf32, #tpu.memory_space<vmem>>, vector<2000x128xf32>
    %get3A_2 = arith.constant 0 : index
    %get3A_3 = arith.constant 0 : index
    %get3A_4 = vector.load %arg2[%get3A_2, %get3A_3] : memref<128x128xf32, #tpu.memory_space<vmem>>, vector<128x128xf32>
    %dot_general3A = arith.constant dense<0.000000e+00> : vector<2000x128xf32>
    %dot_general3A_5 = tpu.matmul %get3A_1, %get3A_4, %dot_general3A {dimension_numbers = #tpu.dot_dimension_numbers<[1], [0], [0], [1], [0, 0, 1, 1], [], []>, precision = #tpu.contract_precision<fp32>, transpose_lhs_hint = false} : vector<2000x128xf32>, vector<128x128xf32>, vector<2000x128xf32> -> vector<2000x128xf32>
    %get3A_6 = arith.constant 0 : index
    %get3A_7 = arith.constant 0 : index
    %get3A_8 = vector.load %arg3[%get3A_6, %get3A_7] : memref<1x128xf32, #tpu.memory_space<vmem>>, vector<1x128xf32>
    %add3A = vector.broadcast %get3A_8 : vector<1x128xf32> to vector<2000x128xf32>
    %add3A_9 = arith.addf %dot_general3A_5, %add3A : vector<2000x128xf32>
    %swap3A = arith.constant 0 : index
    %swap3A_10 = arith.constant 0 : index
    %swap3A_11 = vector.load %arg4[%swap3A, %swap3A_10] : memref<2000x128xf32, #tpu.memory_space<vmem>>, vector<2000x128xf32>
    tpu.vector_store %arg4[%swap3A, %swap3A_10], %add3A_9 {strides = array<i32>} : memref<2000x128xf32, #tpu.memory_space<vmem>>, vector<2000x128xf32>,
    return
  }
  func.func @transform_0(%arg0: i32) -> (i32, i32) {
    %c0_i32 = arith.constant 0 : i32
    %c0_i32_0 = arith.constant 0 : i32
    return %arg0, %c0_i32 : i32, i32
  }
  func.func @transform_1(%arg0: i32) -> (i32, i32) {
    %c0_i32 = arith.constant 0 : i32
    %c0_i32_0 = arith.constant 0 : i32
    %c0_i32_1 = arith.constant 0 : i32
    return %c0_i32, %c0_i32_0 : i32, i32
  }
  func.func @transform_2(%arg0: i32) -> (i32, i32) {
    %c0_i32 = arith.constant 0 : i32
    %c0_i32_0 = arith.constant 0 : i32
    %c0_i32_1 = arith.constant 0 : i32
    return %c0_i32, %c0_i32_0 : i32, i32
  }
  func.func @transform_3(%arg0: i32) -> (i32, i32) {
    %c0_i32 = arith.constant 0 : i32
    %c0_i32_0 = arith.constant 0 : i32
    return %arg0, %c0_i32 : i32, i32
  }
}

module attributes {stable_mosaic.version = 14 : i64} {
  func.func @_layer_body(%arg0: i32, %arg1: memref<2000x128xf32, #tpu.memory_space<vmem>>, %arg2: memref<2x2000x128xf32, #tpu.memory_space<vmem>>, %arg3: memref<2x2000x16xf32, #tpu.memory_space<vmem>>, %arg4: memref<128x128xf32, #tpu.memory_space<vmem>>, %arg5: memref<128x128xf32, #tpu.memory_space<vmem>>, %arg6: memref<5x128xf32, #tpu.memory_space<vmem>>, %arg7: memref<2000x128xf32, #tpu.memory_space<vmem>>) attributes {dimension_semantics = [#tpu.dimension_semantics<arbitrary>], iteration_bounds = array<i64: 5>, scalar_prefetch = 0 : i64, scratch_operands = 0 : i64, tpu.core_type = #tpu.core_type<tc>, window_params = [{transform_indices = @transform_0, window_bounds = array<i64: 2000, 128>}, {transform_indices = @transform_1, window_bounds = array<i64: 2, 2000, 128>}, {transform_indices = @transform_2, window_bounds = array<i64: 2, 2000, 16>}, {pipeline_mode = #tpu.pipeline_mode<synchronous>, transform_indices = @transform_3, window_bounds = array<i64: 128, 128>}, {pipeline_mode = #tpu.pipeline_mode<synchronous>, transform_indices = @transform_4, window_bounds = array<i64: 128, 128>}, {pipeline_mode = #tpu.pipeline_mode<synchronous>, transform_indices = @transform_5, window_bounds = array<i64: 5, 128>}, {transform_indices = @transform_6, window_bounds = array<i64: 2000, 128>}]} {
    %get3A = arith.constant 0 : index
    %get3A_0 = arith.constant 0 : index
    %get3A_1 = vector.load %arg1[%get3A, %get3A_0] : memref<2000x128xf32, #tpu.memory_space<vmem>>, vector<2000x128xf32>
    %get3A_2 = arith.constant 0 : index
    %get3A_3 = arith.constant 0 : index
    %get3A_4 = arith.constant 0 : index
    %get3A_5 = vector.load %arg2[%get3A_2, %get3A_3, %get3A_4] : memref<2x2000x128xf32, #tpu.memory_space<vmem>>, vector<1x2000x128xf32>
    %get3A_6 = vector.shape_cast %get3A_5 : vector<1x2000x128xf32> to vector<2000x128xf32>
    %get3A_7 = arith.constant 1 : index
    %get3A_8 = arith.constant 0 : index
    %get3A_9 = arith.constant 0 : index
    %get3A_10 = vector.load %arg2[%get3A_7, %get3A_8, %get3A_9] : memref<2x2000x128xf32, #tpu.memory_space<vmem>>, vector<1x2000x128xf32>
    %get3A_11 = vector.shape_cast %get3A_10 : vector<1x2000x128xf32> to vector<2000x128xf32>
    %add3A = arith.addf %get3A_6, %get3A_11 : vector<2000x128xf32>
    %get3A_12 = arith.constant 0 : index
    %get3A_13 = arith.constant 0 : index
    %get3A_14 = arith.constant 0 : index
    %get3A_15 = vector.load %arg3[%get3A_12, %get3A_13, %get3A_14] : memref<2x2000x16xf32, #tpu.memory_space<vmem>>, vector<1x2000x1xf32>
    %get3A_16 = vector.shape_cast %get3A_15 : vector<1x2000x1xf32> to vector<2000x1xf32>
    %get3A_17 = arith.constant 1 : index
    %get3A_18 = arith.constant 0 : index
    %get3A_19 = arith.constant 0 : index
    %get3A_20 = vector.load %arg3[%get3A_17, %get3A_18, %get3A_19] : memref<2x2000x16xf32, #tpu.memory_space<vmem>>, vector<1x2000x1xf32>
    %get3A_21 = vector.shape_cast %get3A_20 : vector<1x2000x1xf32> to vector<2000x1xf32>
    %add3A_22 = arith.addf %get3A_16, %get3A_21 : vector<2000x1xf32>
    %get3A_23 = arith.constant 0 : index
    %get3A_24 = arith.constant 0 : index
    %get3A_25 = vector.load %arg6[%get3A_23, %get3A_24] : memref<5x128xf32, #tpu.memory_space<vmem>>, vector<1x128xf32>
    %get3A_26 = arith.constant 1 : index
    %get3A_27 = arith.constant 0 : index
    %get3A_28 = vector.load %arg6[%get3A_26, %get3A_27] : memref<5x128xf32, #tpu.memory_space<vmem>>, vector<1x128xf32>
    %get3A_29 = arith.constant 2 : index
    %get3A_30 = arith.constant 0 : index
    %get3A_31 = vector.load %arg6[%get3A_29, %get3A_30] : memref<5x128xf32, #tpu.memory_space<vmem>>, vector<1x128xf32>
    %get3A_32 = arith.constant 3 : index
    %get3A_33 = arith.constant 0 : index
    %get3A_34 = vector.load %arg6[%get3A_32, %get3A_33] : memref<5x128xf32, #tpu.memory_space<vmem>>, vector<1x128xf32>
    %get3A_35 = arith.constant 4 : index
    %get3A_36 = arith.constant 0 : index
    %get3A_37 = vector.load %arg6[%get3A_35, %get3A_36] : memref<5x128xf32, #tpu.memory_space<vmem>>, vector<1x128xf32>
    %get3A_38 = arith.constant 0 : index
    %get3A_39 = arith.constant 0 : index
    %get3A_40 = vector.load %arg5[%get3A_38, %get3A_39] : memref<128x128xf32, #tpu.memory_space<vmem>>, vector<128x128xf32>
    %dot_general3A = arith.constant dense<0.000000e+00> : vector<2000x128xf32>
    %dot_general3A_41 = tpu.matmul %get3A_1, %get3A_40, %dot_general3A {dimension_numbers = #tpu.dot_dimension_numbers<[1], [0], [0], [1], [0, 0, 1, 1], [], []>, precision = #tpu.contract_precision<fp32>, transpose_lhs_hint = false} : vector<2000x128xf32>, vector<128x128xf32>, vector<2000x128xf32> -> vector<2000x128xf32>
    %get3A_42 = arith.constant 0 : index
    %get3A_43 = arith.constant 0 : index
    %get3A_44 = vector.load %arg4[%get3A_42, %get3A_43] : memref<128x128xf32, #tpu.memory_space<vmem>>, vector<128x128xf32>
    %dot_general3A_45 = arith.constant dense<0.000000e+00> : vector<2000x128xf32>
    %dot_general3A_46 = tpu.matmul %add3A, %get3A_44, %dot_general3A_45 {dimension_numbers = #tpu.dot_dimension_numbers<[1], [0], [0], [1], [0, 0, 1, 1], [], []>, precision = #tpu.contract_precision<fp32>, transpose_lhs_hint = false} : vector<2000x128xf32>, vector<128x128xf32>, vector<2000x128xf32> -> vector<2000x128xf32>
    %add3A_47 = vector.broadcast %get3A_25 : vector<1x128xf32> to vector<2000x128xf32>
    %add3A_48 = arith.addf %dot_general3A_41, %add3A_47 : vector<2000x128xf32>
    %mul3A = vector.broadcast %add3A_22 : vector<2000x1xf32> to vector<2000x128xf32>
    %mul3A_49 = arith.mulf %mul3A, %add3A_48 : vector<2000x128xf32>
    %add3A_50 = arith.addf %dot_general3A_46, %mul3A_49 : vector<2000x128xf32>
    %logistic3A = arith.negf %add3A_50 : vector<2000x128xf32>
    %logistic3A_51 = math.exp %logistic3A : vector<2000x128xf32>
    %logistic3A_52 = arith.constant 1.000000e+00 : f32
    %logistic3A_53 = vector.broadcast %logistic3A_52 : f32 to vector<2000x128xf32>
    %logistic3A_54 = arith.addf %logistic3A_53, %logistic3A_51 : vector<2000x128xf32>
    %logistic3A_55 = arith.divf %logistic3A_53, %logistic3A_54 : vector<2000x128xf32>
    %custom_jvp_call3A = arith.constant 0.000000e+00 : f32
    %max3A = vector.broadcast %custom_jvp_call3A : f32 to vector<2000x128xf32>
    %max3A_56 = arith.maximumf %get3A_1, %max3A : vector<2000x128xf32>
    %sub3A = vector.broadcast %custom_jvp_call3A : f32 to vector<2000x128xf32>
    %sub3A_57 = arith.subf %get3A_1, %sub3A : vector<2000x128xf32>
    %ne3A = arith.cmpf one, %sub3A_57, %sub3A_57 : vector<2000x128xf32>
    %add3A_58 = vector.broadcast %custom_jvp_call3A : f32 to vector<2000x128xf32>
    %add3A_59 = arith.addf %get3A_1, %add3A_58 : vector<2000x128xf32>
    %abs3A = math.absf %sub3A_57 : vector<2000x128xf32>
    %neg3A = arith.constant 0.000000e+00 : f32
    %neg3A_60 = vector.broadcast %neg3A : f32 to vector<2000x128xf32>
    %neg3A_61 = arith.subf %neg3A_60, %abs3A : vector<2000x128xf32>
    %exp3A = math.exp %neg3A_61 : vector<2000x128xf32>
    %log1p3A = math.log1p %exp3A : vector<2000x128xf32>
    %add3A_62 = arith.addf %max3A_56, %log1p3A : vector<2000x128xf32>
    %select_n3A = arith.select %ne3A, %add3A_59, %add3A_62 : vector<2000x128xi1>, vector<2000x128xf32>
    %add3A_63 = arith.addf %logistic3A_55, %select_n3A : vector<2000x128xf32>
    %sub3A_64 = vector.broadcast %get3A_34 : vector<1x128xf32> to vector<2000x128xf32>
    %sub3A_65 = arith.subf %add3A_63, %sub3A_64 : vector<2000x128xf32>
    %add3A_66 = arith.constant 1.000000e-03 : f32
    %add3A_67 = vector.broadcast %add3A_66 : f32 to vector<1x128xf32>
    %add3A_68 = arith.addf %get3A_37, %add3A_67 : vector<1x128xf32>
    %sqrt3A = math.sqrt %add3A_68 : vector<1x128xf32>
    %div3A = vector.broadcast %sqrt3A : vector<1x128xf32> to vector<2000x128xf32>
    %div3A_69 = arith.divf %sub3A_65, %div3A : vector<2000x128xf32>
    %mul3A_70 = vector.broadcast %get3A_28 : vector<1x128xf32> to vector<2000x128xf32>
    %mul3A_71 = arith.mulf %div3A_69, %mul3A_70 : vector<2000x128xf32>
    %add3A_72 = vector.broadcast %get3A_31 : vector<1x128xf32> to vector<2000x128xf32>
    %add3A_73 = arith.addf %mul3A_71, %add3A_72 : vector<2000x128xf32>
    %max3A_74 = arith.constant 0.000000e+00 : f32
    %max3A_75 = vector.broadcast %max3A_74 : f32 to vector<2000x128xf32>
    %max3A_76 = arith.maximumf %add3A_73, %max3A_75 : vector<2000x128xf32>
    %swap3A = arith.constant 0 : index
    %swap3A_77 = arith.constant 0 : index
    %swap3A_78 = vector.load %arg7[%swap3A, %swap3A_77] : memref<2000x128xf32, #tpu.memory_space<vmem>>, vector<2000x128xf32>
    tpu.vector_store %arg7[%swap3A, %swap3A_77], %max3A_76 {strides = array<i32>} : memref<2000x128xf32, #tpu.memory_space<vmem>>, vector<2000x128xf32>,
    return
  }
  func.func @transform_0(%arg0: i32) -> (i32, i32) {
    %c0_i32 = arith.constant 0 : i32
    %c0_i32_0 = arith.constant 0 : i32
    return %arg0, %c0_i32 : i32, i32
  }
  func.func @transform_1(%arg0: i32) -> (i32, i32, i32) {
    %c0_i32 = arith.constant 0 : i32
    %c0_i32_0 = arith.constant 0 : i32
    %c0_i32_1 = arith.constant 0 : i32
    return %c0_i32, %arg0, %c0_i32_0 : i32, i32, i32
  }
  func.func @transform_2(%arg0: i32) -> (i32, i32, i32) {
    %c0_i32 = arith.constant 0 : i32
    %c0_i32_0 = arith.constant 0 : i32
    %c0_i32_1 = arith.constant 0 : i32
    return %c0_i32, %arg0, %c0_i32_0 : i32, i32, i32
  }
  func.func @transform_3(%arg0: i32) -> (i32, i32) {
    %c0_i32 = arith.constant 0 : i32
    %c0_i32_0 = arith.constant 0 : i32
    %c0_i32_1 = arith.constant 0 : i32
    return %c0_i32, %c0_i32_0 : i32, i32
  }
  func.func @transform_4(%arg0: i32) -> (i32, i32) {
    %c0_i32 = arith.constant 0 : i32
    %c0_i32_0 = arith.constant 0 : i32
    %c0_i32_1 = arith.constant 0 : i32
    return %c0_i32, %c0_i32_0 : i32, i32
  }
  func.func @transform_5(%arg0: i32) -> (i32, i32) {
    %c0_i32 = arith.constant 0 : i32
    %c0_i32_0 = arith.constant 0 : i32
    %c0_i32_1 = arith.constant 0 : i32
    return %c0_i32, %c0_i32_0 : i32, i32
  }
  func.func @transform_6(%arg0: i32) -> (i32, i32) {
    %c0_i32 = arith.constant 0 : i32
    %c0_i32_0 = arith.constant 0 : i32
    return %arg0, %c0_i32 : i32, i32
  }
}

module attributes {stable_mosaic.version = 14 : i64} {
  func.func @_layer_body(%arg0: i32, %arg1: memref<2000x128xf32, #tpu.memory_space<vmem>>, %arg2: memref<2x2000x128xf32, #tpu.memory_space<vmem>>, %arg3: memref<2x2000x16xf32, #tpu.memory_space<vmem>>, %arg4: memref<128x128xf32, #tpu.memory_space<vmem>>, %arg5: memref<128x128xf32, #tpu.memory_space<vmem>>, %arg6: memref<5x128xf32, #tpu.memory_space<vmem>>, %arg7: memref<2000x128xf32, #tpu.memory_space<vmem>>) attributes {dimension_semantics = [#tpu.dimension_semantics<arbitrary>], iteration_bounds = array<i64: 5>, scalar_prefetch = 0 : i64, scratch_operands = 0 : i64, tpu.core_type = #tpu.core_type<tc>, window_params = [{transform_indices = @transform_0, window_bounds = array<i64: 2000, 128>}, {transform_indices = @transform_1, window_bounds = array<i64: 2, 2000, 128>}, {transform_indices = @transform_2, window_bounds = array<i64: 2, 2000, 16>}, {pipeline_mode = #tpu.pipeline_mode<synchronous>, transform_indices = @transform_3, window_bounds = array<i64: 128, 128>}, {pipeline_mode = #tpu.pipeline_mode<synchronous>, transform_indices = @transform_4, window_bounds = array<i64: 128, 128>}, {pipeline_mode = #tpu.pipeline_mode<synchronous>, transform_indices = @transform_5, window_bounds = array<i64: 5, 128>}, {transform_indices = @transform_6, window_bounds = array<i64: 2000, 128>}]} {
    %get3A = arith.constant 0 : index
    %get3A_0 = arith.constant 0 : index
    %get3A_1 = vector.load %arg1[%get3A, %get3A_0] : memref<2000x128xf32, #tpu.memory_space<vmem>>, vector<2000x128xf32>
    %get3A_2 = arith.constant 0 : index
    %get3A_3 = arith.constant 0 : index
    %get3A_4 = arith.constant 0 : index
    %get3A_5 = vector.load %arg2[%get3A_2, %get3A_3, %get3A_4] : memref<2x2000x128xf32, #tpu.memory_space<vmem>>, vector<1x2000x128xf32>
    %get3A_6 = vector.shape_cast %get3A_5 : vector<1x2000x128xf32> to vector<2000x128xf32>
    %get3A_7 = arith.constant 1 : index
    %get3A_8 = arith.constant 0 : index
    %get3A_9 = arith.constant 0 : index
    %get3A_10 = vector.load %arg2[%get3A_7, %get3A_8, %get3A_9] : memref<2x2000x128xf32, #tpu.memory_space<vmem>>, vector<1x2000x128xf32>
    %get3A_11 = vector.shape_cast %get3A_10 : vector<1x2000x128xf32> to vector<2000x128xf32>
    %add3A = arith.addf %get3A_6, %get3A_11 : vector<2000x128xf32>
    %get3A_12 = arith.constant 0 : index
    %get3A_13 = arith.constant 0 : index
    %get3A_14 = arith.constant 0 : index
    %get3A_15 = vector.load %arg3[%get3A_12, %get3A_13, %get3A_14] : memref<2x2000x16xf32, #tpu.memory_space<vmem>>, vector<1x2000x1xf32>
    %get3A_16 = vector.shape_cast %get3A_15 : vector<1x2000x1xf32> to vector<2000x1xf32>
    %get3A_17 = arith.constant 1 : index
    %get3A_18 = arith.constant 0 : index
    %get3A_19 = arith.constant 0 : index
    %get3A_20 = vector.load %arg3[%get3A_17, %get3A_18, %get3A_19] : memref<2x2000x16xf32, #tpu.memory_space<vmem>>, vector<1x2000x1xf32>
    %get3A_21 = vector.shape_cast %get3A_20 : vector<1x2000x1xf32> to vector<2000x1xf32>
    %add3A_22 = arith.addf %get3A_16, %get3A_21 : vector<2000x1xf32>
    %get3A_23 = arith.constant 0 : index
    %get3A_24 = arith.constant 0 : index
    %get3A_25 = vector.load %arg6[%get3A_23, %get3A_24] : memref<5x128xf32, #tpu.memory_space<vmem>>, vector<1x128xf32>
    %get3A_26 = arith.constant 1 : index
    %get3A_27 = arith.constant 0 : index
    %get3A_28 = vector.load %arg6[%get3A_26, %get3A_27] : memref<5x128xf32, #tpu.memory_space<vmem>>, vector<1x128xf32>
    %get3A_29 = arith.constant 2 : index
    %get3A_30 = arith.constant 0 : index
    %get3A_31 = vector.load %arg6[%get3A_29, %get3A_30] : memref<5x128xf32, #tpu.memory_space<vmem>>, vector<1x128xf32>
    %get3A_32 = arith.constant 3 : index
    %get3A_33 = arith.constant 0 : index
    %get3A_34 = vector.load %arg6[%get3A_32, %get3A_33] : memref<5x128xf32, #tpu.memory_space<vmem>>, vector<1x128xf32>
    %get3A_35 = arith.constant 4 : index
    %get3A_36 = arith.constant 0 : index
    %get3A_37 = vector.load %arg6[%get3A_35, %get3A_36] : memref<5x128xf32, #tpu.memory_space<vmem>>, vector<1x128xf32>
    %get3A_38 = arith.constant 0 : index
    %get3A_39 = arith.constant 0 : index
    %get3A_40 = vector.load %arg5[%get3A_38, %get3A_39] : memref<128x128xf32, #tpu.memory_space<vmem>>, vector<128x128xf32>
    %dot_general3A = arith.constant dense<0.000000e+00> : vector<2000x128xf32>
    %dot_general3A_41 = tpu.matmul %get3A_1, %get3A_40, %dot_general3A {dimension_numbers = #tpu.dot_dimension_numbers<[1], [0], [0], [1], [0, 0, 1, 1], [], []>, precision = #tpu.contract_precision<fp32>, transpose_lhs_hint = false} : vector<2000x128xf32>, vector<128x128xf32>, vector<2000x128xf32> -> vector<2000x128xf32>
    %get3A_42 = arith.constant 0 : index
    %get3A_43 = arith.constant 0 : index
    %get3A_44 = vector.load %arg4[%get3A_42, %get3A_43] : memref<128x128xf32, #tpu.memory_space<vmem>>, vector<128x128xf32>
    %dot_general3A_45 = arith.constant dense<0.000000e+00> : vector<2000x128xf32>
    %dot_general3A_46 = tpu.matmul %add3A, %get3A_44, %dot_general3A_45 {dimension_numbers = #tpu.dot_dimension_numbers<[1], [0], [0], [1], [0, 0, 1, 1], [], []>, precision = #tpu.contract_precision<fp32>, transpose_lhs_hint = false} : vector<2000x128xf32>, vector<128x128xf32>, vector<2000x128xf32> -> vector<2000x128xf32>
    %add3A_47 = vector.broadcast %get3A_25 : vector<1x128xf32> to vector<2000x128xf32>
    %add3A_48 = arith.addf %dot_general3A_41, %add3A_47 : vector<2000x128xf32>
    %mul3A = vector.broadcast %add3A_22 : vector<2000x1xf32> to vector<2000x128xf32>
    %mul3A_49 = arith.mulf %mul3A, %add3A_48 : vector<2000x128xf32>
    %add3A_50 = arith.addf %dot_general3A_46, %mul3A_49 : vector<2000x128xf32>
    %logistic3A = arith.negf %add3A_50 : vector<2000x128xf32>
    %logistic3A_51 = math.exp %logistic3A : vector<2000x128xf32>
    %logistic3A_52 = arith.constant 1.000000e+00 : f32
    %logistic3A_53 = vector.broadcast %logistic3A_52 : f32 to vector<2000x128xf32>
    %logistic3A_54 = arith.addf %logistic3A_53, %logistic3A_51 : vector<2000x128xf32>
    %logistic3A_55 = arith.divf %logistic3A_53, %logistic3A_54 : vector<2000x128xf32>
    %custom_jvp_call3A = arith.constant 0.000000e+00 : f32
    %max3A = vector.broadcast %custom_jvp_call3A : f32 to vector<2000x128xf32>
    %max3A_56 = arith.maximumf %get3A_1, %max3A : vector<2000x128xf32>
    %sub3A = vector.broadcast %custom_jvp_call3A : f32 to vector<2000x128xf32>
    %sub3A_57 = arith.subf %get3A_1, %sub3A : vector<2000x128xf32>
    %ne3A = arith.cmpf one, %sub3A_57, %sub3A_57 : vector<2000x128xf32>
    %add3A_58 = vector.broadcast %custom_jvp_call3A : f32 to vector<2000x128xf32>
    %add3A_59 = arith.addf %get3A_1, %add3A_58 : vector<2000x128xf32>
    %abs3A = math.absf %sub3A_57 : vector<2000x128xf32>
    %neg3A = arith.constant 0.000000e+00 : f32
    %neg3A_60 = vector.broadcast %neg3A : f32 to vector<2000x128xf32>
    %neg3A_61 = arith.subf %neg3A_60, %abs3A : vector<2000x128xf32>
    %exp3A = math.exp %neg3A_61 : vector<2000x128xf32>
    %log1p3A = math.log1p %exp3A : vector<2000x128xf32>
    %add3A_62 = arith.addf %max3A_56, %log1p3A : vector<2000x128xf32>
    %select_n3A = arith.select %ne3A, %add3A_59, %add3A_62 : vector<2000x128xi1>, vector<2000x128xf32>
    %add3A_63 = arith.addf %logistic3A_55, %select_n3A : vector<2000x128xf32>
    %sub3A_64 = vector.broadcast %get3A_34 : vector<1x128xf32> to vector<2000x128xf32>
    %sub3A_65 = arith.subf %add3A_63, %sub3A_64 : vector<2000x128xf32>
    %add3A_66 = arith.constant 1.000000e-03 : f32
    %add3A_67 = vector.broadcast %add3A_66 : f32 to vector<1x128xf32>
    %add3A_68 = arith.addf %get3A_37, %add3A_67 : vector<1x128xf32>
    %sqrt3A = math.sqrt %add3A_68 : vector<1x128xf32>
    %div3A = vector.broadcast %sqrt3A : vector<1x128xf32> to vector<2000x128xf32>
    %div3A_69 = arith.divf %sub3A_65, %div3A : vector<2000x128xf32>
    %mul3A_70 = vector.broadcast %get3A_28 : vector<1x128xf32> to vector<2000x128xf32>
    %mul3A_71 = arith.mulf %div3A_69, %mul3A_70 : vector<2000x128xf32>
    %add3A_72 = vector.broadcast %get3A_31 : vector<1x128xf32> to vector<2000x128xf32>
    %add3A_73 = arith.addf %mul3A_71, %add3A_72 : vector<2000x128xf32>
    %max3A_74 = arith.constant 0.000000e+00 : f32
    %max3A_75 = vector.broadcast %max3A_74 : f32 to vector<2000x128xf32>
    %max3A_76 = arith.maximumf %add3A_73, %max3A_75 : vector<2000x128xf32>
    %swap3A = arith.constant 0 : index
    %swap3A_77 = arith.constant 0 : index
    %swap3A_78 = vector.load %arg7[%swap3A, %swap3A_77] : memref<2000x128xf32, #tpu.memory_space<vmem>>, vector<2000x128xf32>
    tpu.vector_store %arg7[%swap3A, %swap3A_77], %max3A_76 {strides = array<i32>} : memref<2000x128xf32, #tpu.memory_space<vmem>>, vector<2000x128xf32>,
    return
  }
  func.func @transform_0(%arg0: i32) -> (i32, i32) {
    %c0_i32 = arith.constant 0 : i32
    %c0_i32_0 = arith.constant 0 : i32
    return %arg0, %c0_i32 : i32, i32
  }
  func.func @transform_1(%arg0: i32) -> (i32, i32, i32) {
    %c0_i32 = arith.constant 0 : i32
    %c0_i32_0 = arith.constant 0 : i32
    %c0_i32_1 = arith.constant 0 : i32
    return %c0_i32, %arg0, %c0_i32_0 : i32, i32, i32
  }
  func.func @transform_2(%arg0: i32) -> (i32, i32, i32) {
    %c0_i32 = arith.constant 0 : i32
    %c0_i32_0 = arith.constant 0 : i32
    %c0_i32_1 = arith.constant 0 : i32
    return %c0_i32, %arg0, %c0_i32_0 : i32, i32, i32
  }
  func.func @transform_3(%arg0: i32) -> (i32, i32) {
    %c0_i32 = arith.constant 0 : i32
    %c0_i32_0 = arith.constant 0 : i32
    %c0_i32_1 = arith.constant 0 : i32
    return %c0_i32, %c0_i32_0 : i32, i32
  }
  func.func @transform_4(%arg0: i32) -> (i32, i32) {
    %c0_i32 = arith.constant 0 : i32
    %c0_i32_0 = arith.constant 0 : i32
    %c0_i32_1 = arith.constant 0 : i32
    return %c0_i32, %c0_i32_0 : i32, i32
  }
  func.func @transform_5(%arg0: i32) -> (i32, i32) {
    %c0_i32 = arith.constant 0 : i32
    %c0_i32_0 = arith.constant 0 : i32
    %c0_i32_1 = arith.constant 0 : i32
    return %c0_i32, %c0_i32_0 : i32, i32
  }
  func.func @transform_6(%arg0: i32) -> (i32, i32) {
    %c0_i32 = arith.constant 0 : i32
    %c0_i32_0 = arith.constant 0 : i32
    return %arg0, %c0_i32 : i32, i32
  }
}

</mosaic_0001>

<sc_bundles>
// kernel: kernel.11.cloned.1.call-start
scs
__scs_entry_jumppad:
0x0: {  	(pc) =	sbr.rel $0x88, $3  }
0x1: {  	(tag) =	ssettag $0x0;
	lr =	simm.s32 $0x1  }
0x2: {  	[smem:$0x3F91] =	sst lr;
	_ =	strace $0xD0000000  }
0x3: {  	_ = 	snop  }
0x4: {  	_ = 	snop  }
0x5: {  	_ = 	snop  }
0x6: {  	_ = 	snop  }
0x7: {  	_ = 	snop  }
__scs_overlays_trampoline_lowered:
0x8: {  	[smem:$0x3FA0] =	sst s0  }
0x9: {  	[smem:$0x3FA1] =	sst s1  }
0xa: {  	[smem:$0x3FA2] =	sst s2  }
0xb: {  	[smem:$0x3FA3] =	sst s3  }
0xc: {  	[smem:$0x3FA4] =	sst s4  }
0xd: {  	[smem:$0x3FA5] =	sst s5  }
0xe: {  	[smem:$0x3FA6] =	sst s6  }
0xf: {  	[smem:$0x3FA7] =	sst s7  }
0x10: {  	[smem:$0x3FA8] =	sst s8  }
0x11: {  	[smem:$0x3FA9] =	sst s9;
	s0 =	simm.s32 @!p0 $0x0  }
0x12: {  	s1 =	sld [smem:$0x3F8F];
	s0 =	simm.s32 @p0 $0x1  }
0x13: {  	[smem:$0x3FAA] =	sst s0;
	s0 =	simm.s32 @!p1 $0x0  }
0x14: {  	s2 =	sld [smem:$0x3F8E];
	s0 =	simm.s32 @p1 $0x1  }
0x15: {  	[smem:$0x3FAB] =	sst s0;
	s0 =	simm.s32 @!p2 $0x0  }
0x16: {  	s3 =	sld [smem:$0x3FDB];
	s0 =	simm.s32 @p2 $0x1  }
0x17: {  	s4 =	simm.s32 $0x1BF5;
	[smem:$0x3FAD] =	sst s0  }
0x18: {  	s0 =	sld [smem:$0x3F90];
	_ =	swait.ge [sflag:s4], $0x0  }
0x19: {  	s7 =	sld [smem:$0x3F91]  }
0x1a: {  	s8 =	sadd.s32 $0xFFFFE003, lr  }
0x1b: {  	s9 =	sadd.s32 $0xFFFFFEF7, lr;
	s5 =	simm.s32 $0xFFFFFFFF;
	p2 =	slt.u32 s8, $0xFFFFF086  }
0x1c: {  	p1 =	slt.u32 s9, $0xF7A;
	s5 =	simm.s32 @!p2 $0x0  }
0x1d: {  	s5 =	simm.s32 @p1 $0x1;
	p0 =	seq.s32 s7, s2  }
0x1e: {  	s7 =	smul.u32 @!p0 $0xF7A, s2;
	p2 =	seq.s32 @!p0 s5, $0x0  }
0x1f: {  	s9 =	smul.u32 $0xF7A, s1;
	s8 =	simm.s32 @!p0 $0x1BF5;
	p2 =	por !p2, p0  }
0x20: {  	[sflag:s8] =	ssyncset.s32 @!p0 $0xFFFFF086;
	s6 =	sadd.s32 @!p0 s3, s7;
	s7 =	simm.s32 @!p0 $0x108  }
0x21: {  	s3 =	sadd.s32 s3, s9;
	s6 =	sadd.s32 @!p0 $0x88, s6;
	s7 =	simm.s32 @p2 $0x1082  }
0x22: {  	[simem:s7], [sflag:s8] =	dma.local @!p0 [hbm:s6], $0xF7A  }
0x23: {  	s9 =	sor.u32 $0xD0000000, s2;
	s6 =	simm.s32 $0x108;
	_ =	swait.ge @!p0 [sflag:s8], $0x0  }
0x24: {  	s3 =	sadd.s32 $0x88, s3;
	s6 =	simm.s32 @!p1 $0x1082;
	[sflag:s4] =	ssyncset.s32 $0xFFFFF086  }
0x25: {  	[simem:s6], [sflag:s4] =	dma.local [hbm:s3], $0xF7A  }
0x26: {  	[smem:$0x3F91] =	sst s1;
	(tag) =	ssettag s2;
	_ =	strace s9  }
0x27: {  	s1 =	sld [smem:$0x3FA1]  }
0x28: {  	s2 =	sld [smem:$0x3FA2]  }
0x29: {  	s4 =	sld [smem:$0x3FA4]  }
0x2a: {  	p0 =	seq.s32 s5, $0x0;
	s5 =	sld [smem:$0x3FA5]  }
0x2b: {  	s6 =	sld [smem:$0x3FA6]  }
0x2c: {  	s7 =	sld [smem:$0x3FA7]  }
0x2d: {  	s3 =	simm.s32 $0x108;
	s8 =	sld [smem:$0x3FA8]  }
0x2e: {  	s3 =	simm.s32 @!p0 $0x1082;
	s9 =	sld [smem:$0x3FA9]  }
0x2f: {  	lr =	sadd.s32 s0, s3;
	s0 =	sld [smem:$0x3FA0]  }
0x30: {  	s3 =	sld [smem:$0x3FA3]  }
0x31: {  	[smem:$0x3FAC] =	sst s10  }
0x32: {  	s10 =	sld [smem:$0x3FAA];
	_ =	sdelay $0x3  }
0x33: {  	p0 =	seq.s32 s10, $0x1;
	s10 =	sld [smem:$0x3FAC];
	_ =	sdelay $0x3  }
0x34: {  	[smem:$0x3FAC] =	sst s10  }
0x35: {  	s10 =	sld [smem:$0x3FAB];
	_ =	sdelay $0x3  }
0x36: {  	p1 =	seq.s32 s10, $0x1;
	s10 =	sld [smem:$0x3FAC];
	_ =	sdelay $0x3  }
0x37: {  	[smem:$0x3FAC] =	sst s10  }
0x38: {  	s10 =	sld [smem:$0x3FAD]  }
0x39: {  	_ = 	snop;
	(pc) =	sbr.ind lr, $3  }
0x3a: {  	_ = 	snop  }
0x3b: {  	_ = 	snop  }
0x3c: {  	p2 =	seq.s32 s10, $0x1;
	s10 =	sld [smem:$0x3FAC]  }
0x3d: {  	_ =	shalt  }
0x3e: {  	_ =	shalt  }
0x3f: {  	_ =	shalt  }
0x40: {  	_ =	shalt  }
0x41: {  	_ =	shalt  }
0x42: {  	_ =	shalt  }
0x43: {  	_ =	shalt  }
0x44: {  	_ =	shalt  }
0x45: {  	_ =	shalt  }
0x46: {  	_ =	shalt  }
0x47: {  	_ =	shalt  }
0x48: {  	_ =	shalt  }
0x49: {  	_ =	shalt  }
0x4a: {  	_ =	shalt  }
0x4b: {  	_ =	shalt  }
0x4c: {  	_ =	shalt  }
0x4d: {  	_ =	shalt  }
0x4e: {  	_ =	shalt  }
0x4f: {  	_ =	shalt  }
0x50: {  	_ =	shalt  }
0x51: {  	_ =	shalt  }
0x52: {  	_ =	shalt  }
0x53: {  	_ =	shalt  }
0x54: {  	_ =	shalt  }
0x55: {  	_ =	shalt  }
0x56: {  	_ =	shalt  }
0x57: {  	_ =	shalt  }
0x58: {  	_ =	shalt  }
0x59: {  	_ =	shalt  }
0x5a: {  	_ =	shalt  }
0x5b: {  	_ =	shalt  }
0x5c: {  	_ =	shalt  }
0x5d: {  	_ =	shalt  }
0x5e: {  	_ =	shalt  }
0x5f: {  	_ =	shalt  }
0x60: {  	_ =	shalt  }
0x61: {  	_ =	shalt  }
0x62: {  	_ =	shalt  }
0x63: {  	_ =	shalt  }
0x64: {  	_ =	shalt  }
0x65: {  	_ =	shalt  }
0x66: {  	_ =	shalt  }
0x67: {  	_ =	shalt  }
0x68: {  	_ =	shalt  }
0x69: {  	_ =	shalt  }
0x6a: {  	_ =	shalt  }
0x6b: {  	_ =	shalt  }
0x6c: {  	_ =	shalt  }
0x6d: {  	_ =	shalt  }
0x6e: {  	_ =	shalt  }
0x6f: {  	_ =	shalt  }
0x70: {  	_ =	shalt  }
0x71: {  	_ =	shalt  }
0x72: {  	_ =	shalt  }
0x73: {  	_ =	shalt  }
0x74: {  	_ =	shalt  }
0x75: {  	_ =	shalt  }
0x76: {  	_ =	shalt  }
0x77: {  	_ =	shalt  }
0x78: {  	_ =	shalt  }
0x79: {  	_ =	shalt  }
0x7a: {  	_ =	shalt  }
0x7b: {  	_ =	shalt  }
0x7c: {  	_ =	shalt  }
0x7d: {  	_ =	shalt  }
0x7e: {  	_ =	shalt  }
0x7f: {  	_ =	shalt  }
0x80: {  	_ =	shalt  }
0x81: {  	_ =	shalt  }
0x82: {  	_ =	shalt  }
0x83: {  	_ =	shalt  }
0x84: {  	_ =	shalt  }
0x85: {  	_ =	shalt  }
0x86: {  	_ =	shalt  }
0x87: {  	_ =	shalt  }
.Lfunc_end0:
.L_simem_size_0:
called_computation.1_lowered:
.L_overlay_start_0:
0x88: {  	s2 =	sld [smem:$0x3FD9]  }
0x89: {  	s3 =	sld [smem:$0x3FFE];
	_ =	sdelay $0x1  }
0x8a: {  	s1 =	srdreg.scid  }
0x8b: {  	s0 =	sand.u32 $0x1, s1  }
0x8c: {  	s17 =	sshll.u32 s0, $0xA;
	s2 =	sadd.s32 s3, s2  }
0x8d: {  	s2 =	sadd.s32 s2, s17  }
0x8e: {  	[smem:$0x3FB8] =	sst s2  }
0x8f: {  	_ = 	snop  }
0x90: {  	s18 =	sld [smem:$0x3FD0];
	(tm) =	ssettm $0x1  }
0x91: {  	s19 =	sld [smem:$0x3FFB];
	_ =	sdelay $0x3  }
0x92: {  	_ =	strace s19  }
0x93: {  	s2 =	sld [smem:$0x3FFC];
	_ =	sdelay $0x3  }
0x94: {  	_ =	strace s2  }
0x95: {  	s2 =	sld [smem:$0x3FFD];
	_ =	sdelay $0x3  }
0x96: {  	_ =	strace s2  }
0x97: {  	_ =	strace $0x8FFFFFFF  }
0x98: {  	s20 =	sld [smem:$0x3FDB];
	_ =	sdelay $0x1  }
0x99: {  	s4 =	simm.s32 $_scs_section_size  }
0x9a: {  	s5 =	simm.s32 $_size__tile_overlayer_lowered;
	s6 =	simm.s32 $_tile_overlayer_lowered  }
0x9b: {  	s7 =	simm.s32 $0x1BFF;
	s21 =	sshll.u32 s6, $0x1;
	s4 =	sadd.s32 s4, s20  }
0x9c: {  	s22 =	simm.s32 $0x0;
	s5 =	sshll.u32 s5, $0x1;
	s6 =	sadd.s32 s21, s4  }
0x9d: {  	[timem:s22], [sflag:s7] =	dma.local [hbm:s6], s5  }
0x9e: {  	_ =	swait.ge [sflag:s7], s5  }
0x9f: {  	s5 =	ssub.s32 $0x0, s5;
	[sflag:s7] =	ssyncset.done $0x0  }
0xa0: {  	[sflag:s7] =	ssyncadd.s32 s5;
	_ =	sdelay $0x1  }
0xa1: {  	s23 =	simm.s32 $0x1B8B  }
0xa2: {  	_ =	swait.ge [sflag:s23], $0x1  }
0xa3: {  	[sflag:s23] =	ssyncset.done $0x0  }
0xa4: {  	[sflag:s23] =	ssyncadd.s32 $0xFFFFFFFF  }
0xa5: {  	s5 =	sld [smem:$0x0]  }
0xa6: {  	s6 =	sand.u32 $0xFFFFFFFE, s1  }
0xa7: {  	p0 =	sne.s32 s1, s6  }
0xa8: {  	s6 =	sshll.u32 @p0 s6, $0xE  }
0xa9: {  	s6 =	sadd.s32 @p0 $0x11B8D, s6;
	s7 =	sshll.u32 @p0 s5, $0x11  }
0xaa: {  	s6 =	sor.u32 @p0 s7, s6  }
0xab: {  	[sflag:s6] =	ssyncadd.remote.s32 @p0 $0x1;
	_ =	sdelay $0x1  }
0xac: {  	s6 =	simm.s32 @p0 $0x1B8D  }
0xad: {  	_ =	swait.eq @p0 [sflag:s6], $0x1  }
0xae: {  	[sflag:s6] =	ssyncadd.s32 @p0 $0xFFFFFFFF  }
0xaf: {  	s7 =	sshll.u32 @!p0 s1, $0xE  }
0xb0: {  	s7 =	sor.u32 @!p0 $0x4000, s7;
	s6 =	simm.s32 @!p0 $0x1B8D  }
0xb1: {  	s5 =	sshll.u32 @!p0 s5, $0x11;
	s7 =	sadd.s32 @!p0 $0x11B8D, s7;
	_ =	swait.eq @!p0 [sflag:s6], $0x1  }
0xb2: {  	s5 =	sor.u32 @!p0 s5, s7;
	[sflag:s6] =	ssyncadd.s32 @!p0 $0xFFFFFFFF  }
0xb3: {  	s25 =	simm.s32 $0x1B8E;
	s24 =	sld [smem:$0x3FFE];
	[sflag:s5] =	ssyncadd.remote.s32 @!p0 $0x1  }
0xb4: {  	s26 =	simm.s32 $execute0_lowered;
	[smem:$0x3FD2] =	sst s25  }
0xb5: {  	s6 =	sshll.u32 s26, $0x1;
	_ =	strace $0x80000049;
	[dreg:$0x1] =	wrdreg $0xFFFFFFFF  }
0xb6: {  	s28 =	simm.s32 $_size_execute0_lowered;
	s4 =	sadd.s32 s4, s6;
	[dreg:$0x0] =	wrdreg $0x0  }
0xb7: {  	s6 =	sshll.u32 s28, $0x1;
	[dreg:$0x2] =	wrdreg s4  }
0xb8: {  	[dreg:$0x3] =	wrdreg s6  }
0xb9: {  	[dreg:$0x4] =	wrdreg $0xC0  }
0xba: {  	_ =	task [dreg:s22], $0x5FFFF  }
0xbb: {  	[dreg:$0x1] =	wrdreg $0xFFFFFFFF  }
0xbc: {  	[dreg:$0x0] =	wrdreg $0x60  }
0xbd: {  	[dreg:$0x2] =	wrdreg s18  }
0xbe: {  	[dreg:$0x3] =	wrdreg s24  }
0xbf: {  	[dreg:$0x4] =	wrdreg $0x43000  }
0xc0: {  	[dreg:$0x5] =	wrdreg $0xA  }
0xc1: {  	_ =	task.clear_ibuf [dreg:s22], $0x6FFFF;
	_ =	strace $0x90000049  }
0xc2: {  	s29 =	simm.s32 $0xA;
	_ =	strace $0x8000004B  }
0xc3: {  	_ =	swait.ge [sflag:s29], $0x1  }
0xc4: {  	[sflag:s29] =	ssyncadd.s32 $0xFFFFFFFF  }
0xc5: {  	_ =	strace $0x9000004B  }
0xc6: {  	_ =	sfence  }
0xc7: {  	s30 =	sld [smem:$0x0];
	_ =	sdelay $0x2  }
0xc8: {  	s31 =	sshll.u32 s1, $0xD;
	s1 =	sshrl.u32 s1, $0x2  }
0xc9: {  	s4 =	sand.u32 $0x4000, s31;
	s1 =	sadd.s32 s1, s30  }
0xca: {  	s0 =	sor.u32 s4, s0;
	s1 =	sshll.u32 s1, $0x11  }
0xcb: {  	s0 =	sor.u32 s1, s0  }
0xcc: {  	s0 =	sadd.s32 $0x8F2B, s0  }
0xcd: {  	[sflag:s0] =	ssyncadd.remote.s32 $0x1  }
0xce: {  	_ =	sfence.sel $0xFFFF  }
0xcf: {  	[dreg:$0x0] =	wrdreg $0xFFFFFFFF;
	(pc) =	sbr.abs _section_cstart, $3  }
0xd0: {  	[dreg:$0x1] =	wrdreg $0xFFFFFFFF  }
0xd1: {  	_ =	task.clear_ibuf [dreg:s22], $0x2FFFF;
	_ =	strace $0x9FFFFFFF  }
0xd2: {  	(tm) =	ssettm $0x7FFFFFFF  }
0xd3: {  	_ =	shalt  }
tec
execute0_lowered:
.L_overlay_start_1:
0x0: {  	(tag) =	ssettag $0x1  }
0x1: {  	s2 =	rddreg [dreg:$0x0]  }
0x2: {  	s0 =	rddreg [dreg:$0x1]  }
0x3: {  	s3 =	rddreg [dreg:$0x2]  }
0x4: {  	s14 =	stileid.u32;
	s1 =	srdreg.scid;
	s4 =	simm.s32 $0x0  }
0x5: {  	s20 =	simm.s32 $0x5;
	s28 =	simm.s32 $0x300;
	s5 =	smul.u32 $0x13C00, s14  }
0x6: {  	s29 =	simm.s32 $0x4;
	s30 =	simm.s32 $0x2;
	s22 =	smul.u32 $0x8C0, s14  }
0x7: {  	s31 =	simm.s32 $0x3;
	s1 =	sand.u32 $0x1, s1;
	s13 =	smul.u32 $0x140, s14  }
0x8: {  	[smem:$0x7FF] =	sst s4;
	s21 =	sshll.u32 s14, $0x6;
	s14 =	smul.u32 $0xA00, s14  }
0x9: {  	s10 =	sadd.s32 $0x1D400, s0;
	s11 =	sadd.s32 $0x4400, s0;
	s6 =	smul.u32 $0x13C000, s1  }
0xa: {  	_ =	strace $0x8000004A;
	s7 =	ssub.s32 $0x2, s1;
	p0 =	seq.s32 s1, $0x1  }
0xb: {  	s8 =	sshrl.u32 s5, $0x3;
	s9 =	sshrl.u32 s7, $0x1;
	s23 =	sor.u32 $0x10, s22  }
0xc: {  	s24 =	sadd.s32 $0x8C00, s13;
	s14 =	sshrl.u32 s14, $0x3;
	s18 =	sadd.s32 s13, s11  }
0xd: {  	s19 =	sadd.s32 s13, s10;
	s6 =	sadd.s32 s5, s6;
	s8 =	sadd.s32 s8, s0  }
0xe: {  	s12 =	ssub.s32 s7, s9;
	s5 =	sadd.s32 s5, s3;
	s7 =	sor.u32 $0x1C05, s21  }
0xf: {  	s9 =	sadd.s32 s11, s22;
	s15 =	sadd.s32 s10, s23;
	s1 =	sadd.s32 s11, s23  }
0x10: {  	s25 =	sadd.s32 s10, s24;
	s26 =	sadd.s32 $0x8C10, s14;
	[dreg:$0x4] =	wrdreg s15  }
0x11: {  	s21 =	simm.s32 $0x180;
	s23 =	simm.s32 $0x200;
	[dreg:$0x5] =	wrdreg s1  }
0x12: {  	s6 =	sshrl.u32 s6, $0x3;
	[dreg:$0x6] =	wrdreg s25;
	s1 =	sadd.s32 s11, s24  }
.Ltmp0:
0x13: {  	s14 =	sadd.s32 s10, s26;
	s15 =	sadd.s32 s11, s26;
	(pc) =	sbr.rel .LBB2_1-.Ltmp0, $4  }
0x14: {  	s17 =	smax.u32 s12, $0x1;
	s24 =	simm.s32 $0x100;
	s25 =	simm.s32 $0x280  }
0x15: {  	s26 =	simm.s32 $0x1;
	s0 =	sadd.s32 s6, s0;
	[dreg:$0x7] =	wrdreg s1  }
0x16: {  	s6 =	sadd.s32 $0x27400, s8;
	s8 =	sadd.s32 s10, s22;
	[dreg:$0x8] =	wrdreg s14  }
0x17: {  	s22 =	simm.s32 $0x80;
	s16 =	sadd.s32 $0x4EC00, s0;
	s0 =	simm.s32 $0x0  }
.LBB2_7:
0x18: {  	s12 =	sadd.s32 $0x8C20, s10;
	s11 =	sadd.s32 s11, s18;
	[sflag:s20] =	ssyncadd.s32 $0xFFFFC000  }
0x19: {  	[tilespmem:s24], [sflag:$0x3] =	stream.linear.gather [hbm4b:s12+s4], $0x80, $0x38;
	[tilespmem:$0x17F00] =	vst v63  }
0x1a: {  	s14 =	sadd.s32 $0x8C20, s11  }
0x1b: {  	[tilespmem:s25], [sflag:$0x3] =	stream.linear.gather [hbm4b:s14+s4], $0x80, $0x38;
	[tilespmem:$0x17F00] =	vst v63  }
0x1c: {  	_ =	swait.ge [sflag:s26], $0x80  }
0x1d: {  	[sflag:s26] =	ssyncset.done $0x0  }
0x1e: {  	[sflag:s26] =	ssyncadd.s32 $0xFFFFFF80  }
0x1f: {  	_ =	swait.ge [sflag:s26], $0x80  }
0x20: {  	[sflag:s26] =	ssyncset.done $0x0  }
0x21: {  	[sflag:s26] =	ssyncadd.s32 $0xFFFFFF80  }
0x22: {  	[tilespmem:s28], [sflag:$0x4] =	stream.indirect.gather [hbm4b:s2+s22], $0x80, s4, s22, $0xb8;
	[tilespmem:$0x17F00] =	vst v63  }
0x23: {  	_ =	swait.ge [sflag:s29], $0x4000  }
0x24: {  	[sflag:s29] =	ssyncset.done $0x0  }
0x25: {  	[sflag:s29] =	ssyncadd.s32 $0xFFFFC000  }
0x26: {  	[spmem:s3] =	stream.indirect.scatter.add.f32 [tilespmem:s28], [sflag:$0x5], $0x80, s21, s22, $0xb8;
	[tilespmem:$0x17F00] =	vst v63  }
0x27: {  	_ =	swait.ge [sflag:s20], $0x4000  }
0x28: {  	[sflag:s20] =	ssyncset.done $0x0  }
0x29: {  	s13 =	sadd.s32 $0x8C30, s10;
	[sflag:s20] =	ssyncadd.s32 $0xFFFFC000  }
0x2a: {  	[tilespmem:s4], [sflag:$0x1] =	stream.linear.gather [hbm4b:s13+s4], $0x80, $0x38;
	[tilespmem:$0x17F00] =	vst v63  }
0x2b: {  	s14 =	sadd.s32 $0x8C30, s11  }
0x2c: {  	[tilespmem:s21], [sflag:$0x1] =	stream.linear.gather [hbm4b:s14+s4], $0x80, $0x38;
	[tilespmem:$0x17F00] =	vst v63  }
0x2d: {  	_ =	swait.ge [sflag:s30], $0x80  }
0x2e: {  	[sflag:s30] =	ssyncset.done $0x0  }
0x2f: {  	[sflag:s30] =	ssyncadd.s32 $0xFFFFFF80  }
0x30: {  	_ =	swait.ge [sflag:s30], $0x80  }
0x31: {  	[sflag:s30] =	ssyncset.done $0x0  }
0x32: {  	[sflag:s30] =	ssyncadd.s32 $0xFFFFFF80  }
0x33: {  	[tilespmem:s28], [sflag:$0x4] =	stream.indirect.gather [hbm4b:s2+s22], $0x80, s22, s22, $0xb8;
	[tilespmem:$0x17F00] =	vst v63  }
0x34: {  	_ =	swait.ge [sflag:s29], $0x4000  }
0x35: {  	[sflag:s29] =	ssyncset.done $0x0  }
0x36: {  	[sflag:s29] =	ssyncadd.s32 $0xFFFFC000  }
0x37: {  	[spmem:s3] =	stream.indirect.scatter.add.f32 [tilespmem:s28], [sflag:$0x5], $0x80, s23, s22, $0xb8;
	[tilespmem:$0x17F00] =	vst v63  }
0x38: {  	_ =	swait.ge [sflag:s20], $0x4000  }
0x39: {  	[sflag:s20] =	ssyncset.done $0x0  }
0x3a: {  	s13 =	sadd.s32 $0x8C40, s10;
	[sflag:s20] =	ssyncadd.s32 $0xFFFFC000  }
0x3b: {  	[tilespmem:s22], [sflag:$0x2] =	stream.linear.gather [hbm4b:s13+s4], $0x80, $0x38;
	[tilespmem:$0x17F00] =	vst v63  }
0x3c: {  	s14 =	sadd.s32 $0x8C40, s11  }
0x3d: {  	[tilespmem:s23], [sflag:$0x2] =	stream.linear.gather [hbm4b:s14+s4], $0x80, $0x38;
	[tilespmem:$0x17F00] =	vst v63  }
0x3e: {  	_ =	swait.ge [sflag:s31], $0x80  }
0x3f: {  	[sflag:s31] =	ssyncset.done $0x0  }
0x40: {  	[sflag:s31] =	ssyncadd.s32 $0xFFFFFF80  }
0x41: {  	_ =	swait.ge [sflag:s31], $0x80  }
0x42: {  	[sflag:s31] =	ssyncset.done $0x0  }
0x43: {  	[sflag:s31] =	ssyncadd.s32 $0xFFFFFF80  }
0x44: {  	[tilespmem:s28], [sflag:$0x4] =	stream.indirect.gather [hbm4b:s2+s22], $0x80, s24, s22, $0xb8;
	[tilespmem:$0x17F00] =	vst v63  }
0x45: {  	_ =	swait.ge [sflag:s29], $0x4000  }
0x46: {  	[sflag:s29] =	ssyncset.done $0x0  }
0x47: {  	[sflag:s29] =	ssyncadd.s32 $0xFFFFC000  }
0x48: {  	[spmem:s3] =	stream.indirect.scatter.add.f32 [tilespmem:s28], [sflag:$0x5], $0x80, s25, s22, $0xb8;
	[tilespmem:$0x17F00] =	vst v63  }
0x49: {  	_ =	swait.ge [sflag:s20], $0x4000  }
0x4a: {  	[sflag:s20] =	ssyncset.done $0x0  }
0x4b: {  	[sflag:s20] =	ssyncadd.s32 $0xFFFFC000  }
.LBB2_8:
0x4c: {  	_ =	swait.ge [sflag:s26], $0x80  }
0x4d: {  	[sflag:s26] =	ssyncset.done $0x0  }
0x4e: {  	[sflag:s26] =	ssyncadd.s32 $0xFFFFFF80  }
0x4f: {  	_ =	swait.ge [sflag:s26], $0x80  }
0x50: {  	[sflag:s26] =	ssyncset.done $0x0  }
0x51: {  	[sflag:s26] =	ssyncadd.s32 $0xFFFFFF80  }
0x52: {  	[tilespmem:s28], [sflag:$0x4] =	stream.indirect.gather [hbm4b:s2+s22], $0x80, s4, s22, $0xb8;
	[tilespmem:$0x17F00] =	vst v63  }
0x53: {  	_ =	swait.ge [sflag:s29], $0x4000  }
0x54: {  	[sflag:s29] =	ssyncset.done $0x0  }
0x55: {  	[sflag:s29] =	ssyncadd.s32 $0xFFFFC000  }
0x56: {  	[spmem:s3] =	stream.indirect.scatter.add.f32 [tilespmem:s28], [sflag:$0x5], $0x80, s21, s22, $0xb8;
	[tilespmem:$0x17F00] =	vst v63  }
0x57: {  	_ =	swait.ge [sflag:s20], $0x4000  }
0x58: {  	[sflag:s20] =	ssyncset.done $0x0  }
0x59: {  	[sflag:s20] =	ssyncadd.s32 $0xFFFFC000  }
0x5a: {  	_ =	swait.ge [sflag:s30], $0x80  }
0x5b: {  	[sflag:s30] =	ssyncset.done $0x0  }
0x5c: {  	[sflag:s30] =	ssyncadd.s32 $0xFFFFFF80  }
0x5d: {  	_ =	swait.ge [sflag:s30], $0x80  }
0x5e: {  	[sflag:s30] =	ssyncset.done $0x0  }
0x5f: {  	[sflag:s30] =	ssyncadd.s32 $0xFFFFFF80  }
0x60: {  	[tilespmem:s28], [sflag:$0x4] =	stream.indirect.gather [hbm4b:s2+s22], $0x80, s22, s22, $0xb8;
	[tilespmem:$0x17F00] =	vst v63  }
0x61: {  	_ =	swait.ge [sflag:s29], $0x4000  }
0x62: {  	[sflag:s29] =	ssyncset.done $0x0  }
0x63: {  	[sflag:s29] =	ssyncadd.s32 $0xFFFFC000  }
0x64: {  	[spmem:s3] =	stream.indirect.scatter.add.f32 [tilespmem:s28], [sflag:$0x5], $0x80, s23, s22, $0xb8;
	[tilespmem:$0x17F00] =	vst v63  }
0x65: {  	_ =	swait.ge [sflag:s20], $0x4000  }
0x66: {  	s0 =	sadd.s32 $0x1, s0;
	[sflag:s20] =	ssyncset.done $0x0  }
0x67: {  	p1 =	sne.s32 s0, s17;
	[sflag:s20] =	ssyncadd.s32 $0xFFFFC000  }
.Ltmp1:
0x68: {  	[bflag:$0x0] =	sbarrier.arrive $0xFFFF;
	(pc) =	sbr.rel @!p1 .LBB2_9-.Ltmp1, $4  }
0x69: {  	[hbm:s16], [sflag:s7] =	dma.local [spmem:s1], $0x2780  }
0x6a: {  	_ =	swait.ge [sflag:s20], $0x2780  }
0x6b: {  	[sflag:s20] =	ssyncset.done $0x0  }
0x6c: {  	[sflag:s20] =	ssyncadd.s32 $0xFFFFD880  }
.LBB2_1:
0x6d: {  	s1 =	sshrl.u32 s5, $0x3  }
0x6e: {  	[spmem:s1], [sflag:s7] =	dma.local [hbm:s6], $0x2780  }
.Ltmp2:
0x6f: {  	_ =	swait.ge [sflag:s20], $0x2780;
	(pc) =	sbr.rel @!p0 .LBB2_2-.Ltmp2, $4  }
0x70: {  	[sflag:s20] =	ssyncset.done $0x0  }
0x71: {  	[sflag:s20] =	ssyncadd.s32 $0xFFFFD880  }
0x72: {  	[bflag:$0x0] =	sbarrier.arrive $0xFFFF  }
0x73: {  	s10 =	simm.s32 $0x0  }
0x74: {  	s11 =	rddreg [dreg:$0x6]  }
0x75: {  	[tilespmem:s10], [sflag:$0x1] =	stream.linear.gather [hbm4b:s11+s10], $0x80, $0x38;
	[tilespmem:$0x17F00] =	vst v63  }
0x76: {  	s12 =	rddreg [dreg:$0x7]  }
0x77: {  	[tilespmem:s21], [sflag:$0x1] =	stream.linear.gather [hbm4b:s12+s10], $0x80, $0x38;
	[tilespmem:$0x17F00] =	vst v63  }
0x78: {  	s13 =	rddreg [dreg:$0x8]  }
0x79: {  	[tilespmem:s22], [sflag:$0x2] =	stream.linear.gather [hbm4b:s13+s10], $0x80, $0x38;
	[tilespmem:$0x17F00] =	vst v63  }
0x7a: {  	_ = 	snop  }
0x7b: {  	[tilespmem:s23], [sflag:$0x2] =	stream.linear.gather [hbm4b:s15+s10], $0x80, $0x38;
	[tilespmem:$0x17F00] =	vst v63  }
0x7c: {  	s10 =	sadd.s32 $0x0, s19  }
0x7d: {  	s12 =	sadd.s32 $0x0, s18;
	s14 =	sadd.s32 $0x8C20, s10  }
0x7e: {  	[tilespmem:s24], [sflag:$0x3] =	stream.linear.gather [hbm4b:s14+s4], $0x80, $0x38;
	[tilespmem:$0x17F00] =	vst v63  }
0x7f: {  	s13 =	sadd.s32 $0x8C20, s12  }
0x80: {  	[tilespmem:s25], [sflag:$0x3] =	stream.linear.gather [hbm4b:s13+s4], $0x80, $0x38;
	[tilespmem:$0x17F00] =	vst v63  }
0x81: {  	_ =	swait.ge [sflag:s26], $0x80  }
0x82: {  	[sflag:s26] =	ssyncset.done $0x0  }
0x83: {  	[sflag:s26] =	ssyncadd.s32 $0xFFFFFF80  }
0x84: {  	_ =	swait.ge [sflag:s26], $0x80  }
0x85: {  	[sflag:s26] =	ssyncset.done $0x0  }
0x86: {  	[sflag:s26] =	ssyncadd.s32 $0xFFFFFF80  }
0x87: {  	[tilespmem:s28], [sflag:$0x4] =	stream.indirect.gather [hbm4b:s2+s22], $0x80, s4, s22, $0xb8;
	[tilespmem:$0x17F00] =	vst v63  }
0x88: {  	_ =	swait.ge [sflag:s29], $0x4000  }
0x89: {  	[sflag:s29] =	ssyncset.done $0x0  }
0x8a: {  	[sflag:s29] =	ssyncadd.s32 $0xFFFFC000  }
0x8b: {  	[spmem:s3] =	stream.indirect.scatter.add.f32 [tilespmem:s28], [sflag:$0x5], $0x80, s21, s22, $0xb8;
	[tilespmem:$0x17F00] =	vst v63  }
0x8c: {  	_ =	swait.ge [sflag:s20], $0x4000  }
0x8d: {  	[sflag:s20] =	ssyncset.done $0x0  }
0x8e: {  	s14 =	sadd.s32 $0x8C30, s10;
	[sflag:s20] =	ssyncadd.s32 $0xFFFFC000  }
0x8f: {  	[tilespmem:s4], [sflag:$0x1] =	stream.linear.gather [hbm4b:s14+s4], $0x80, $0x38;
	[tilespmem:$0x17F00] =	vst v63  }
0x90: {  	s13 =	sadd.s32 $0x8C30, s12  }
0x91: {  	[tilespmem:s21], [sflag:$0x1] =	stream.linear.gather [hbm4b:s13+s4], $0x80, $0x38;
	[tilespmem:$0x17F00] =	vst v63  }
0x92: {  	_ =	swait.ge [sflag:s30], $0x80  }
0x93: {  	[sflag:s30] =	ssyncset.done $0x0  }
0x94: {  	[sflag:s30] =	ssyncadd.s32 $0xFFFFFF80  }
0x95: {  	_ =	swait.ge [sflag:s30], $0x80  }
0x96: {  	[sflag:s30] =	ssyncset.done $0x0  }
0x97: {  	[sflag:s30] =	ssyncadd.s32 $0xFFFFFF80  }
0x98: {  	[tilespmem:s28], [sflag:$0x4] =	stream.indirect.gather [hbm4b:s2+s22], $0x80, s22, s22, $0xb8;
	[tilespmem:$0x17F00] =	vst v63  }
0x99: {  	_ =	swait.ge [sflag:s29], $0x4000  }
0x9a: {  	[sflag:s29] =	ssyncset.done $0x0  }
0x9b: {  	[sflag:s29] =	ssyncadd.s32 $0xFFFFC000  }
0x9c: {  	[spmem:s3] =	stream.indirect.scatter.add.f32 [tilespmem:s28], [sflag:$0x5], $0x80, s23, s22, $0xb8;
	[tilespmem:$0x17F00] =	vst v63  }
0x9d: {  	_ =	swait.ge [sflag:s20], $0x4000  }
0x9e: {  	[sflag:s20] =	ssyncset.done $0x0  }
0x9f: {  	s10 =	sadd.s32 $0x8C40, s10;
	[sflag:s20] =	ssyncadd.s32 $0xFFFFC000  }
0xa0: {  	[tilespmem:s22], [sflag:$0x2] =	stream.linear.gather [hbm4b:s10+s4], $0x80, $0x38;
	[tilespmem:$0x17F00] =	vst v63  }
0xa1: {  	s14 =	sadd.s32 $0x8C40, s12  }
0xa2: {  	[tilespmem:s23], [sflag:$0x2] =	stream.linear.gather [hbm4b:s14+s4], $0x80, $0x38;
	[tilespmem:$0x17F00] =	vst v63  }
0xa3: {  	_ =	swait.ge [sflag:s31], $0x80  }
0xa4: {  	[sflag:s31] =	ssyncset.done $0x0  }
0xa5: {  	[sflag:s31] =	ssyncadd.s32 $0xFFFFFF80  }
0xa6: {  	_ =	swait.ge [sflag:s31], $0x80  }
0xa7: {  	[sflag:s31] =	ssyncset.done $0x0  }
0xa8: {  	[sflag:s31] =	ssyncadd.s32 $0xFFFFFF80  }
0xa9: {  	[tilespmem:s28], [sflag:$0x4] =	stream.indirect.gather [hbm4b:s2+s22], $0x80, s24, s22, $0xb8;
	[tilespmem:$0x17F00] =	vst v63  }
0xaa: {  	_ =	swait.ge [sflag:s29], $0x4000  }
0xab: {  	[sflag:s29] =	ssyncset.done $0x0  }
0xac: {  	[sflag:s29] =	ssyncadd.s32 $0xFFFFC000  }
0xad: {  	[spmem:s3] =	stream.indirect.scatter.add.f32 [tilespmem:s28], [sflag:$0x5], $0x80, s25, s22, $0xb8;
	[tilespmem:$0x17F00] =	vst v63  }
0xae: {  	s11 =	simm.s32 $0x30;
	_ =	swait.ge [sflag:s20], $0x4000  }
0xaf: {  	s12 =	simm.s32 $0x60;
	s10 =	sadd.s32 $0x30, s19;
	[sflag:s20] =	ssyncset.done $0x0  }
.LBB2_6:
0xb0: {  	s14 =	sadd.s32 $0x8C20, s10  }
0xb1: {  	s13 =	sadd.s32 s11, s18;
	[sflag:s20] =	ssyncadd.s32 $0xFFFFC000;
	s11 =	smov.u32 s12  }
0xb2: {  	[tilespmem:s24], [sflag:$0x3] =	stream.linear.gather [hbm4b:s14+s4], $0x80, $0x38;
	[tilespmem:$0x17F00] =	vst v63  }
0xb3: {  	p1 =	sne.s32 s12, $0xF0;
	s12 =	sadd.s32 $0x30, s12;
	s14 =	sadd.s32 $0x8C20, s13  }
0xb4: {  	[tilespmem:s25], [sflag:$0x3] =	stream.linear.gather [hbm4b:s14+s4], $0x80, $0x38;
	[tilespmem:$0x17F00] =	vst v63  }
0xb5: {  	_ =	swait.ge [sflag:s26], $0x80  }
0xb6: {  	[sflag:s26] =	ssyncset.done $0x0  }
0xb7: {  	[sflag:s26] =	ssyncadd.s32 $0xFFFFFF80  }
0xb8: {  	_ =	swait.ge [sflag:s26], $0x80  }
0xb9: {  	[sflag:s26] =	ssyncset.done $0x0  }
0xba: {  	[sflag:s26] =	ssyncadd.s32 $0xFFFFFF80  }
0xbb: {  	[tilespmem:s28], [sflag:$0x4] =	stream.indirect.gather [hbm4b:s2+s22], $0x80, s4, s22, $0xb8;
	[tilespmem:$0x17F00] =	vst v63  }
0xbc: {  	_ =	swait.ge [sflag:s29], $0x4000  }
0xbd: {  	[sflag:s29] =	ssyncset.done $0x0  }
0xbe: {  	[sflag:s29] =	ssyncadd.s32 $0xFFFFC000  }
0xbf: {  	[spmem:s3] =	stream.indirect.scatter.add.f32 [tilespmem:s28], [sflag:$0x5], $0x80, s21, s22, $0xb8;
	[tilespmem:$0x17F00] =	vst v63  }
0xc0: {  	_ =	swait.ge [sflag:s20], $0x4000  }
0xc1: {  	[sflag:s20] =	ssyncset.done $0x0  }
0xc2: {  	s14 =	sadd.s32 $0x8C30, s10;
	[sflag:s20] =	ssyncadd.s32 $0xFFFFC000  }
0xc3: {  	[tilespmem:s4], [sflag:$0x1] =	stream.linear.gather [hbm4b:s14+s4], $0x80, $0x38;
	[tilespmem:$0x17F00] =	vst v63  }
0xc4: {  	s14 =	sadd.s32 $0x8C30, s13  }
0xc5: {  	[tilespmem:s21], [sflag:$0x1] =	stream.linear.gather [hbm4b:s14+s4], $0x80, $0x38;
	[tilespmem:$0x17F00] =	vst v63  }
0xc6: {  	_ =	swait.ge [sflag:s30], $0x80  }
0xc7: {  	[sflag:s30] =	ssyncset.done $0x0  }
0xc8: {  	[sflag:s30] =	ssyncadd.s32 $0xFFFFFF80  }
0xc9: {  	_ =	swait.ge [sflag:s30], $0x80  }
0xca: {  	[sflag:s30] =	ssyncset.done $0x0  }
0xcb: {  	[sflag:s30] =	ssyncadd.s32 $0xFFFFFF80  }
0xcc: {  	[tilespmem:s28], [sflag:$0x4] =	stream.indirect.gather [hbm4b:s2+s22], $0x80, s22, s22, $0xb8;
	[tilespmem:$0x17F00] =	vst v63  }
0xcd: {  	_ =	swait.ge [sflag:s29], $0x4000  }
0xce: {  	[sflag:s29] =	ssyncset.done $0x0  }
0xcf: {  	[sflag:s29] =	ssyncadd.s32 $0xFFFFC000  }
0xd0: {  	[spmem:s3] =	stream.indirect.scatter.add.f32 [tilespmem:s28], [sflag:$0x5], $0x80, s23, s22, $0xb8;
	[tilespmem:$0x17F00] =	vst v63  }
0xd1: {  	_ =	swait.ge [sflag:s20], $0x4000  }
0xd2: {  	[sflag:s20] =	ssyncset.done $0x0  }
0xd3: {  	s10 =	sadd.s32 $0x8C40, s10;
	[sflag:s20] =	ssyncadd.s32 $0xFFFFC000  }
0xd4: {  	[tilespmem:s22], [sflag:$0x2] =	stream.linear.gather [hbm4b:s10+s4], $0x80, $0x38;
	[tilespmem:$0x17F00] =	vst v63  }
0xd5: {  	s10 =	sadd.s32 $0x8C40, s13  }
0xd6: {  	[tilespmem:s23], [sflag:$0x2] =	stream.linear.gather [hbm4b:s10+s4], $0x80, $0x38;
	[tilespmem:$0x17F00] =	vst v63  }
0xd7: {  	_ =	swait.ge [sflag:s31], $0x80  }
0xd8: {  	[sflag:s31] =	ssyncset.done $0x0  }
0xd9: {  	[sflag:s31] =	ssyncadd.s32 $0xFFFFFF80  }
0xda: {  	_ =	swait.ge [sflag:s31], $0x80  }
0xdb: {  	[sflag:s31] =	ssyncset.done $0x0  }
0xdc: {  	[sflag:s31] =	ssyncadd.s32 $0xFFFFFF80  }
0xdd: {  	[tilespmem:s28], [sflag:$0x4] =	stream.indirect.gather [hbm4b:s2+s22], $0x80, s24, s22, $0xb8;
	[tilespmem:$0x17F00] =	vst v63  }
0xde: {  	_ =	swait.ge [sflag:s29], $0x4000  }
.Ltmp3:
0xdf: {  	[sflag:s29] =	ssyncset.done $0x0;
	(pc) =	sbr.rel @p1 .LBB2_6-.Ltmp3, $4  }
0xe0: {  	[sflag:s29] =	ssyncadd.s32 $0xFFFFC000  }
0xe1: {  	[spmem:s3] =	stream.indirect.scatter.add.f32 [tilespmem:s28], [sflag:$0x5], $0x80, s25, s22, $0xb8;
	[tilespmem:$0x17F00] =	vst v63  }
0xe2: {  	_ =	swait.ge [sflag:s20], $0x4000  }
0xe3: {  	s10 =	sadd.s32 s11, s19;
	[sflag:s20] =	ssyncset.done $0x0  }
.Ltmp4:
0xe4: {  	_ = 	snop;
	(pc) =	sbr.rel .LBB2_7-.Ltmp4, $1  }
0xe5: {  	_ =	sdelay $0x3  }
.LBB2_2:
0xe6: {  	[tilespmem:s10], [sflag:$0x1] =	stream.linear.gather [hbm4b:s8+s10], $0x80, $0x38;
	[tilespmem:$0x17F00] =	vst v63  }
0xe7: {  	_ = 	snop  }
0xe8: {  	[tilespmem:s21], [sflag:$0x1] =	stream.linear.gather [hbm4b:s9+s10], $0x80, $0x38;
	[tilespmem:$0x17F00] =	vst v63  }
0xe9: {  	s11 =	rddreg [dreg:$0x4]  }
0xea: {  	[tilespmem:s22], [sflag:$0x2] =	stream.linear.gather [hbm4b:s11+s10], $0x80, $0x38;
	[tilespmem:$0x17F00] =	vst v63  }
0xeb: {  	s13 =	rddreg [dreg:$0x5]  }
0xec: {  	[tilespmem:s23], [sflag:$0x2] =	stream.linear.gather [hbm4b:s13+s10], $0x80, $0x38;
	[tilespmem:$0x17F00] =	vst v63  }
0xed: {  	s10 =	sadd.s32 $0x0, s8  }
0xee: {  	s12 =	sadd.s32 $0x0, s9;
	s14 =	sadd.s32 $0x20, s10  }
0xef: {  	[tilespmem:s24], [sflag:$0x3] =	stream.linear.gather [hbm4b:s14+s4], $0x80, $0x38;
	[tilespmem:$0x17F00] =	vst v63  }
0xf0: {  	s13 =	sadd.s32 $0x20, s12  }
0xf1: {  	[tilespmem:s25], [sflag:$0x3] =	stream.linear.gather [hbm4b:s13+s4], $0x80, $0x38;
	[tilespmem:$0x17F00] =	vst v63  }
0xf2: {  	_ =	swait.ge [sflag:s26], $0x80  }
0xf3: {  	[sflag:s26] =	ssyncset.done $0x0  }
0xf4: {  	[sflag:s26] =	ssyncadd.s32 $0xFFFFFF80  }
0xf5: {  	_ =	swait.ge [sflag:s26], $0x80  }
0xf6: {  	[sflag:s26] =	ssyncset.done $0x0  }
0xf7: {  	[sflag:s26] =	ssyncadd.s32 $0xFFFFFF80  }
0xf8: {  	[tilespmem:s28], [sflag:$0x4] =	stream.indirect.gather [hbm4b:s2+s22], $0x80, s4, s22, $0xb8;
	[tilespmem:$0x17F00] =	vst v63  }
0xf9: {  	_ =	swait.ge [sflag:s29], $0x4000  }
0xfa: {  	[sflag:s29] =	ssyncset.done $0x0  }
0xfb: {  	[sflag:s29] =	ssyncadd.s32 $0xFFFFC000  }
0xfc: {  	[spmem:s3] =	stream.indirect.scatter.add.f32 [tilespmem:s28], [sflag:$0x5], $0x80, s21, s22, $0xb8;
	[tilespmem:$0x17F00] =	vst v63  }
0xfd: {  	_ =	swait.ge [sflag:s20], $0x4000  }
0xfe: {  	[sflag:s20] =	ssyncset.done $0x0  }
0xff: {  	s14 =	sadd.s32 $0x30, s10;
	[sflag:s20] =	ssyncadd.s32 $0xFFFFC000  }
0x100: {  	[tilespmem:s4], [sflag:$0x1] =	stream.linear.gather [hbm4b:s14+s4], $0x80, $0x38;
	[tilespmem:$0x17F00] =	vst v63  }
0x101: {  	s13 =	sadd.s32 $0x30, s12  }
0x102: {  	[tilespmem:s21], [sflag:$0x1] =	stream.linear.gather [hbm4b:s13+s4], $0x80, $0x38;
	[tilespmem:$0x17F00] =	vst v63  }
0x103: {  	_ =	swait.ge [sflag:s30], $0x80  }
0x104: {  	[sflag:s30] =	ssyncset.done $0x0  }
0x105: {  	[sflag:s30] =	ssyncadd.s32 $0xFFFFFF80  }
0x106: {  	_ =	swait.ge [sflag:s30], $0x80  }
0x107: {  	[sflag:s30] =	ssyncset.done $0x0  }
0x108: {  	[sflag:s30] =	ssyncadd.s32 $0xFFFFFF80  }
0x109: {  	[tilespmem:s28], [sflag:$0x4] =	stream.indirect.gather [hbm4b:s2+s22], $0x80, s22, s22, $0xb8;
	[tilespmem:$0x17F00] =	vst v63  }
0x10a: {  	_ =	swait.ge [sflag:s29], $0x4000  }
0x10b: {  	[sflag:s29] =	ssyncset.done $0x0  }
0x10c: {  	[sflag:s29] =	ssyncadd.s32 $0xFFFFC000  }
0x10d: {  	[spmem:s3] =	stream.indirect.scatter.add.f32 [tilespmem:s28], [sflag:$0x5], $0x80, s23, s22, $0xb8;
	[tilespmem:$0x17F00] =	vst v63  }
0x10e: {  	_ =	swait.ge [sflag:s20], $0x4000  }
0x10f: {  	[sflag:s20] =	ssyncset.done $0x0  }
0x110: {  	s10 =	sadd.s32 $0x40, s10;
	[sflag:s20] =	ssyncadd.s32 $0xFFFFC000  }
0x111: {  	[tilespmem:s22], [sflag:$0x2] =	stream.linear.gather [hbm4b:s10+s4], $0x80, $0x38;
	[tilespmem:$0x17F00] =	vst v63  }
0x112: {  	s14 =	sadd.s32 $0x40, s12  }
0x113: {  	[tilespmem:s23], [sflag:$0x2] =	stream.linear.gather [hbm4b:s14+s4], $0x80, $0x38;
	[tilespmem:$0x17F00] =	vst v63  }
0x114: {  	_ =	swait.ge [sflag:s31], $0x80  }
0x115: {  	[sflag:s31] =	ssyncset.done $0x0  }
0x116: {  	[sflag:s31] =	ssyncadd.s32 $0xFFFFFF80  }
0x117: {  	_ =	swait.ge [sflag:s31], $0x80  }
0x118: {  	[sflag:s31] =	ssyncset.done $0x0  }
0x119: {  	[sflag:s31] =	ssyncadd.s32 $0xFFFFFF80  }
0x11a: {  	[tilespmem:s28], [sflag:$0x4] =	stream.indirect.gather [hbm4b:s2+s22], $0x80, s24, s22, $0xb8;
	[tilespmem:$0x17F00] =	vst v63  }
0x11b: {  	_ =	swait.ge [sflag:s29], $0x4000  }
0x11c: {  	[sflag:s29] =	ssyncset.done $0x0  }
0x11d: {  	[sflag:s29] =	ssyncadd.s32 $0xFFFFC000  }
0x11e: {  	[spmem:s3] =	stream.indirect.scatter.add.f32 [tilespmem:s28], [sflag:$0x5], $0x80, s25, s22, $0xb8;
	[tilespmem:$0x17F00] =	vst v63  }
0x11f: {  	s11 =	simm.s32 $0x30;
	_ =	swait.ge [sflag:s20], $0x4000  }
0x120: {  	s12 =	simm.s32 $0x60;
	s10 =	sadd.s32 $0x30, s8;
	[sflag:s20] =	ssyncset.done $0x0  }
.LBB2_3:
0x121: {  	s14 =	sadd.s32 $0x20, s10  }
0x122: {  	s13 =	sadd.s32 s11, s9;
	[sflag:s20] =	ssyncadd.s32 $0xFFFFC000;
	s11 =	smov.u32 s12  }
0x123: {  	[tilespmem:s24], [sflag:$0x3] =	stream.linear.gather [hbm4b:s14+s4], $0x80, $0x38;
	[tilespmem:$0x17F00] =	vst v63  }
0x124: {  	p1 =	seq.s32 s12, $0x870;
	s12 =	sadd.s32 $0x30, s12;
	s14 =	sadd.s32 $0x20, s13  }
0x125: {  	[tilespmem:s25], [sflag:$0x3] =	stream.linear.gather [hbm4b:s14+s4], $0x80, $0x38;
	[tilespmem:$0x17F00] =	vst v63  }
0x126: {  	_ =	swait.ge [sflag:s26], $0x80  }
0x127: {  	[sflag:s26] =	ssyncset.done $0x0  }
0x128: {  	[sflag:s26] =	ssyncadd.s32 $0xFFFFFF80  }
0x129: {  	_ =	swait.ge [sflag:s26], $0x80  }
0x12a: {  	[sflag:s26] =	ssyncset.done $0x0  }
0x12b: {  	[sflag:s26] =	ssyncadd.s32 $0xFFFFFF80  }
0x12c: {  	[tilespmem:s28], [sflag:$0x4] =	stream.indirect.gather [hbm4b:s2+s22], $0x80, s4, s22, $0xb8;
	[tilespmem:$0x17F00] =	vst v63  }
0x12d: {  	_ =	swait.ge [sflag:s29], $0x4000  }
0x12e: {  	[sflag:s29] =	ssyncset.done $0x0  }
0x12f: {  	[sflag:s29] =	ssyncadd.s32 $0xFFFFC000  }
0x130: {  	[spmem:s3] =	stream.indirect.scatter.add.f32 [tilespmem:s28], [sflag:$0x5], $0x80, s21, s22, $0xb8;
	[tilespmem:$0x17F00] =	vst v63  }
0x131: {  	_ =	swait.ge [sflag:s20], $0x4000  }
0x132: {  	[sflag:s20] =	ssyncset.done $0x0  }
0x133: {  	s14 =	sadd.s32 $0x30, s10;
	[sflag:s20] =	ssyncadd.s32 $0xFFFFC000  }
0x134: {  	[tilespmem:s4], [sflag:$0x1] =	stream.linear.gather [hbm4b:s14+s4], $0x80, $0x38;
	[tilespmem:$0x17F00] =	vst v63  }
0x135: {  	s14 =	sadd.s32 $0x30, s13  }
0x136: {  	[tilespmem:s21], [sflag:$0x1] =	stream.linear.gather [hbm4b:s14+s4], $0x80, $0x38;
	[tilespmem:$0x17F00] =	vst v63  }
0x137: {  	_ =	swait.ge [sflag:s30], $0x80  }
0x138: {  	[sflag:s30] =	ssyncset.done $0x0  }
0x139: {  	[sflag:s30] =	ssyncadd.s32 $0xFFFFFF80  }
0x13a: {  	_ =	swait.ge [sflag:s30], $0x80  }
0x13b: {  	[sflag:s30] =	ssyncset.done $0x0  }
0x13c: {  	[sflag:s30] =	ssyncadd.s32 $0xFFFFFF80  }
0x13d: {  	[tilespmem:s28], [sflag:$0x4] =	stream.indirect.gather [hbm4b:s2+s22], $0x80, s22, s22, $0xb8;
	[tilespmem:$0x17F00] =	vst v63  }
0x13e: {  	_ =	swait.ge [sflag:s29], $0x4000  }
0x13f: {  	[sflag:s29] =	ssyncset.done $0x0  }
0x140: {  	[sflag:s29] =	ssyncadd.s32 $0xFFFFC000  }
0x141: {  	[spmem:s3] =	stream.indirect.scatter.add.f32 [tilespmem:s28], [sflag:$0x5], $0x80, s23, s22, $0xb8;
	[tilespmem:$0x17F00] =	vst v63  }
0x142: {  	_ =	swait.ge [sflag:s20], $0x4000  }
0x143: {  	[sflag:s20] =	ssyncset.done $0x0  }
0x144: {  	s10 =	sadd.s32 $0x40, s10;
	[sflag:s20] =	ssyncadd.s32 $0xFFFFC000  }
0x145: {  	[tilespmem:s22], [sflag:$0x2] =	stream.linear.gather [hbm4b:s10+s4], $0x80, $0x38;
	[tilespmem:$0x17F00] =	vst v63  }
0x146: {  	s10 =	sadd.s32 $0x40, s13  }
0x147: {  	[tilespmem:s23], [sflag:$0x2] =	stream.linear.gather [hbm4b:s10+s4], $0x80, $0x38;
	[tilespmem:$0x17F00] =	vst v63  }
0x148: {  	_ =	swait.ge [sflag:s31], $0x80  }
0x149: {  	[sflag:s31] =	ssyncset.done $0x0  }
0x14a: {  	[sflag:s31] =	ssyncadd.s32 $0xFFFFFF80  }
0x14b: {  	_ =	swait.ge [sflag:s31], $0x80  }
0x14c: {  	[sflag:s31] =	ssyncset.done $0x0  }
0x14d: {  	[sflag:s31] =	ssyncadd.s32 $0xFFFFFF80  }
0x14e: {  	[tilespmem:s28], [sflag:$0x4] =	stream.indirect.gather [hbm4b:s2+s22], $0x80, s24, s22, $0xb8;
	[tilespmem:$0x17F00] =	vst v63  }
0x14f: {  	_ =	swait.ge [sflag:s29], $0x4000  }
.Ltmp5:
0x150: {  	[sflag:s29] =	ssyncset.done $0x0;
	(pc) =	sbr.rel @!p1 .LBB2_3-.Ltmp5, $4  }
0x151: {  	[sflag:s29] =	ssyncadd.s32 $0xFFFFC000  }
0x152: {  	[spmem:s3] =	stream.indirect.scatter.add.f32 [tilespmem:s28], [sflag:$0x5], $0x80, s25, s22, $0xb8;
	[tilespmem:$0x17F00] =	vst v63  }
0x153: {  	_ =	swait.ge [sflag:s20], $0x4000  }
0x154: {  	s10 =	sadd.s32 s11, s8;
	[sflag:s20] =	ssyncset.done $0x0  }
0x155: {  	s12 =	sadd.s32 $0x20, s10;
	s11 =	sadd.s32 s11, s9;
	[sflag:s20] =	ssyncadd.s32 $0xFFFFC000  }
0x156: {  	[tilespmem:s24], [sflag:$0x3] =	stream.linear.gather [hbm4b:s12+s4], $0x80, $0x38;
	[tilespmem:$0x17F00] =	vst v63  }
0x157: {  	s14 =	sadd.s32 $0x20, s11  }
0x158: {  	[tilespmem:s25], [sflag:$0x3] =	stream.linear.gather [hbm4b:s14+s4], $0x80, $0x38;
	[tilespmem:$0x17F00] =	vst v63  }
0x159: {  	_ =	swait.ge [sflag:s26], $0x80  }
0x15a: {  	[sflag:s26] =	ssyncset.done $0x0  }
0x15b: {  	[sflag:s26] =	ssyncadd.s32 $0xFFFFFF80  }
0x15c: {  	_ =	swait.ge [sflag:s26], $0x80  }
0x15d: {  	[sflag:s26] =	ssyncset.done $0x0  }
0x15e: {  	[sflag:s26] =	ssyncadd.s32 $0xFFFFFF80  }
0x15f: {  	[tilespmem:s28], [sflag:$0x4] =	stream.indirect.gather [hbm4b:s2+s22], $0x80, s4, s22, $0xb8;
	[tilespmem:$0x17F00] =	vst v63  }
0x160: {  	_ =	swait.ge [sflag:s29], $0x4000  }
0x161: {  	[sflag:s29] =	ssyncset.done $0x0  }
0x162: {  	[sflag:s29] =	ssyncadd.s32 $0xFFFFC000  }
0x163: {  	[spmem:s3] =	stream.indirect.scatter.add.f32 [tilespmem:s28], [sflag:$0x5], $0x80, s21, s22, $0xb8;
	[tilespmem:$0x17F00] =	vst v63  }
0x164: {  	_ =	swait.ge [sflag:s20], $0x4000  }
0x165: {  	[sflag:s20] =	ssyncset.done $0x0  }
0x166: {  	s13 =	sadd.s32 $0x30, s10;
	[sflag:s20] =	ssyncadd.s32 $0xFFFFC000  }
0x167: {  	[tilespmem:s4], [sflag:$0x1] =	stream.linear.gather [hbm4b:s13+s4], $0x80, $0x38;
	[tilespmem:$0x17F00] =	vst v63  }
0x168: {  	s14 =	sadd.s32 $0x30, s11  }
0x169: {  	[tilespmem:s21], [sflag:$0x1] =	stream.linear.gather [hbm4b:s14+s4], $0x80, $0x38;
	[tilespmem:$0x17F00] =	vst v63  }
0x16a: {  	_ =	swait.ge [sflag:s30], $0x80  }
0x16b: {  	[sflag:s30] =	ssyncset.done $0x0  }
0x16c: {  	[sflag:s30] =	ssyncadd.s32 $0xFFFFFF80  }
0x16d: {  	_ =	swait.ge [sflag:s30], $0x80  }
0x16e: {  	[sflag:s30] =	ssyncset.done $0x0  }
0x16f: {  	[sflag:s30] =	ssyncadd.s32 $0xFFFFFF80  }
0x170: {  	[tilespmem:s28], [sflag:$0x4] =	stream.indirect.gather [hbm4b:s2+s22], $0x80, s22, s22, $0xb8;
	[tilespmem:$0x17F00] =	vst v63  }
0x171: {  	_ =	swait.ge [sflag:s29], $0x4000  }
0x172: {  	[sflag:s29] =	ssyncset.done $0x0  }
0x173: {  	[sflag:s29] =	ssyncadd.s32 $0xFFFFC000  }
0x174: {  	[spmem:s3] =	stream.indirect.scatter.add.f32 [tilespmem:s28], [sflag:$0x5], $0x80, s23, s22, $0xb8;
	[tilespmem:$0x17F00] =	vst v63  }
0x175: {  	_ =	swait.ge [sflag:s20], $0x4000  }
0x176: {  	[sflag:s20] =	ssyncset.done $0x0  }
0x177: {  	s13 =	sadd.s32 $0x40, s10;
	[sflag:s20] =	ssyncadd.s32 $0xFFFFC000  }
0x178: {  	[tilespmem:s22], [sflag:$0x2] =	stream.linear.gather [hbm4b:s13+s4], $0x80, $0x38;
	[tilespmem:$0x17F00] =	vst v63  }
0x179: {  	s14 =	sadd.s32 $0x40, s11  }
0x17a: {  	[tilespmem:s23], [sflag:$0x2] =	stream.linear.gather [hbm4b:s14+s4], $0x80, $0x38;
	[tilespmem:$0x17F00] =	vst v63  }
0x17b: {  	_ =	swait.ge [sflag:s31], $0x80  }
0x17c: {  	[sflag:s31] =	ssyncset.done $0x0  }
0x17d: {  	[sflag:s31] =	ssyncadd.s32 $0xFFFFFF80  }
0x17e: {  	_ =	swait.ge [sflag:s31], $0x80  }
0x17f: {  	[sflag:s31] =	ssyncset.done $0x0  }
0x180: {  	[sflag:s31] =	ssyncadd.s32 $0xFFFFFF80  }
0x181: {  	[tilespmem:s28], [sflag:$0x4] =	stream.indirect.gather [hbm4b:s2+s22], $0x80, s24, s22, $0xb8;
	[tilespmem:$0x17F00] =	vst v63  }
0x182: {  	_ =	swait.ge [sflag:s29], $0x4000  }
0x183: {  	[sflag:s29] =	ssyncset.done $0x0  }
.Ltmp6:
0x184: {  	[sflag:s29] =	ssyncadd.s32 $0xFFFFC000;
	(pc) =	sbr.rel .LBB2_8-.Ltmp6, $4  }
0x185: {  	[spmem:s3] =	stream.indirect.scatter.add.f32 [tilespmem:s28], [sflag:$0x5], $0x80, s25, s22, $0xb8;
	[tilespmem:$0x17F00] =	vst v63  }
0x186: {  	_ =	swait.ge [sflag:s20], $0x4000  }
0x187: {  	[sflag:s20] =	ssyncset.done $0x0  }
0x188: {  	[sflag:s20] =	ssyncadd.s32 $0xFFFFC000  }
.LBB2_9:
0x189: {  	_ =	sfence.sel $0x180000  }
0x18a: {  	[bflag:$0x0] =	sbarrier.arrive $0xFFFF  }
0x18b: {  	_ =	strace $0x9000004A  }
0x18c: {  	s0 =	stileid.u32;
	[bflag:$0x2] =	sbarrier.arrive $0xFFFF  }
0x18d: {  	p0 =	sne.s32 s0, $0x0;
	s0 =	rddreg [dreg:$0x3]  }
0x18e: {  	s0 =	sadd.s32 @!p0 $0x100000, s0  }
0x18f: {  	[sflag:s0] =	ssyncadd.tile.s32 @!p0 $0x1;
	_ =	shalt  }
.Lfunc_end2:
_tile_overlayer_lowered:
.L_overlay_start_2:
0x190: {  	(tag) =	ssettag $0x2  }
0x191: {  	s0 =	rddreg [dreg:$0x0];
	s2 =	stileid.u32  }
0x192: {  	s1 =	rddreg [dreg:$0x1];
	p0 =	sne.s32 s2, $0x0  }
0x193: {  	s3 =	rddreg [dreg:$0x2];
	[bflag:$0x3] =	sbarrier.arrive $0xFFFF;
	s2 =	simm.s32 @!p0 $0x1C05  }
0x194: {  	[timem:s3], [sflag:s2] =	dma.local @!p0 [hbm:s0], s1  }
0x195: {  	s0 =	simm.s32 @!p0 $0x5  }
0x196: {  	_ =	swait.ge @!p0 [sflag:s0], s1  }
0x197: {  	s1 =	ssub.s32 @!p0 $0x0, s1;
	[sflag:s0] =	ssyncset.done @!p0 $0x0  }
0x198: {  	[sflag:s0] =	ssyncadd.s32 @!p0 s1  }
0x199: {  	[bflag:$0x3] =	sbarrier.arrive $0xFFFF  }
0x19a: {  	_ =	shalt  }

// kernel: kernel.14.cloned.1.call-start
scs
__scs_entry_jumppad:
0x0: {  	(pc) =	sbr.rel $0x88, $3  }
0x1: {  	(tag) =	ssettag $0x0;
	lr =	simm.s32 $0x1  }
0x2: {  	[smem:$0x3F91] =	sst lr;
	_ =	strace $0xD0000000  }
0x3: {  	_ = 	snop  }
0x4: {  	_ = 	snop  }
0x5: {  	_ = 	snop  }
0x6: {  	_ = 	snop  }
0x7: {  	_ = 	snop  }
__scs_overlays_trampoline_lowered:
0x8: {  	[smem:$0x3FA0] =	sst s0  }
0x9: {  	[smem:$0x3FA1] =	sst s1  }
0xa: {  	[smem:$0x3FA2] =	sst s2  }
0xb: {  	[smem:$0x3FA3] =	sst s3  }
0xc: {  	[smem:$0x3FA4] =	sst s4  }
0xd: {  	[smem:$0x3FA5] =	sst s5  }
0xe: {  	[smem:$0x3FA6] =	sst s6  }
0xf: {  	[smem:$0x3FA7] =	sst s7  }
0x10: {  	[smem:$0x3FA8] =	sst s8  }
0x11: {  	[smem:$0x3FA9] =	sst s9;
	s0 =	simm.s32 @!p0 $0x0  }
0x12: {  	s1 =	sld [smem:$0x3F8F];
	s0 =	simm.s32 @p0 $0x1  }
0x13: {  	[smem:$0x3FAA] =	sst s0;
	s0 =	simm.s32 @!p1 $0x0  }
0x14: {  	s2 =	sld [smem:$0x3F8E];
	s0 =	simm.s32 @p1 $0x1  }
0x15: {  	[smem:$0x3FAB] =	sst s0;
	s0 =	simm.s32 @!p2 $0x0  }
0x16: {  	s3 =	sld [smem:$0x3FDB];
	s0 =	simm.s32 @p2 $0x1  }
0x17: {  	s4 =	simm.s32 $0x1BF5;
	[smem:$0x3FAD] =	sst s0  }
0x18: {  	s0 =	sld [smem:$0x3F90];
	_ =	swait.ge [sflag:s4], $0x0  }
0x19: {  	s7 =	sld [smem:$0x3F91]  }
0x1a: {  	s8 =	sadd.s32 $0xFFFFE003, lr  }
0x1b: {  	s9 =	sadd.s32 $0xFFFFFEF7, lr;
	s5 =	simm.s32 $0xFFFFFFFF;
	p2 =	slt.u32 s8, $0xFFFFF086  }
0x1c: {  	p1 =	slt.u32 s9, $0xF7A;
	s5 =	simm.s32 @!p2 $0x0  }
0x1d: {  	s5 =	simm.s32 @p1 $0x1;
	p0 =	seq.s32 s7, s2  }
0x1e: {  	s7 =	smul.u32 @!p0 $0xF7A, s2;
	p2 =	seq.s32 @!p0 s5, $0x0  }
0x1f: {  	s9 =	smul.u32 $0xF7A, s1;
	s8 =	simm.s32 @!p0 $0x1BF5;
	p2 =	por !p2, p0  }
0x20: {  	[sflag:s8] =	ssyncset.s32 @!p0 $0xFFFFF086;
	s6 =	sadd.s32 @!p0 s3, s7;
	s7 =	simm.s32 @!p0 $0x108  }
0x21: {  	s3 =	sadd.s32 s3, s9;
	s6 =	sadd.s32 @!p0 $0x88, s6;
	s7 =	simm.s32 @p2 $0x1082  }
0x22: {  	[simem:s7], [sflag:s8] =	dma.local @!p0 [hbm:s6], $0xF7A  }
0x23: {  	s9 =	sor.u32 $0xD0000000, s2;
	s6 =	simm.s32 $0x108;
	_ =	swait.ge @!p0 [sflag:s8], $0x0  }
0x24: {  	s3 =	sadd.s32 $0x88, s3;
	s6 =	simm.s32 @!p1 $0x1082;
	[sflag:s4] =	ssyncset.s32 $0xFFFFF086  }
0x25: {  	[simem:s6], [sflag:s4] =	dma.local [hbm:s3], $0xF7A  }
0x26: {  	[smem:$0x3F91] =	sst s1;
	(tag) =	ssettag s2;
	_ =	strace s9  }
0x27: {  	s1 =	sld [smem:$0x3FA1]  }
0x28: {  	s2 =	sld [smem:$0x3FA2]  }
0x29: {  	s4 =	sld [smem:$0x3FA4]  }
0x2a: {  	p0 =	seq.s32 s5, $0x0;
	s5 =	sld [smem:$0x3FA5]  }
0x2b: {  	s6 =	sld [smem:$0x3FA6]  }
0x2c: {  	s7 =	sld [smem:$0x3FA7]  }
0x2d: {  	s3 =	simm.s32 $0x108;
	s8 =	sld [smem:$0x3FA8]  }
0x2e: {  	s3 =	simm.s32 @!p0 $0x1082;
	s9 =	sld [smem:$0x3FA9]  }
0x2f: {  	lr =	sadd.s32 s0, s3;
	s0 =	sld [smem:$0x3FA0]  }
0x30: {  	s3 =	sld [smem:$0x3FA3]  }
0x31: {  	[smem:$0x3FAC] =	sst s10  }
0x32: {  	s10 =	sld [smem:$0x3FAA];
	_ =	sdelay $0x3  }
0x33: {  	p0 =	seq.s32 s10, $0x1;
	s10 =	sld [smem:$0x3FAC];
	_ =	sdelay $0x3  }
0x34: {  	[smem:$0x3FAC] =	sst s10  }
0x35: {  	s10 =	sld [smem:$0x3FAB];
	_ =	sdelay $0x3  }
0x36: {  	p1 =	seq.s32 s10, $0x1;
	s10 =	sld [smem:$0x3FAC];
	_ =	sdelay $0x3  }
0x37: {  	[smem:$0x3FAC] =	sst s10  }
0x38: {  	s10 =	sld [smem:$0x3FAD]  }
0x39: {  	_ = 	snop;
	(pc) =	sbr.ind lr, $3  }
0x3a: {  	_ = 	snop  }
0x3b: {  	_ = 	snop  }
0x3c: {  	p2 =	seq.s32 s10, $0x1;
	s10 =	sld [smem:$0x3FAC]  }
0x3d: {  	_ =	shalt  }
0x3e: {  	_ =	shalt  }
0x3f: {  	_ =	shalt  }
0x40: {  	_ =	shalt  }
0x41: {  	_ =	shalt  }
0x42: {  	_ =	shalt  }
0x43: {  	_ =	shalt  }
0x44: {  	_ =	shalt  }
0x45: {  	_ =	shalt  }
0x46: {  	_ =	shalt  }
0x47: {  	_ =	shalt  }
0x48: {  	_ =	shalt  }
0x49: {  	_ =	shalt  }
0x4a: {  	_ =	shalt  }
0x4b: {  	_ =	shalt  }
0x4c: {  	_ =	shalt  }
0x4d: {  	_ =	shalt  }
0x4e: {  	_ =	shalt  }
0x4f: {  	_ =	shalt  }
0x50: {  	_ =	shalt  }
0x51: {  	_ =	shalt  }
0x52: {  	_ =	shalt  }
0x53: {  	_ =	shalt  }
0x54: {  	_ =	shalt  }
0x55: {  	_ =	shalt  }
0x56: {  	_ =	shalt  }
0x57: {  	_ =	shalt  }
0x58: {  	_ =	shalt  }
0x59: {  	_ =	shalt  }
0x5a: {  	_ =	shalt  }
0x5b: {  	_ =	shalt  }
0x5c: {  	_ =	shalt  }
0x5d: {  	_ =	shalt  }
0x5e: {  	_ =	shalt  }
0x5f: {  	_ =	shalt  }
0x60: {  	_ =	shalt  }
0x61: {  	_ =	shalt  }
0x62: {  	_ =	shalt  }
0x63: {  	_ =	shalt  }
0x64: {  	_ =	shalt  }
0x65: {  	_ =	shalt  }
0x66: {  	_ =	shalt  }
0x67: {  	_ =	shalt  }
0x68: {  	_ =	shalt  }
0x69: {  	_ =	shalt  }
0x6a: {  	_ =	shalt  }
0x6b: {  	_ =	shalt  }
0x6c: {  	_ =	shalt  }
0x6d: {  	_ =	shalt  }
0x6e: {  	_ =	shalt  }
0x6f: {  	_ =	shalt  }
0x70: {  	_ =	shalt  }
0x71: {  	_ =	shalt  }
0x72: {  	_ =	shalt  }
0x73: {  	_ =	shalt  }
0x74: {  	_ =	shalt  }
0x75: {  	_ =	shalt  }
0x76: {  	_ =	shalt  }
0x77: {  	_ =	shalt  }
0x78: {  	_ =	shalt  }
0x79: {  	_ =	shalt  }
0x7a: {  	_ =	shalt  }
0x7b: {  	_ =	shalt  }
0x7c: {  	_ =	shalt  }
0x7d: {  	_ =	shalt  }
0x7e: {  	_ =	shalt  }
0x7f: {  	_ =	shalt  }
0x80: {  	_ =	shalt  }
0x81: {  	_ =	shalt  }
0x82: {  	_ =	shalt  }
0x83: {  	_ =	shalt  }
0x84: {  	_ =	shalt  }
0x85: {  	_ =	shalt  }
0x86: {  	_ =	shalt  }
0x87: {  	_ =	shalt  }
.Lfunc_end0:
.L_simem_size_0:
called_computation.2_lowered:
.L_overlay_start_0:
0x88: {  	s2 =	sld [smem:$0x3FD9]  }
0x89: {  	s3 =	sld [smem:$0x3FFE];
	_ =	sdelay $0x1  }
0x8a: {  	s1 =	srdreg.scid  }
0x8b: {  	s0 =	sand.u32 $0x1, s1  }
0x8c: {  	s17 =	sshll.u32 s0, $0xA;
	s2 =	sadd.s32 s3, s2  }
0x8d: {  	s2 =	sadd.s32 s2, s17  }
0x8e: {  	[smem:$0x3FB8] =	sst s2  }
0x8f: {  	_ = 	snop  }
0x90: {  	s2 =	sld [smem:$0x3FD0];
	(tm) =	ssettm $0x1  }
0x91: {  	s18 =	sld [smem:$0x3FFB];
	_ =	sdelay $0x3  }
0x92: {  	_ =	strace s18  }
0x93: {  	s3 =	sld [smem:$0x3FFC];
	_ =	sdelay $0x3  }
0x94: {  	_ =	strace s3  }
0x95: {  	s3 =	sld [smem:$0x3FFD];
	_ =	sdelay $0x3  }
0x96: {  	_ =	strace s3  }
0x97: {  	_ =	strace $0x8FFFFFFF  }
0x98: {  	s19 =	sld [smem:$0x3FDB];
	_ =	sdelay $0x1  }
0x99: {  	s4 =	simm.s32 $_scs_section_size  }
0x9a: {  	s5 =	simm.s32 $_size__tile_overlayer_lowered;
	s6 =	simm.s32 $_tile_overlayer_lowered  }
0x9b: {  	s22 =	simm.s32 $0x1BFF;
	s21 =	sshll.u32 s6, $0x1;
	s3 =	sadd.s32 s4, s19  }
0x9c: {  	s7 =	simm.s32 $0x0;
	s20 =	sshll.u32 s5, $0x1;
	s5 =	sadd.s32 s21, s3  }
0x9d: {  	[timem:s7], [sflag:s22] =	dma.local [hbm:s5], s20  }
0x9e: {  	_ =	swait.ge [sflag:s22], s20  }
0x9f: {  	s4 =	ssub.s32 $0x0, s20;
	[sflag:s22] =	ssyncset.done $0x0  }
0xa0: {  	[sflag:s22] =	ssyncadd.s32 s4;
	_ =	sdelay $0x1  }
0xa1: {  	s23 =	simm.s32 $0x1B8B  }
0xa2: {  	_ =	swait.ge [sflag:s23], $0x1  }
0xa3: {  	[sflag:s23] =	ssyncset.done $0x0  }
0xa4: {  	s25 =	simm.s32 $0x1B8E;
	s24 =	sld [smem:$0x3FFE];
	[sflag:s23] =	ssyncadd.s32 $0xFFFFFFFF  }
0xa5: {  	s26 =	simm.s32 $execute0_lowered;
	[smem:$0x3FD2] =	sst s25  }
0xa6: {  	s5 =	sshll.u32 s26, $0x1;
	_ =	strace $0x8000004C;
	[dreg:$0x1] =	wrdreg $0xFFFFFFFF  }
0xa7: {  	s28 =	simm.s32 $_size_execute0_lowered;
	s3 =	sadd.s32 s3, s5;
	[dreg:$0x0] =	wrdreg $0x0  }
0xa8: {  	s5 =	sshll.u32 s28, $0x1;
	[dreg:$0x2] =	wrdreg s3  }
0xa9: {  	[dreg:$0x3] =	wrdreg s5  }
0xaa: {  	[dreg:$0x4] =	wrdreg $0xC0  }
0xab: {  	_ =	task [dreg:s7], $0x5FFFF  }
0xac: {  	[dreg:$0x1] =	wrdreg $0xFFFFFFFF  }
0xad: {  	[dreg:$0x0] =	wrdreg $0x60  }
0xae: {  	[dreg:$0x2] =	wrdreg s2  }
0xaf: {  	[dreg:$0x3] =	wrdreg s24  }
0xb0: {  	[dreg:$0x4] =	wrdreg $0x43000  }
0xb1: {  	[dreg:$0x5] =	wrdreg $0x9  }
0xb2: {  	_ =	task.clear_ibuf [dreg:s7], $0x6FFFF;
	_ =	strace $0x9000004C  }
0xb3: {  	s29 =	simm.s32 $0x9;
	_ =	strace $0x8000004E  }
0xb4: {  	_ =	swait.ge [sflag:s29], $0x1  }
0xb5: {  	[sflag:s29] =	ssyncadd.s32 $0xFFFFFFFF  }
0xb6: {  	_ =	strace $0x9000004E  }
0xb7: {  	_ =	sfence  }
0xb8: {  	s30 =	sld [smem:$0x0];
	_ =	sdelay $0x2  }
0xb9: {  	s31 =	sshll.u32 s1, $0xD;
	s1 =	sshrl.u32 s1, $0x2  }
0xba: {  	s3 =	sand.u32 $0x4000, s31;
	s1 =	sadd.s32 s1, s30  }
0xbb: {  	s0 =	sor.u32 s3, s0;
	s1 =	sshll.u32 s1, $0x11  }
0xbc: {  	s0 =	sor.u32 s1, s0  }
0xbd: {  	s0 =	sadd.s32 $0x8F2B, s0  }
0xbe: {  	[sflag:s0] =	ssyncadd.remote.s32 $0x1  }
0xbf: {  	_ =	sfence.sel $0xFFFF  }
0xc0: {  	[dreg:$0x0] =	wrdreg $0xFFFFFFFF;
	(pc) =	sbr.abs _section_cstart, $3  }
0xc1: {  	[dreg:$0x1] =	wrdreg $0xFFFFFFFF  }
0xc2: {  	_ =	task.clear_ibuf [dreg:s7], $0x2FFFF;
	_ =	strace $0x9FFFFFFF  }
0xc3: {  	(tm) =	ssettm $0x7FFFFFFF  }
tec
execute0_lowered:
.L_overlay_start_1:
0x0: {  	(tag) =	ssettag $0x1  }
0x1: {  	s2 =	rddreg [dreg:$0x0]  }
0x2: {  	s0 =	rddreg [dreg:$0x1]  }
0x3: {  	s3 =	rddreg [dreg:$0x2]  }
0x4: {  	s14 =	stileid.u32;
	s1 =	srdreg.scid;
	s4 =	simm.s32 $0x0  }
0x5: {  	s20 =	simm.s32 $0x5;
	s28 =	simm.s32 $0x300;
	s5 =	smul.u32 $0x13C00, s14  }
0x6: {  	s29 =	simm.s32 $0x4;
	s30 =	simm.s32 $0x2;
	s22 =	smul.u32 $0x8C0, s14  }
0x7: {  	s31 =	simm.s32 $0x3;
	s1 =	sand.u32 $0x1, s1;
	s13 =	smul.u32 $0x140, s14  }
0x8: {  	[smem:$0x7FF] =	sst s4;
	s21 =	sshll.u32 s14, $0x6;
	s14 =	smul.u32 $0xA00, s14  }
0x9: {  	s10 =	sadd.s32 $0x1D400, s0;
	s11 =	sadd.s32 $0x4400, s0;
	s6 =	smul.u32 $0x13C000, s1  }
0xa: {  	_ =	strace $0x8000004D;
	s7 =	ssub.s32 $0x2, s1;
	p0 =	seq.s32 s1, $0x1  }
0xb: {  	s8 =	sshrl.u32 s5, $0x3;
	s9 =	sshrl.u32 s7, $0x1;
	s23 =	sor.u32 $0x10, s22  }
0xc: {  	s24 =	sadd.s32 $0x8C00, s13;
	s14 =	sshrl.u32 s14, $0x3;
	s18 =	sadd.s32 s13, s11  }
0xd: {  	s19 =	sadd.s32 s13, s10;
	s6 =	sadd.s32 s5, s6;
	s8 =	sadd.s32 s8, s0  }
0xe: {  	s12 =	ssub.s32 s7, s9;
	s5 =	sadd.s32 s5, s3;
	s7 =	sor.u32 $0x1C05, s21  }
0xf: {  	s9 =	sadd.s32 s11, s22;
	s15 =	sadd.s32 s10, s23;
	s1 =	sadd.s32 s11, s23  }
0x10: {  	s25 =	sadd.s32 s10, s24;
	s26 =	sadd.s32 $0x8C10, s14;
	[dreg:$0x4] =	wrdreg s15  }
0x11: {  	s21 =	simm.s32 $0x180;
	s23 =	simm.s32 $0x200;
	[dreg:$0x5] =	wrdreg s1  }
0x12: {  	s6 =	sshrl.u32 s6, $0x3;
	[dreg:$0x6] =	wrdreg s25;
	s1 =	sadd.s32 s11, s24  }
.Ltmp0:
0x13: {  	s14 =	sadd.s32 s10, s26;
	s15 =	sadd.s32 s11, s26;
	(pc) =	sbr.rel .LBB2_1-.Ltmp0, $4  }
0x14: {  	s17 =	smax.u32 s12, $0x1;
	s24 =	simm.s32 $0x100;
	s25 =	simm.s32 $0x280  }
0x15: {  	s26 =	simm.s32 $0x1;
	s0 =	sadd.s32 s6, s0;
	[dreg:$0x7] =	wrdreg s1  }
0x16: {  	s6 =	sadd.s32 $0x27400, s8;
	s8 =	sadd.s32 s10, s22;
	[dreg:$0x8] =	wrdreg s14  }
0x17: {  	s22 =	simm.s32 $0x80;
	s16 =	sadd.s32 $0x4EC00, s0;
	s0 =	simm.s32 $0x0  }
.LBB2_7:
0x18: {  	s12 =	sadd.s32 $0x8C20, s10;
	s11 =	sadd.s32 s11, s18;
	[sflag:s20] =	ssyncadd.s32 $0xFFFFC000  }
0x19: {  	[tilespmem:s24], [sflag:$0x3] =	stream.linear.gather [hbm4b:s12+s4], $0x80, $0x38;
	[tilespmem:$0x17F00] =	vst v63  }
0x1a: {  	s14 =	sadd.s32 $0x8C20, s11  }
0x1b: {  	[tilespmem:s25], [sflag:$0x3] =	stream.linear.gather [hbm4b:s14+s4], $0x80, $0x38;
	[tilespmem:$0x17F00] =	vst v63  }
0x1c: {  	_ =	swait.ge [sflag:s26], $0x80  }
0x1d: {  	[sflag:s26] =	ssyncset.done $0x0  }
0x1e: {  	[sflag:s26] =	ssyncadd.s32 $0xFFFFFF80  }
0x1f: {  	_ =	swait.ge [sflag:s26], $0x80  }
0x20: {  	[sflag:s26] =	ssyncset.done $0x0  }
0x21: {  	[sflag:s26] =	ssyncadd.s32 $0xFFFFFF80  }
0x22: {  	[tilespmem:s28], [sflag:$0x4] =	stream.indirect.gather [hbm4b:s2+s22], $0x80, s4, s22, $0xb8;
	[tilespmem:$0x17F00] =	vst v63  }
0x23: {  	_ =	swait.ge [sflag:s29], $0x4000  }
0x24: {  	[sflag:s29] =	ssyncset.done $0x0  }
0x25: {  	[sflag:s29] =	ssyncadd.s32 $0xFFFFC000  }
0x26: {  	[spmem:s3] =	stream.indirect.scatter.add.f32 [tilespmem:s28], [sflag:$0x5], $0x80, s21, s22, $0xb8;
	[tilespmem:$0x17F00] =	vst v63  }
0x27: {  	_ =	swait.ge [sflag:s20], $0x4000  }
0x28: {  	[sflag:s20] =	ssyncset.done $0x0  }
0x29: {  	s13 =	sadd.s32 $0x8C30, s10;
	[sflag:s20] =	ssyncadd.s32 $0xFFFFC000  }
0x2a: {  	[tilespmem:s4], [sflag:$0x1] =	stream.linear.gather [hbm4b:s13+s4], $0x80, $0x38;
	[tilespmem:$0x17F00] =	vst v63  }
0x2b: {  	s14 =	sadd.s32 $0x8C30, s11  }
0x2c: {  	[tilespmem:s21], [sflag:$0x1] =	stream.linear.gather [hbm4b:s14+s4], $0x80, $0x38;
	[tilespmem:$0x17F00] =	vst v63  }
0x2d: {  	_ =	swait.ge [sflag:s30], $0x80  }
0x2e: {  	[sflag:s30] =	ssyncset.done $0x0  }
0x2f: {  	[sflag:s30] =	ssyncadd.s32 $0xFFFFFF80  }
0x30: {  	_ =	swait.ge [sflag:s30], $0x80  }
0x31: {  	[sflag:s30] =	ssyncset.done $0x0  }
0x32: {  	[sflag:s30] =	ssyncadd.s32 $0xFFFFFF80  }
0x33: {  	[tilespmem:s28], [sflag:$0x4] =	stream.indirect.gather [hbm4b:s2+s22], $0x80, s22, s22, $0xb8;
	[tilespmem:$0x17F00] =	vst v63  }
0x34: {  	_ =	swait.ge [sflag:s29], $0x4000  }
0x35: {  	[sflag:s29] =	ssyncset.done $0x0  }
0x36: {  	[sflag:s29] =	ssyncadd.s32 $0xFFFFC000  }
0x37: {  	[spmem:s3] =	stream.indirect.scatter.add.f32 [tilespmem:s28], [sflag:$0x5], $0x80, s23, s22, $0xb8;
	[tilespmem:$0x17F00] =	vst v63  }
0x38: {  	_ =	swait.ge [sflag:s20], $0x4000  }
0x39: {  	[sflag:s20] =	ssyncset.done $0x0  }
0x3a: {  	s13 =	sadd.s32 $0x8C40, s10;
	[sflag:s20] =	ssyncadd.s32 $0xFFFFC000  }
0x3b: {  	[tilespmem:s22], [sflag:$0x2] =	stream.linear.gather [hbm4b:s13+s4], $0x80, $0x38;
	[tilespmem:$0x17F00] =	vst v63  }
0x3c: {  	s14 =	sadd.s32 $0x8C40, s11  }
0x3d: {  	[tilespmem:s23], [sflag:$0x2] =	stream.linear.gather [hbm4b:s14+s4], $0x80, $0x38;
	[tilespmem:$0x17F00] =	vst v63  }
0x3e: {  	_ =	swait.ge [sflag:s31], $0x80  }
0x3f: {  	[sflag:s31] =	ssyncset.done $0x0  }
0x40: {  	[sflag:s31] =	ssyncadd.s32 $0xFFFFFF80  }
0x41: {  	_ =	swait.ge [sflag:s31], $0x80  }
0x42: {  	[sflag:s31] =	ssyncset.done $0x0  }
0x43: {  	[sflag:s31] =	ssyncadd.s32 $0xFFFFFF80  }
0x44: {  	[tilespmem:s28], [sflag:$0x4] =	stream.indirect.gather [hbm4b:s2+s22], $0x80, s24, s22, $0xb8;
	[tilespmem:$0x17F00] =	vst v63  }
0x45: {  	_ =	swait.ge [sflag:s29], $0x4000  }
0x46: {  	[sflag:s29] =	ssyncset.done $0x0  }
0x47: {  	[sflag:s29] =	ssyncadd.s32 $0xFFFFC000  }
0x48: {  	[spmem:s3] =	stream.indirect.scatter.add.f32 [tilespmem:s28], [sflag:$0x5], $0x80, s25, s22, $0xb8;
	[tilespmem:$0x17F00] =	vst v63  }
0x49: {  	_ =	swait.ge [sflag:s20], $0x4000  }
0x4a: {  	[sflag:s20] =	ssyncset.done $0x0  }
0x4b: {  	[sflag:s20] =	ssyncadd.s32 $0xFFFFC000  }
.LBB2_8:
0x4c: {  	_ =	swait.ge [sflag:s26], $0x80  }
0x4d: {  	[sflag:s26] =	ssyncset.done $0x0  }
0x4e: {  	[sflag:s26] =	ssyncadd.s32 $0xFFFFFF80  }
0x4f: {  	_ =	swait.ge [sflag:s26], $0x80  }
0x50: {  	[sflag:s26] =	ssyncset.done $0x0  }
0x51: {  	[sflag:s26] =	ssyncadd.s32 $0xFFFFFF80  }
0x52: {  	[tilespmem:s28], [sflag:$0x4] =	stream.indirect.gather [hbm4b:s2+s22], $0x80, s4, s22, $0xb8;
	[tilespmem:$0x17F00] =	vst v63  }
0x53: {  	_ =	swait.ge [sflag:s29], $0x4000  }
0x54: {  	[sflag:s29] =	ssyncset.done $0x0  }
0x55: {  	[sflag:s29] =	ssyncadd.s32 $0xFFFFC000  }
0x56: {  	[spmem:s3] =	stream.indirect.scatter.add.f32 [tilespmem:s28], [sflag:$0x5], $0x80, s21, s22, $0xb8;
	[tilespmem:$0x17F00] =	vst v63  }
0x57: {  	_ =	swait.ge [sflag:s20], $0x4000  }
0x58: {  	[sflag:s20] =	ssyncset.done $0x0  }
0x59: {  	[sflag:s20] =	ssyncadd.s32 $0xFFFFC000  }
0x5a: {  	_ =	swait.ge [sflag:s30], $0x80  }
0x5b: {  	[sflag:s30] =	ssyncset.done $0x0  }
0x5c: {  	[sflag:s30] =	ssyncadd.s32 $0xFFFFFF80  }
0x5d: {  	_ =	swait.ge [sflag:s30], $0x80  }
0x5e: {  	[sflag:s30] =	ssyncset.done $0x0  }
0x5f: {  	[sflag:s30] =	ssyncadd.s32 $0xFFFFFF80  }
0x60: {  	[tilespmem:s28], [sflag:$0x4] =	stream.indirect.gather [hbm4b:s2+s22], $0x80, s22, s22, $0xb8;
	[tilespmem:$0x17F00] =	vst v63  }
0x61: {  	_ =	swait.ge [sflag:s29], $0x4000  }
0x62: {  	[sflag:s29] =	ssyncset.done $0x0  }
0x63: {  	[sflag:s29] =	ssyncadd.s32 $0xFFFFC000  }
0x64: {  	[spmem:s3] =	stream.indirect.scatter.add.f32 [tilespmem:s28], [sflag:$0x5], $0x80, s23, s22, $0xb8;
	[tilespmem:$0x17F00] =	vst v63  }
0x65: {  	_ =	swait.ge [sflag:s20], $0x4000  }
0x66: {  	s0 =	sadd.s32 $0x1, s0;
	[sflag:s20] =	ssyncset.done $0x0  }
0x67: {  	p1 =	sne.s32 s0, s17;
	[sflag:s20] =	ssyncadd.s32 $0xFFFFC000  }
.Ltmp1:
0x68: {  	[bflag:$0x0] =	sbarrier.arrive $0xFFFF;
	(pc) =	sbr.rel @!p1 .LBB2_9-.Ltmp1, $4  }
0x69: {  	[hbm:s16], [sflag:s7] =	dma.local [spmem:s1], $0x2780  }
0x6a: {  	_ =	swait.ge [sflag:s20], $0x2780  }
0x6b: {  	[sflag:s20] =	ssyncset.done $0x0  }
0x6c: {  	[sflag:s20] =	ssyncadd.s32 $0xFFFFD880  }
.LBB2_1:
0x6d: {  	s1 =	sshrl.u32 s5, $0x3  }
0x6e: {  	[spmem:s1], [sflag:s7] =	dma.local [hbm:s6], $0x2780  }
.Ltmp2:
0x6f: {  	_ =	swait.ge [sflag:s20], $0x2780;
	(pc) =	sbr.rel @!p0 .LBB2_2-.Ltmp2, $4  }
0x70: {  	[sflag:s20] =	ssyncset.done $0x0  }
0x71: {  	[sflag:s20] =	ssyncadd.s32 $0xFFFFD880  }
0x72: {  	[bflag:$0x0] =	sbarrier.arrive $0xFFFF  }
0x73: {  	s10 =	simm.s32 $0x0  }
0x74: {  	s11 =	rddreg [dreg:$0x6]  }
0x75: {  	[tilespmem:s10], [sflag:$0x1] =	stream.linear.gather [hbm4b:s11+s10], $0x80, $0x38;
	[tilespmem:$0x17F00] =	vst v63  }
0x76: {  	s12 =	rddreg [dreg:$0x7]  }
0x77: {  	[tilespmem:s21], [sflag:$0x1] =	stream.linear.gather [hbm4b:s12+s10], $0x80, $0x38;
	[tilespmem:$0x17F00] =	vst v63  }
0x78: {  	s13 =	rddreg [dreg:$0x8]  }
0x79: {  	[tilespmem:s22], [sflag:$0x2] =	stream.linear.gather [hbm4b:s13+s10], $0x80, $0x38;
	[tilespmem:$0x17F00] =	vst v63  }
0x7a: {  	_ = 	snop  }
0x7b: {  	[tilespmem:s23], [sflag:$0x2] =	stream.linear.gather [hbm4b:s15+s10], $0x80, $0x38;
	[tilespmem:$0x17F00] =	vst v63  }
0x7c: {  	s10 =	sadd.s32 $0x0, s19  }
0x7d: {  	s12 =	sadd.s32 $0x0, s18;
	s14 =	sadd.s32 $0x8C20, s10  }
0x7e: {  	[tilespmem:s24], [sflag:$0x3] =	stream.linear.gather [hbm4b:s14+s4], $0x80, $0x38;
	[tilespmem:$0x17F00] =	vst v63  }
0x7f: {  	s13 =	sadd.s32 $0x8C20, s12  }
0x80: {  	[tilespmem:s25], [sflag:$0x3] =	stream.linear.gather [hbm4b:s13+s4], $0x80, $0x38;
	[tilespmem:$0x17F00] =	vst v63  }
0x81: {  	_ =	swait.ge [sflag:s26], $0x80  }
0x82: {  	[sflag:s26] =	ssyncset.done $0x0  }
0x83: {  	[sflag:s26] =	ssyncadd.s32 $0xFFFFFF80  }
0x84: {  	_ =	swait.ge [sflag:s26], $0x80  }
0x85: {  	[sflag:s26] =	ssyncset.done $0x0  }
0x86: {  	[sflag:s26] =	ssyncadd.s32 $0xFFFFFF80  }
0x87: {  	[tilespmem:s28], [sflag:$0x4] =	stream.indirect.gather [hbm4b:s2+s22], $0x80, s4, s22, $0xb8;
	[tilespmem:$0x17F00] =	vst v63  }
0x88: {  	_ =	swait.ge [sflag:s29], $0x4000  }
0x89: {  	[sflag:s29] =	ssyncset.done $0x0  }
0x8a: {  	[sflag:s29] =	ssyncadd.s32 $0xFFFFC000  }
0x8b: {  	[spmem:s3] =	stream.indirect.scatter.add.f32 [tilespmem:s28], [sflag:$0x5], $0x80, s21, s22, $0xb8;
	[tilespmem:$0x17F00] =	vst v63  }
0x8c: {  	_ =	swait.ge [sflag:s20], $0x4000  }
0x8d: {  	[sflag:s20] =	ssyncset.done $0x0  }
0x8e: {  	s14 =	sadd.s32 $0x8C30, s10;
	[sflag:s20] =	ssyncadd.s32 $0xFFFFC000  }
0x8f: {  	[tilespmem:s4], [sflag:$0x1] =	stream.linear.gather [hbm4b:s14+s4], $0x80, $0x38;
	[tilespmem:$0x17F00] =	vst v63  }
0x90: {  	s13 =	sadd.s32 $0x8C30, s12  }
0x91: {  	[tilespmem:s21], [sflag:$0x1] =	stream.linear.gather [hbm4b:s13+s4], $0x80, $0x38;
	[tilespmem:$0x17F00] =	vst v63  }
0x92: {  	_ =	swait.ge [sflag:s30], $0x80  }
0x93: {  	[sflag:s30] =	ssyncset.done $0x0  }
0x94: {  	[sflag:s30] =	ssyncadd.s32 $0xFFFFFF80  }
0x95: {  	_ =	swait.ge [sflag:s30], $0x80  }
0x96: {  	[sflag:s30] =	ssyncset.done $0x0  }
0x97: {  	[sflag:s30] =	ssyncadd.s32 $0xFFFFFF80  }
0x98: {  	[tilespmem:s28], [sflag:$0x4] =	stream.indirect.gather [hbm4b:s2+s22], $0x80, s22, s22, $0xb8;
	[tilespmem:$0x17F00] =	vst v63  }
0x99: {  	_ =	swait.ge [sflag:s29], $0x4000  }
0x9a: {  	[sflag:s29] =	ssyncset.done $0x0  }
0x9b: {  	[sflag:s29] =	ssyncadd.s32 $0xFFFFC000  }
0x9c: {  	[spmem:s3] =	stream.indirect.scatter.add.f32 [tilespmem:s28], [sflag:$0x5], $0x80, s23, s22, $0xb8;
	[tilespmem:$0x17F00] =	vst v63  }
0x9d: {  	_ =	swait.ge [sflag:s20], $0x4000  }
0x9e: {  	[sflag:s20] =	ssyncset.done $0x0  }
0x9f: {  	s10 =	sadd.s32 $0x8C40, s10;
	[sflag:s20] =	ssyncadd.s32 $0xFFFFC000  }
0xa0: {  	[tilespmem:s22], [sflag:$0x2] =	stream.linear.gather [hbm4b:s10+s4], $0x80, $0x38;
	[tilespmem:$0x17F00] =	vst v63  }
0xa1: {  	s14 =	sadd.s32 $0x8C40, s12  }
0xa2: {  	[tilespmem:s23], [sflag:$0x2] =	stream.linear.gather [hbm4b:s14+s4], $0x80, $0x38;
	[tilespmem:$0x17F00] =	vst v63  }
0xa3: {  	_ =	swait.ge [sflag:s31], $0x80  }
0xa4: {  	[sflag:s31] =	ssyncset.done $0x0  }
0xa5: {  	[sflag:s31] =	ssyncadd.s32 $0xFFFFFF80  }
0xa6: {  	_ =	swait.ge [sflag:s31], $0x80  }
0xa7: {  	[sflag:s31] =	ssyncset.done $0x0  }
0xa8: {  	[sflag:s31] =	ssyncadd.s32 $0xFFFFFF80  }
0xa9: {  	[tilespmem:s28], [sflag:$0x4] =	stream.indirect.gather [hbm4b:s2+s22], $0x80, s24, s22, $0xb8;
	[tilespmem:$0x17F00] =	vst v63  }
0xaa: {  	_ =	swait.ge [sflag:s29], $0x4000  }
0xab: {  	[sflag:s29] =	ssyncset.done $0x0  }
0xac: {  	[sflag:s29] =	ssyncadd.s32 $0xFFFFC000  }
0xad: {  	[spmem:s3] =	stream.indirect.scatter.add.f32 [tilespmem:s28], [sflag:$0x5], $0x80, s25, s22, $0xb8;
	[tilespmem:$0x17F00] =	vst v63  }
0xae: {  	s11 =	simm.s32 $0x30;
	_ =	swait.ge [sflag:s20], $0x4000  }
0xaf: {  	s12 =	simm.s32 $0x60;
	s10 =	sadd.s32 $0x30, s19;
	[sflag:s20] =	ssyncset.done $0x0  }
.LBB2_6:
0xb0: {  	s14 =	sadd.s32 $0x8C20, s10  }
0xb1: {  	s13 =	sadd.s32 s11, s18;
	[sflag:s20] =	ssyncadd.s32 $0xFFFFC000;
	s11 =	smov.u32 s12  }
0xb2: {  	[tilespmem:s24], [sflag:$0x3] =	stream.linear.gather [hbm4b:s14+s4], $0x80, $0x38;
	[tilespmem:$0x17F00] =	vst v63  }
0xb3: {  	p1 =	sne.s32 s12, $0xF0;
	s12 =	sadd.s32 $0x30, s12;
	s14 =	sadd.s32 $0x8C20, s13  }
0xb4: {  	[tilespmem:s25], [sflag:$0x3] =	stream.linear.gather [hbm4b:s14+s4], $0x80, $0x38;
	[tilespmem:$0x17F00] =	vst v63  }
0xb5: {  	_ =	swait.ge [sflag:s26], $0x80  }
0xb6: {  	[sflag:s26] =	ssyncset.done $0x0  }
0xb7: {  	[sflag:s26] =	ssyncadd.s32 $0xFFFFFF80  }
0xb8: {  	_ =	swait.ge [sflag:s26], $0x80  }
0xb9: {  	[sflag:s26] =	ssyncset.done $0x0  }
0xba: {  	[sflag:s26] =	ssyncadd.s32 $0xFFFFFF80  }
0xbb: {  	[tilespmem:s28], [sflag:$0x4] =	stream.indirect.gather [hbm4b:s2+s22], $0x80, s4, s22, $0xb8;
	[tilespmem:$0x17F00] =	vst v63  }
0xbc: {  	_ =	swait.ge [sflag:s29], $0x4000  }
0xbd: {  	[sflag:s29] =	ssyncset.done $0x0  }
0xbe: {  	[sflag:s29] =	ssyncadd.s32 $0xFFFFC000  }
0xbf: {  	[spmem:s3] =	stream.indirect.scatter.add.f32 [tilespmem:s28], [sflag:$0x5], $0x80, s21, s22, $0xb8;
	[tilespmem:$0x17F00] =	vst v63  }
0xc0: {  	_ =	swait.ge [sflag:s20], $0x4000  }
0xc1: {  	[sflag:s20] =	ssyncset.done $0x0  }
0xc2: {  	s14 =	sadd.s32 $0x8C30, s10;
	[sflag:s20] =	ssyncadd.s32 $0xFFFFC000  }
0xc3: {  	[tilespmem:s4], [sflag:$0x1] =	stream.linear.gather [hbm4b:s14+s4], $0x80, $0x38;
	[tilespmem:$0x17F00] =	vst v63  }
0xc4: {  	s14 =	sadd.s32 $0x8C30, s13  }
0xc5: {  	[tilespmem:s21], [sflag:$0x1] =	stream.linear.gather [hbm4b:s14+s4], $0x80, $0x38;
	[tilespmem:$0x17F00] =	vst v63  }
0xc6: {  	_ =	swait.ge [sflag:s30], $0x80  }
0xc7: {  	[sflag:s30] =	ssyncset.done $0x0  }
0xc8: {  	[sflag:s30] =	ssyncadd.s32 $0xFFFFFF80  }
0xc9: {  	_ =	swait.ge [sflag:s30], $0x80  }
0xca: {  	[sflag:s30] =	ssyncset.done $0x0  }
0xcb: {  	[sflag:s30] =	ssyncadd.s32 $0xFFFFFF80  }
0xcc: {  	[tilespmem:s28], [sflag:$0x4] =	stream.indirect.gather [hbm4b:s2+s22], $0x80, s22, s22, $0xb8;
	[tilespmem:$0x17F00] =	vst v63  }
0xcd: {  	_ =	swait.ge [sflag:s29], $0x4000  }
0xce: {  	[sflag:s29] =	ssyncset.done $0x0  }
0xcf: {  	[sflag:s29] =	ssyncadd.s32 $0xFFFFC000  }
0xd0: {  	[spmem:s3] =	stream.indirect.scatter.add.f32 [tilespmem:s28], [sflag:$0x5], $0x80, s23, s22, $0xb8;
	[tilespmem:$0x17F00] =	vst v63  }
0xd1: {  	_ =	swait.ge [sflag:s20], $0x4000  }
0xd2: {  	[sflag:s20] =	ssyncset.done $0x0  }
0xd3: {  	s10 =	sadd.s32 $0x8C40, s10;
	[sflag:s20] =	ssyncadd.s32 $0xFFFFC000  }
0xd4: {  	[tilespmem:s22], [sflag:$0x2] =	stream.linear.gather [hbm4b:s10+s4], $0x80, $0x38;
	[tilespmem:$0x17F00] =	vst v63  }
0xd5: {  	s10 =	sadd.s32 $0x8C40, s13  }
0xd6: {  	[tilespmem:s23], [sflag:$0x2] =	stream.linear.gather [hbm4b:s10+s4], $0x80, $0x38;
	[tilespmem:$0x17F00] =	vst v63  }
0xd7: {  	_ =	swait.ge [sflag:s31], $0x80  }
0xd8: {  	[sflag:s31] =	ssyncset.done $0x0  }
0xd9: {  	[sflag:s31] =	ssyncadd.s32 $0xFFFFFF80  }
0xda: {  	_ =	swait.ge [sflag:s31], $0x80  }
0xdb: {  	[sflag:s31] =	ssyncset.done $0x0  }
0xdc: {  	[sflag:s31] =	ssyncadd.s32 $0xFFFFFF80  }
0xdd: {  	[tilespmem:s28], [sflag:$0x4] =	stream.indirect.gather [hbm4b:s2+s22], $0x80, s24, s22, $0xb8;
	[tilespmem:$0x17F00] =	vst v63  }
0xde: {  	_ =	swait.ge [sflag:s29], $0x4000  }
.Ltmp3:
0xdf: {  	[sflag:s29] =	ssyncset.done $0x0;
	(pc) =	sbr.rel @p1 .LBB2_6-.Ltmp3, $4  }
0xe0: {  	[sflag:s29] =	ssyncadd.s32 $0xFFFFC000  }
0xe1: {  	[spmem:s3] =	stream.indirect.scatter.add.f32 [tilespmem:s28], [sflag:$0x5], $0x80, s25, s22, $0xb8;
	[tilespmem:$0x17F00] =	vst v63  }
0xe2: {  	_ =	swait.ge [sflag:s20], $0x4000  }
0xe3: {  	s10 =	sadd.s32 s11, s19;
	[sflag:s20] =	ssyncset.done $0x0  }
.Ltmp4:
0xe4: {  	_ = 	snop;
	(pc) =	sbr.rel .LBB2_7-.Ltmp4, $1  }
0xe5: {  	_ =	sdelay $0x3  }
.LBB2_2:
0xe6: {  	[tilespmem:s10], [sflag:$0x1] =	stream.linear.gather [hbm4b:s8+s10], $0x80, $0x38;
	[tilespmem:$0x17F00] =	vst v63  }
0xe7: {  	_ = 	snop  }
0xe8: {  	[tilespmem:s21], [sflag:$0x1] =	stream.linear.gather [hbm4b:s9+s10], $0x80, $0x38;
	[tilespmem:$0x17F00] =	vst v63  }
0xe9: {  	s11 =	rddreg [dreg:$0x4]  }
0xea: {  	[tilespmem:s22], [sflag:$0x2] =	stream.linear.gather [hbm4b:s11+s10], $0x80, $0x38;
	[tilespmem:$0x17F00] =	vst v63  }
0xeb: {  	s13 =	rddreg [dreg:$0x5]  }
0xec: {  	[tilespmem:s23], [sflag:$0x2] =	stream.linear.gather [hbm4b:s13+s10], $0x80, $0x38;
	[tilespmem:$0x17F00] =	vst v63  }
0xed: {  	s10 =	sadd.s32 $0x0, s8  }
0xee: {  	s12 =	sadd.s32 $0x0, s9;
	s14 =	sadd.s32 $0x20, s10  }
0xef: {  	[tilespmem:s24], [sflag:$0x3] =	stream.linear.gather [hbm4b:s14+s4], $0x80, $0x38;
	[tilespmem:$0x17F00] =	vst v63  }
0xf0: {  	s13 =	sadd.s32 $0x20, s12  }
0xf1: {  	[tilespmem:s25], [sflag:$0x3] =	stream.linear.gather [hbm4b:s13+s4], $0x80, $0x38;
	[tilespmem:$0x17F00] =	vst v63  }
0xf2: {  	_ =	swait.ge [sflag:s26], $0x80  }
0xf3: {  	[sflag:s26] =	ssyncset.done $0x0  }
0xf4: {  	[sflag:s26] =	ssyncadd.s32 $0xFFFFFF80  }
0xf5: {  	_ =	swait.ge [sflag:s26], $0x80  }
0xf6: {  	[sflag:s26] =	ssyncset.done $0x0  }
0xf7: {  	[sflag:s26] =	ssyncadd.s32 $0xFFFFFF80  }
0xf8: {  	[tilespmem:s28], [sflag:$0x4] =	stream.indirect.gather [hbm4b:s2+s22], $0x80, s4, s22, $0xb8;
	[tilespmem:$0x17F00] =	vst v63  }
0xf9: {  	_ =	swait.ge [sflag:s29], $0x4000  }
0xfa: {  	[sflag:s29] =	ssyncset.done $0x0  }
0xfb: {  	[sflag:s29] =	ssyncadd.s32 $0xFFFFC000  }
0xfc: {  	[spmem:s3] =	stream.indirect.scatter.add.f32 [tilespmem:s28], [sflag:$0x5], $0x80, s21, s22, $0xb8;
	[tilespmem:$0x17F00] =	vst v63  }
0xfd: {  	_ =	swait.ge [sflag:s20], $0x4000  }
0xfe: {  	[sflag:s20] =	ssyncset.done $0x0  }
0xff: {  	s14 =	sadd.s32 $0x30, s10;
	[sflag:s20] =	ssyncadd.s32 $0xFFFFC000  }
0x100: {  	[tilespmem:s4], [sflag:$0x1] =	stream.linear.gather [hbm4b:s14+s4], $0x80, $0x38;
	[tilespmem:$0x17F00] =	vst v63  }
0x101: {  	s13 =	sadd.s32 $0x30, s12  }
0x102: {  	[tilespmem:s21], [sflag:$0x1] =	stream.linear.gather [hbm4b:s13+s4], $0x80, $0x38;
	[tilespmem:$0x17F00] =	vst v63  }
0x103: {  	_ =	swait.ge [sflag:s30], $0x80  }
0x104: {  	[sflag:s30] =	ssyncset.done $0x0  }
0x105: {  	[sflag:s30] =	ssyncadd.s32 $0xFFFFFF80  }
0x106: {  	_ =	swait.ge [sflag:s30], $0x80  }
0x107: {  	[sflag:s30] =	ssyncset.done $0x0  }
0x108: {  	[sflag:s30] =	ssyncadd.s32 $0xFFFFFF80  }
0x109: {  	[tilespmem:s28], [sflag:$0x4] =	stream.indirect.gather [hbm4b:s2+s22], $0x80, s22, s22, $0xb8;
	[tilespmem:$0x17F00] =	vst v63  }
0x10a: {  	_ =	swait.ge [sflag:s29], $0x4000  }
0x10b: {  	[sflag:s29] =	ssyncset.done $0x0  }
0x10c: {  	[sflag:s29] =	ssyncadd.s32 $0xFFFFC000  }
0x10d: {  	[spmem:s3] =	stream.indirect.scatter.add.f32 [tilespmem:s28], [sflag:$0x5], $0x80, s23, s22, $0xb8;
	[tilespmem:$0x17F00] =	vst v63  }
0x10e: {  	_ =	swait.ge [sflag:s20], $0x4000  }
0x10f: {  	[sflag:s20] =	ssyncset.done $0x0  }
0x110: {  	s10 =	sadd.s32 $0x40, s10;
	[sflag:s20] =	ssyncadd.s32 $0xFFFFC000  }
0x111: {  	[tilespmem:s22], [sflag:$0x2] =	stream.linear.gather [hbm4b:s10+s4], $0x80, $0x38;
	[tilespmem:$0x17F00] =	vst v63  }
0x112: {  	s14 =	sadd.s32 $0x40, s12  }
0x113: {  	[tilespmem:s23], [sflag:$0x2] =	stream.linear.gather [hbm4b:s14+s4], $0x80, $0x38;
	[tilespmem:$0x17F00] =	vst v63  }
0x114: {  	_ =	swait.ge [sflag:s31], $0x80  }
0x115: {  	[sflag:s31] =	ssyncset.done $0x0  }
0x116: {  	[sflag:s31] =	ssyncadd.s32 $0xFFFFFF80  }
0x117: {  	_ =	swait.ge [sflag:s31], $0x80  }
0x118: {  	[sflag:s31] =	ssyncset.done $0x0  }
0x119: {  	[sflag:s31] =	ssyncadd.s32 $0xFFFFFF80  }
0x11a: {  	[tilespmem:s28], [sflag:$0x4] =	stream.indirect.gather [hbm4b:s2+s22], $0x80, s24, s22, $0xb8;
	[tilespmem:$0x17F00] =	vst v63  }
0x11b: {  	_ =	swait.ge [sflag:s29], $0x4000  }
0x11c: {  	[sflag:s29] =	ssyncset.done $0x0  }
0x11d: {  	[sflag:s29] =	ssyncadd.s32 $0xFFFFC000  }
0x11e: {  	[spmem:s3] =	stream.indirect.scatter.add.f32 [tilespmem:s28], [sflag:$0x5], $0x80, s25, s22, $0xb8;
	[tilespmem:$0x17F00] =	vst v63  }
0x11f: {  	s11 =	simm.s32 $0x30;
	_ =	swait.ge [sflag:s20], $0x4000  }
0x120: {  	s12 =	simm.s32 $0x60;
	s10 =	sadd.s32 $0x30, s8;
	[sflag:s20] =	ssyncset.done $0x0  }
.LBB2_3:
0x121: {  	s14 =	sadd.s32 $0x20, s10  }
0x122: {  	s13 =	sadd.s32 s11, s9;
	[sflag:s20] =	ssyncadd.s32 $0xFFFFC000;
	s11 =	smov.u32 s12  }
0x123: {  	[tilespmem:s24], [sflag:$0x3] =	stream.linear.gather [hbm4b:s14+s4], $0x80, $0x38;
	[tilespmem:$0x17F00] =	vst v63  }
0x124: {  	p1 =	seq.s32 s12, $0x870;
	s12 =	sadd.s32 $0x30, s12;
	s14 =	sadd.s32 $0x20, s13  }
0x125: {  	[tilespmem:s25], [sflag:$0x3] =	stream.linear.gather [hbm4b:s14+s4], $0x80, $0x38;
	[tilespmem:$0x17F00] =	vst v63  }
0x126: {  	_ =	swait.ge [sflag:s26], $0x80  }
0x127: {  	[sflag:s26] =	ssyncset.done $0x0  }
0x128: {  	[sflag:s26] =	ssyncadd.s32 $0xFFFFFF80  }
0x129: {  	_ =	swait.ge [sflag:s26], $0x80  }
0x12a: {  	[sflag:s26] =	ssyncset.done $0x0  }
0x12b: {  	[sflag:s26] =	ssyncadd.s32 $0xFFFFFF80  }
0x12c: {  	[tilespmem:s28], [sflag:$0x4] =	stream.indirect.gather [hbm4b:s2+s22], $0x80, s4, s22, $0xb8;
	[tilespmem:$0x17F00] =	vst v63  }
0x12d: {  	_ =	swait.ge [sflag:s29], $0x4000  }
0x12e: {  	[sflag:s29] =	ssyncset.done $0x0  }
0x12f: {  	[sflag:s29] =	ssyncadd.s32 $0xFFFFC000  }
0x130: {  	[spmem:s3] =	stream.indirect.scatter.add.f32 [tilespmem:s28], [sflag:$0x5], $0x80, s21, s22, $0xb8;
	[tilespmem:$0x17F00] =	vst v63  }
0x131: {  	_ =	swait.ge [sflag:s20], $0x4000  }
0x132: {  	[sflag:s20] =	ssyncset.done $0x0  }
0x133: {  	s14 =	sadd.s32 $0x30, s10;
	[sflag:s20] =	ssyncadd.s32 $0xFFFFC000  }
0x134: {  	[tilespmem:s4], [sflag:$0x1] =	stream.linear.gather [hbm4b:s14+s4], $0x80, $0x38;
	[tilespmem:$0x17F00] =	vst v63  }
0x135: {  	s14 =	sadd.s32 $0x30, s13  }
0x136: {  	[tilespmem:s21], [sflag:$0x1] =	stream.linear.gather [hbm4b:s14+s4], $0x80, $0x38;
	[tilespmem:$0x17F00] =	vst v63  }
0x137: {  	_ =	swait.ge [sflag:s30], $0x80  }
0x138: {  	[sflag:s30] =	ssyncset.done $0x0  }
0x139: {  	[sflag:s30] =	ssyncadd.s32 $0xFFFFFF80  }
0x13a: {  	_ =	swait.ge [sflag:s30], $0x80  }
0x13b: {  	[sflag:s30] =	ssyncset.done $0x0  }
0x13c: {  	[sflag:s30] =	ssyncadd.s32 $0xFFFFFF80  }
0x13d: {  	[tilespmem:s28], [sflag:$0x4] =	stream.indirect.gather [hbm4b:s2+s22], $0x80, s22, s22, $0xb8;
	[tilespmem:$0x17F00] =	vst v63  }
0x13e: {  	_ =	swait.ge [sflag:s29], $0x4000  }
0x13f: {  	[sflag:s29] =	ssyncset.done $0x0  }
0x140: {  	[sflag:s29] =	ssyncadd.s32 $0xFFFFC000  }
0x141: {  	[spmem:s3] =	stream.indirect.scatter.add.f32 [tilespmem:s28], [sflag:$0x5], $0x80, s23, s22, $0xb8;
	[tilespmem:$0x17F00] =	vst v63  }
0x142: {  	_ =	swait.ge [sflag:s20], $0x4000  }
0x143: {  	[sflag:s20] =	ssyncset.done $0x0  }
0x144: {  	s10 =	sadd.s32 $0x40, s10;
	[sflag:s20] =	ssyncadd.s32 $0xFFFFC000  }
0x145: {  	[tilespmem:s22], [sflag:$0x2] =	stream.linear.gather [hbm4b:s10+s4], $0x80, $0x38;
	[tilespmem:$0x17F00] =	vst v63  }
0x146: {  	s10 =	sadd.s32 $0x40, s13  }
0x147: {  	[tilespmem:s23], [sflag:$0x2] =	stream.linear.gather [hbm4b:s10+s4], $0x80, $0x38;
	[tilespmem:$0x17F00] =	vst v63  }
0x148: {  	_ =	swait.ge [sflag:s31], $0x80  }
0x149: {  	[sflag:s31] =	ssyncset.done $0x0  }
0x14a: {  	[sflag:s31] =	ssyncadd.s32 $0xFFFFFF80  }
0x14b: {  	_ =	swait.ge [sflag:s31], $0x80  }
0x14c: {  	[sflag:s31] =	ssyncset.done $0x0  }
0x14d: {  	[sflag:s31] =	ssyncadd.s32 $0xFFFFFF80  }
0x14e: {  	[tilespmem:s28], [sflag:$0x4] =	stream.indirect.gather [hbm4b:s2+s22], $0x80, s24, s22, $0xb8;
	[tilespmem:$0x17F00] =	vst v63  }
0x14f: {  	_ =	swait.ge [sflag:s29], $0x4000  }
.Ltmp5:
0x150: {  	[sflag:s29] =	ssyncset.done $0x0;
	(pc) =	sbr.rel @!p1 .LBB2_3-.Ltmp5, $4  }
0x151: {  	[sflag:s29] =	ssyncadd.s32 $0xFFFFC000  }
0x152: {  	[spmem:s3] =	stream.indirect.scatter.add.f32 [tilespmem:s28], [sflag:$0x5], $0x80, s25, s22, $0xb8;
	[tilespmem:$0x17F00] =	vst v63  }
0x153: {  	_ =	swait.ge [sflag:s20], $0x4000  }
0x154: {  	s10 =	sadd.s32 s11, s8;
	[sflag:s20] =	ssyncset.done $0x0  }
0x155: {  	s12 =	sadd.s32 $0x20, s10;
	s11 =	sadd.s32 s11, s9;
	[sflag:s20] =	ssyncadd.s32 $0xFFFFC000  }
0x156: {  	[tilespmem:s24], [sflag:$0x3] =	stream.linear.gather [hbm4b:s12+s4], $0x80, $0x38;
	[tilespmem:$0x17F00] =	vst v63  }
0x157: {  	s14 =	sadd.s32 $0x20, s11  }
0x158: {  	[tilespmem:s25], [sflag:$0x3] =	stream.linear.gather [hbm4b:s14+s4], $0x80, $0x38;
	[tilespmem:$0x17F00] =	vst v63  }
0x159: {  	_ =	swait.ge [sflag:s26], $0x80  }
0x15a: {  	[sflag:s26] =	ssyncset.done $0x0  }
0x15b: {  	[sflag:s26] =	ssyncadd.s32 $0xFFFFFF80  }
0x15c: {  	_ =	swait.ge [sflag:s26], $0x80  }
0x15d: {  	[sflag:s26] =	ssyncset.done $0x0  }
0x15e: {  	[sflag:s26] =	ssyncadd.s32 $0xFFFFFF80  }
0x15f: {  	[tilespmem:s28], [sflag:$0x4] =	stream.indirect.gather [hbm4b:s2+s22], $0x80, s4, s22, $0xb8;
	[tilespmem:$0x17F00] =	vst v63  }
0x160: {  	_ =	swait.ge [sflag:s29], $0x4000  }
0x161: {  	[sflag:s29] =	ssyncset.done $0x0  }
0x162: {  	[sflag:s29] =	ssyncadd.s32 $0xFFFFC000  }
0x163: {  	[spmem:s3] =	stream.indirect.scatter.add.f32 [tilespmem:s28], [sflag:$0x5], $0x80, s21, s22, $0xb8;
	[tilespmem:$0x17F00] =	vst v63  }
0x164: {  	_ =	swait.ge [sflag:s20], $0x4000  }
0x165: {  	[sflag:s20] =	ssyncset.done $0x0  }
0x166: {  	s13 =	sadd.s32 $0x30, s10;
	[sflag:s20] =	ssyncadd.s32 $0xFFFFC000  }
0x167: {  	[tilespmem:s4], [sflag:$0x1] =	stream.linear.gather [hbm4b:s13+s4], $0x80, $0x38;
	[tilespmem:$0x17F00] =	vst v63  }
0x168: {  	s14 =	sadd.s32 $0x30, s11  }
0x169: {  	[tilespmem:s21], [sflag:$0x1] =	stream.linear.gather [hbm4b:s14+s4], $0x80, $0x38;
	[tilespmem:$0x17F00] =	vst v63  }
0x16a: {  	_ =	swait.ge [sflag:s30], $0x80  }
0x16b: {  	[sflag:s30] =	ssyncset.done $0x0  }
0x16c: {  	[sflag:s30] =	ssyncadd.s32 $0xFFFFFF80  }
0x16d: {  	_ =	swait.ge [sflag:s30], $0x80  }
0x16e: {  	[sflag:s30] =	ssyncset.done $0x0  }
0x16f: {  	[sflag:s30] =	ssyncadd.s32 $0xFFFFFF80  }
0x170: {  	[tilespmem:s28], [sflag:$0x4] =	stream.indirect.gather [hbm4b:s2+s22], $0x80, s22, s22, $0xb8;
	[tilespmem:$0x17F00] =	vst v63  }
0x171: {  	_ =	swait.ge [sflag:s29], $0x4000  }
0x172: {  	[sflag:s29] =	ssyncset.done $0x0  }
0x173: {  	[sflag:s29] =	ssyncadd.s32 $0xFFFFC000  }
0x174: {  	[spmem:s3] =	stream.indirect.scatter.add.f32 [tilespmem:s28], [sflag:$0x5], $0x80, s23, s22, $0xb8;
	[tilespmem:$0x17F00] =	vst v63  }
0x175: {  	_ =	swait.ge [sflag:s20], $0x4000  }
0x176: {  	[sflag:s20] =	ssyncset.done $0x0  }
0x177: {  	s13 =	sadd.s32 $0x40, s10;
	[sflag:s20] =	ssyncadd.s32 $0xFFFFC000  }
0x178: {  	[tilespmem:s22], [sflag:$0x2] =	stream.linear.gather [hbm4b:s13+s4], $0x80, $0x38;
	[tilespmem:$0x17F00] =	vst v63  }
0x179: {  	s14 =	sadd.s32 $0x40, s11  }
0x17a: {  	[tilespmem:s23], [sflag:$0x2] =	stream.linear.gather [hbm4b:s14+s4], $0x80, $0x38;
	[tilespmem:$0x17F00] =	vst v63  }
0x17b: {  	_ =	swait.ge [sflag:s31], $0x80  }
0x17c: {  	[sflag:s31] =	ssyncset.done $0x0  }
0x17d: {  	[sflag:s31] =	ssyncadd.s32 $0xFFFFFF80  }
0x17e: {  	_ =	swait.ge [sflag:s31], $0x80  }
0x17f: {  	[sflag:s31] =	ssyncset.done $0x0  }
0x180: {  	[sflag:s31] =	ssyncadd.s32 $0xFFFFFF80  }
0x181: {  	[tilespmem:s28], [sflag:$0x4] =	stream.indirect.gather [hbm4b:s2+s22], $0x80, s24, s22, $0xb8;
	[tilespmem:$0x17F00] =	vst v63  }
0x182: {  	_ =	swait.ge [sflag:s29], $0x4000  }
0x183: {  	[sflag:s29] =	ssyncset.done $0x0  }
.Ltmp6:
0x184: {  	[sflag:s29] =	ssyncadd.s32 $0xFFFFC000;
	(pc) =	sbr.rel .LBB2_8-.Ltmp6, $4  }
0x185: {  	[spmem:s3] =	stream.indirect.scatter.add.f32 [tilespmem:s28], [sflag:$0x5], $0x80, s25, s22, $0xb8;
	[tilespmem:$0x17F00] =	vst v63  }
0x186: {  	_ =	swait.ge [sflag:s20], $0x4000  }
0x187: {  	[sflag:s20] =	ssyncset.done $0x0  }
0x188: {  	[sflag:s20] =	ssyncadd.s32 $0xFFFFC000  }
.LBB2_9:
0x189: {  	_ =	sfence.sel $0x180000  }
0x18a: {  	[bflag:$0x0] =	sbarrier.arrive $0xFFFF  }
0x18b: {  	_ =	strace $0x9000004D  }
0x18c: {  	s0 =	stileid.u32;
	[bflag:$0x2] =	sbarrier.arrive $0xFFFF  }
0x18d: {  	p0 =	sne.s32 s0, $0x0;
	s0 =	rddreg [dreg:$0x3]  }
0x18e: {  	s0 =	sadd.s32 @!p0 $0x100000, s0  }
0x18f: {  	[sflag:s0] =	ssyncadd.tile.s32 @!p0 $0x1;
	_ =	shalt  }
.Lfunc_end2:
_tile_overlayer_lowered:
.L_overlay_start_2:
0x190: {  	(tag) =	ssettag $0x2  }
0x191: {  	s0 =	rddreg [dreg:$0x0];
	s2 =	stileid.u32  }
0x192: {  	s1 =	rddreg [dreg:$0x1];
	p0 =	sne.s32 s2, $0x0  }
0x193: {  	s3 =	rddreg [dreg:$0x2];
	[bflag:$0x3] =	sbarrier.arrive $0xFFFF;
	s2 =	simm.s32 @!p0 $0x1C05  }
0x194: {  	[timem:s3], [sflag:s2] =	dma.local @!p0 [hbm:s0], s1  }
0x195: {  	s0 =	simm.s32 @!p0 $0x5  }
0x196: {  	_ =	swait.ge @!p0 [sflag:s0], s1  }
0x197: {  	s1 =	ssub.s32 @!p0 $0x0, s1;
	[sflag:s0] =	ssyncset.done @!p0 $0x0  }
0x198: {  	[sflag:s0] =	ssyncadd.s32 @!p0 s1  }
0x199: {  	[bflag:$0x3] =	sbarrier.arrive $0xFFFF  }
0x19a: {  	_ =	shalt  }

// kernel: kernel.8.cloned.1.call-start
scs
__scs_entry_jumppad:
0x0: {  	(pc) =	sbr.rel $0x88, $3  }
0x1: {  	(tag) =	ssettag $0x0;
	lr =	simm.s32 $0x1  }
0x2: {  	[smem:$0x3F91] =	sst lr;
	_ =	strace $0xD0000000  }
0x3: {  	_ = 	snop  }
0x4: {  	_ = 	snop  }
0x5: {  	_ = 	snop  }
0x6: {  	_ = 	snop  }
0x7: {  	_ = 	snop  }
__scs_overlays_trampoline_lowered:
0x8: {  	[smem:$0x3FA0] =	sst s0  }
0x9: {  	[smem:$0x3FA1] =	sst s1  }
0xa: {  	[smem:$0x3FA2] =	sst s2  }
0xb: {  	[smem:$0x3FA3] =	sst s3  }
0xc: {  	[smem:$0x3FA4] =	sst s4  }
0xd: {  	[smem:$0x3FA5] =	sst s5  }
0xe: {  	[smem:$0x3FA6] =	sst s6  }
0xf: {  	[smem:$0x3FA7] =	sst s7  }
0x10: {  	[smem:$0x3FA8] =	sst s8  }
0x11: {  	[smem:$0x3FA9] =	sst s9;
	s0 =	simm.s32 @!p0 $0x0  }
0x12: {  	s1 =	sld [smem:$0x3F8F];
	s0 =	simm.s32 @p0 $0x1  }
0x13: {  	[smem:$0x3FAA] =	sst s0;
	s0 =	simm.s32 @!p1 $0x0  }
0x14: {  	s2 =	sld [smem:$0x3F8E];
	s0 =	simm.s32 @p1 $0x1  }
0x15: {  	[smem:$0x3FAB] =	sst s0;
	s0 =	simm.s32 @!p2 $0x0  }
0x16: {  	s3 =	sld [smem:$0x3FDB];
	s0 =	simm.s32 @p2 $0x1  }
0x17: {  	s4 =	simm.s32 $0x1BF5;
	[smem:$0x3FAD] =	sst s0  }
0x18: {  	s0 =	sld [smem:$0x3F90];
	_ =	swait.ge [sflag:s4], $0x0  }
0x19: {  	s7 =	sld [smem:$0x3F91]  }
0x1a: {  	s8 =	sadd.s32 $0xFFFFE003, lr  }
0x1b: {  	s9 =	sadd.s32 $0xFFFFFEF7, lr;
	s5 =	simm.s32 $0xFFFFFFFF;
	p2 =	slt.u32 s8, $0xFFFFF086  }
0x1c: {  	p1 =	slt.u32 s9, $0xF7A;
	s5 =	simm.s32 @!p2 $0x0  }
0x1d: {  	s5 =	simm.s32 @p1 $0x1;
	p0 =	seq.s32 s7, s2  }
0x1e: {  	s7 =	smul.u32 @!p0 $0xF7A, s2;
	p2 =	seq.s32 @!p0 s5, $0x0  }
0x1f: {  	s9 =	smul.u32 $0xF7A, s1;
	s8 =	simm.s32 @!p0 $0x1BF5;
	p2 =	por !p2, p0  }
0x20: {  	[sflag:s8] =	ssyncset.s32 @!p0 $0xFFFFF086;
	s6 =	sadd.s32 @!p0 s3, s7;
	s7 =	simm.s32 @!p0 $0x108  }
0x21: {  	s3 =	sadd.s32 s3, s9;
	s6 =	sadd.s32 @!p0 $0x88, s6;
	s7 =	simm.s32 @p2 $0x1082  }
0x22: {  	[simem:s7], [sflag:s8] =	dma.local @!p0 [hbm:s6], $0xF7A  }
0x23: {  	s9 =	sor.u32 $0xD0000000, s2;
	s6 =	simm.s32 $0x108;
	_ =	swait.ge @!p0 [sflag:s8], $0x0  }
0x24: {  	s3 =	sadd.s32 $0x88, s3;
	s6 =	simm.s32 @!p1 $0x1082;
	[sflag:s4] =	ssyncset.s32 $0xFFFFF086  }
0x25: {  	[simem:s6], [sflag:s4] =	dma.local [hbm:s3], $0xF7A  }
0x26: {  	[smem:$0x3F91] =	sst s1;
	(tag) =	ssettag s2;
	_ =	strace s9  }
0x27: {  	s1 =	sld [smem:$0x3FA1]  }
0x28: {  	s2 =	sld [smem:$0x3FA2]  }
0x29: {  	s4 =	sld [smem:$0x3FA4]  }
0x2a: {  	p0 =	seq.s32 s5, $0x0;
	s5 =	sld [smem:$0x3FA5]  }
0x2b: {  	s6 =	sld [smem:$0x3FA6]  }
0x2c: {  	s7 =	sld [smem:$0x3FA7]  }
0x2d: {  	s3 =	simm.s32 $0x108;
	s8 =	sld [smem:$0x3FA8]  }
0x2e: {  	s3 =	simm.s32 @!p0 $0x1082;
	s9 =	sld [smem:$0x3FA9]  }
0x2f: {  	lr =	sadd.s32 s0, s3;
	s0 =	sld [smem:$0x3FA0]  }
0x30: {  	s3 =	sld [smem:$0x3FA3]  }
0x31: {  	[smem:$0x3FAC] =	sst s10  }
0x32: {  	s10 =	sld [smem:$0x3FAA];
	_ =	sdelay $0x3  }
0x33: {  	p0 =	seq.s32 s10, $0x1;
	s10 =	sld [smem:$0x3FAC];
	_ =	sdelay $0x3  }
0x34: {  	[smem:$0x3FAC] =	sst s10  }
0x35: {  	s10 =	sld [smem:$0x3FAB];
	_ =	sdelay $0x3  }
0x36: {  	p1 =	seq.s32 s10, $0x1;
	s10 =	sld [smem:$0x3FAC];
	_ =	sdelay $0x3  }
0x37: {  	[smem:$0x3FAC] =	sst s10  }
0x38: {  	s10 =	sld [smem:$0x3FAD]  }
0x39: {  	_ = 	snop;
	(pc) =	sbr.ind lr, $3  }
0x3a: {  	_ = 	snop  }
0x3b: {  	_ = 	snop  }
0x3c: {  	p2 =	seq.s32 s10, $0x1;
	s10 =	sld [smem:$0x3FAC]  }
0x3d: {  	_ =	shalt  }
0x3e: {  	_ =	shalt  }
0x3f: {  	_ =	shalt  }
0x40: {  	_ =	shalt  }
0x41: {  	_ =	shalt  }
0x42: {  	_ =	shalt  }
0x43: {  	_ =	shalt  }
0x44: {  	_ =	shalt  }
0x45: {  	_ =	shalt  }
0x46: {  	_ =	shalt  }
0x47: {  	_ =	shalt  }
0x48: {  	_ =	shalt  }
0x49: {  	_ =	shalt  }
0x4a: {  	_ =	shalt  }
0x4b: {  	_ =	shalt  }
0x4c: {  	_ =	shalt  }
0x4d: {  	_ =	shalt  }
0x4e: {  	_ =	shalt  }
0x4f: {  	_ =	shalt  }
0x50: {  	_ =	shalt  }
0x51: {  	_ =	shalt  }
0x52: {  	_ =	shalt  }
0x53: {  	_ =	shalt  }
0x54: {  	_ =	shalt  }
0x55: {  	_ =	shalt  }
0x56: {  	_ =	shalt  }
0x57: {  	_ =	shalt  }
0x58: {  	_ =	shalt  }
0x59: {  	_ =	shalt  }
0x5a: {  	_ =	shalt  }
0x5b: {  	_ =	shalt  }
0x5c: {  	_ =	shalt  }
0x5d: {  	_ =	shalt  }
0x5e: {  	_ =	shalt  }
0x5f: {  	_ =	shalt  }
0x60: {  	_ =	shalt  }
0x61: {  	_ =	shalt  }
0x62: {  	_ =	shalt  }
0x63: {  	_ =	shalt  }
0x64: {  	_ =	shalt  }
0x65: {  	_ =	shalt  }
0x66: {  	_ =	shalt  }
0x67: {  	_ =	shalt  }
0x68: {  	_ =	shalt  }
0x69: {  	_ =	shalt  }
0x6a: {  	_ =	shalt  }
0x6b: {  	_ =	shalt  }
0x6c: {  	_ =	shalt  }
0x6d: {  	_ =	shalt  }
0x6e: {  	_ =	shalt  }
0x6f: {  	_ =	shalt  }
0x70: {  	_ =	shalt  }
0x71: {  	_ =	shalt  }
0x72: {  	_ =	shalt  }
0x73: {  	_ =	shalt  }
0x74: {  	_ =	shalt  }
0x75: {  	_ =	shalt  }
0x76: {  	_ =	shalt  }
0x77: {  	_ =	shalt  }
0x78: {  	_ =	shalt  }
0x79: {  	_ =	shalt  }
0x7a: {  	_ =	shalt  }
0x7b: {  	_ =	shalt  }
0x7c: {  	_ =	shalt  }
0x7d: {  	_ =	shalt  }
0x7e: {  	_ =	shalt  }
0x7f: {  	_ =	shalt  }
0x80: {  	_ =	shalt  }
0x81: {  	_ =	shalt  }
0x82: {  	_ =	shalt  }
0x83: {  	_ =	shalt  }
0x84: {  	_ =	shalt  }
0x85: {  	_ =	shalt  }
0x86: {  	_ =	shalt  }
0x87: {  	_ =	shalt  }
.Lfunc_end0:
.L_simem_size_0:
called_computation_lowered:
.L_overlay_start_0:
0x88: {  	s2 =	sld [smem:$0x3FD9]  }
0x89: {  	s3 =	sld [smem:$0x3FFE];
	_ =	sdelay $0x1  }
0x8a: {  	s1 =	srdreg.scid  }
0x8b: {  	s0 =	sand.u32 $0x1, s1  }
0x8c: {  	s16 =	sshll.u32 s0, $0xA;
	s2 =	sadd.s32 s3, s2  }
0x8d: {  	s2 =	sadd.s32 s2, s16  }
0x8e: {  	[smem:$0x3FB8] =	sst s2  }
0x8f: {  	_ = 	snop  }
0x90: {  	(tm) =	ssettm $0x1  }
0x91: {  	s17 =	sld [smem:$0x3FFB];
	_ =	sdelay $0x3  }
0x92: {  	_ =	strace s17  }
0x93: {  	s2 =	sld [smem:$0x3FFC];
	_ =	sdelay $0x3  }
0x94: {  	_ =	strace s2  }
0x95: {  	s2 =	sld [smem:$0x3FFD];
	_ =	sdelay $0x3  }
0x96: {  	_ =	strace s2  }
0x97: {  	_ =	strace $0x8FFFFFFF  }
0x98: {  	s18 =	sld [smem:$0x3FDB];
	_ =	sdelay $0x1  }
0x99: {  	s19 =	simm.s32 $_scs_section_size  }
0x9a: {  	s4 =	simm.s32 $_size__tile_overlayer_lowered;
	s5 =	simm.s32 $_tile_overlayer_lowered  }
0x9b: {  	s22 =	simm.s32 $0x1BFF;
	s21 =	sshll.u32 s5, $0x1;
	s2 =	sadd.s32 s19, s18  }
0x9c: {  	s6 =	simm.s32 $0x0;
	s20 =	sshll.u32 s4, $0x1;
	s4 =	sadd.s32 s21, s2  }
0x9d: {  	[timem:s6], [sflag:s22] =	dma.local [hbm:s4], s20  }
0x9e: {  	_ =	swait.ge [sflag:s22], s20  }
0x9f: {  	s3 =	ssub.s32 $0x0, s20;
	[sflag:s22] =	ssyncset.done $0x0  }
0xa0: {  	[sflag:s22] =	ssyncadd.s32 s3;
	_ =	sdelay $0x1  }
0xa1: {  	s23 =	simm.s32 $0x1B8B  }
0xa2: {  	_ =	swait.ge [sflag:s23], $0x1  }
0xa3: {  	[sflag:s23] =	ssyncset.done $0x0  }
0xa4: {  	s25 =	simm.s32 $0x1B8E;
	s24 =	sld [smem:$0x3FFE];
	[sflag:s23] =	ssyncadd.s32 $0xFFFFFFFF  }
0xa5: {  	s26 =	simm.s32 $execute0_lowered;
	[smem:$0x3FD2] =	sst s25  }
0xa6: {  	s4 =	sshll.u32 s26, $0x1;
	_ =	strace $0x80000046;
	[dreg:$0x1] =	wrdreg $0xFFFFFFFF  }
0xa7: {  	s28 =	simm.s32 $_size_execute0_lowered;
	s2 =	sadd.s32 s2, s4;
	[dreg:$0x0] =	wrdreg $0x0  }
0xa8: {  	s4 =	sshll.u32 s28, $0x1;
	[dreg:$0x2] =	wrdreg s2  }
0xa9: {  	[dreg:$0x3] =	wrdreg s4  }
0xaa: {  	[dreg:$0x4] =	wrdreg $0xC0  }
0xab: {  	_ =	task [dreg:s6], $0x5FFFF  }
0xac: {  	[dreg:$0x1] =	wrdreg $0xFFFFFFFF  }
0xad: {  	[dreg:$0x0] =	wrdreg $0x60  }
0xae: {  	[dreg:$0x2] =	wrdreg s24  }
0xaf: {  	[dreg:$0x3] =	wrdreg $0x30000  }
0xb0: {  	[dreg:$0x4] =	wrdreg $0x9  }
0xb1: {  	_ =	task.clear_ibuf [dreg:s6], $0x5FFFF;
	_ =	strace $0x90000046  }
0xb2: {  	s29 =	simm.s32 $0x9;
	_ =	strace $0x80000048  }
0xb3: {  	_ =	swait.ge [sflag:s29], $0x1  }
0xb4: {  	[sflag:s29] =	ssyncadd.s32 $0xFFFFFFFF  }
0xb5: {  	_ =	strace $0x90000048  }
0xb6: {  	_ =	sfence  }
0xb7: {  	s30 =	sld [smem:$0x0];
	_ =	sdelay $0x2  }
0xb8: {  	s31 =	sshll.u32 s1, $0xD;
	s1 =	sshrl.u32 s1, $0x2  }
0xb9: {  	s3 =	sand.u32 $0x4000, s31;
	s1 =	sadd.s32 s1, s30  }
0xba: {  	s0 =	sor.u32 s3, s0;
	s1 =	sshll.u32 s1, $0x11  }
0xbb: {  	s0 =	sor.u32 s1, s0  }
0xbc: {  	s0 =	sadd.s32 $0x8F2B, s0  }
0xbd: {  	[sflag:s0] =	ssyncadd.remote.s32 $0x1  }
0xbe: {  	_ =	sfence.sel $0xFFFF  }
0xbf: {  	[dreg:$0x0] =	wrdreg $0xFFFFFFFF;
	(pc) =	sbr.abs _section_cstart, $3  }
0xc0: {  	[dreg:$0x1] =	wrdreg $0xFFFFFFFF  }
0xc1: {  	_ =	task.clear_ibuf [dreg:s6], $0x2FFFF;
	_ =	strace $0x9FFFFFFF  }
0xc2: {  	(tm) =	ssettm $0x7FFFFFFF  }
0xc3: {  	_ =	shalt  }
tec
execute0_lowered:
.L_overlay_start_1:
0x0: {  	(tag) =	ssettag $0x1  }
0x1: {  	s1 =	srdreg.scid;
	s5 =	rddreg [dreg:$0x0]  }
0x2: {  	s0 =	stileid.u32;
	s2 =	rddreg [dreg:$0x1]  }
0x3: {  	s3 =	simm.s32 $0x0;
	s13 =	simm.s32 $0x80;
	s14 =	simm.s32 $0x1  }
0x4: {  	s15 =	simm.s32 $0x0;
	s4 =	sand.u32 $0x1, s1;
	s30 =	sshll.u32 s0, $0x1  }
0x5: {  	s7 =	smul.u32 $0x2780, s0;
	[smem:$0x7FF] =	sst s3;
	s31 =	sshll.u32 s0, $0x6  }
0x6: {  	s1 =	sor.u32 s4, s30;
	s8 =	smul.u32 $0x27800, s4;
	s10 =	ssub.s32 $0x2, s4  }
0x7: {  	s4 =	sadd.s32 $0x13400, s5;
	s6 =	smul.u32 $0x500, s1;
	s1 =	rddreg [dreg:$0x2]  }
0x8: {  	_ =	strace $0x80000047;
	s9 =	sshrl.u32 s7, $0x3;
	s11 =	sshrl.u32 s10, $0x1  }
0x9: {  	s12 =	sadd.s32 s7, s2;
	s9 =	sadd.s32 s9, s5;
	s8 =	sadd.s32 s7, s8  }
0xa: {  	s10 =	ssub.s32 s10, s11;
	s11 =	sor.u32 $0x1C02, s31;
	s8 =	sshrl.u32 s8, $0x3  }
0xb: {  	s12 =	sshrl.u32 s12, $0x3;
	s6 =	sadd.s32 s6, s5;
	s8 =	sadd.s32 s8, s5  }
0xc: {  	s5 =	sadd.s32 $0x4400, s6;
	s6 =	sadd.s32 $0xE400, s9;
	s9 =	simm.s32 $0x2  }
0xd: {  	s7 =	sadd.s32 $0x13600, s8;
	s8 =	smax.u32 s10, $0x1;
	s10 =	simm.s32 $0x2800  }
.LBB2_1:
0xe: {  	[tilespmem:s3], [sflag:$0x2] =	stream.linear.gather [hbm4b:s5+s3], $0x2800, $0x38;
	[tilespmem:$0x5780] =	vst v63  }
0xf: {  	_ =	swait.ge [sflag:s9], $0x2800  }
0x10: {  	[sflag:s9] =	ssyncset.done $0x0  }
0x11: {  	[sflag:s9] =	ssyncadd.s32 $0xFFFFD800  }
0x12: {  	[tilespmem:s10], [sflag:$0x2] =	stream.linear.gather [hbm4b:s4+s3], $0x800, $0x38;
	[tilespmem:$0x5780] =	vst v63  }
0x13: {  	_ =	swait.ge [sflag:s9], $0x800  }
0x14: {  	[sflag:s9] =	ssyncset.done $0x0  }
0x15: {  	[sflag:s9] =	ssyncadd.s32 $0xFFFFF800  }
0x16: {  	[spmem:s12], [sflag:s11] =	dma.local [hbm:s6], $0x4F0  }
0x17: {  	_ =	swait.ge [sflag:s9], $0x4F0  }
0x18: {  	[sflag:s9] =	ssyncset.done $0x0  }
0x19: {  	[sflag:s9] =	ssyncadd.s32 $0xFFFFFB10  }
0x1a: {  	s16 =	simm.s32 $0x0;
	[bflag:$0x0] =	sbarrier.arrive $0xFFFF  }
0x1b: {  	[spmem:s2] =	stream.indirect.scatter.add.f32 [tilespmem:s10], [sflag:$0x1], $0x10, s16, s13, $0xb8;
	[tilespmem:$0x5780] =	vst v63  }
0x1c: {  	s29 =	simm.s32 $0x80  }
0x1d: {  	[spmem:s2] =	stream.indirect.scatter.add.f32 [tilespmem:s10], [sflag:$0x1], $0x10, s29, s13, $0xb8;
	[tilespmem:$0x5780] =	vst v63  }
0x1e: {  	s30 =	simm.s32 $0x100  }
0x1f: {  	[spmem:s2] =	stream.indirect.scatter.add.f32 [tilespmem:s10], [sflag:$0x1], $0x10, s30, s13, $0xb8;
	[tilespmem:$0x5780] =	vst v63  }
0x20: {  	s31 =	simm.s32 $0x180  }
0x21: {  	[spmem:s2] =	stream.indirect.scatter.add.f32 [tilespmem:s10], [sflag:$0x1], $0x10, s31, s13, $0xb8;
	[tilespmem:$0x5780] =	vst v63  }
0x22: {  	_ =	swait.ge [sflag:s14], $0x800  }
0x23: {  	[sflag:s14] =	ssyncset.done $0x0  }
0x24: {  	[sflag:s14] =	ssyncadd.s32 $0xFFFFF800  }
0x25: {  	_ =	swait.ge [sflag:s14], $0x800  }
0x26: {  	[sflag:s14] =	ssyncset.done $0x0  }
0x27: {  	[sflag:s14] =	ssyncadd.s32 $0xFFFFF800  }
0x28: {  	_ =	swait.ge [sflag:s14], $0x800  }
0x29: {  	[sflag:s14] =	ssyncset.done $0x0  }
0x2a: {  	[sflag:s14] =	ssyncadd.s32 $0xFFFFF800  }
0x2b: {  	_ =	swait.ge [sflag:s14], $0x800  }
0x2c: {  	s17 =	simm.s32 $0x1000;
	s16 =	simm.s32 $0x800;
	[sflag:s14] =	ssyncset.done $0x0  }
.LBB2_2:
0x2d: {  	s18 =	sshra.s32 s16, $0x2  }
0x2e: {  	[sflag:s14] =	ssyncadd.s32 $0xFFFFF800;
	s16 =	smov.u32 s17;
	s19 =	sadd.s32 $0x800, s17  }
0x2f: {  	[spmem:s2] =	stream.indirect.scatter.add.f32 [tilespmem:s10], [sflag:$0x1], $0x10, s18, s13, $0xb8;
	[tilespmem:$0x5780] =	vst v63  }
0x30: {  	p0 =	sne.s32 s17, $0x9800;
	s17 =	sadd.s32 $0x80, s18  }
0x31: {  	[spmem:s2] =	stream.indirect.scatter.add.f32 [tilespmem:s10], [sflag:$0x1], $0x10, s17, s13, $0xb8;
	[tilespmem:$0x5780] =	vst v63  }
0x32: {  	s17 =	sadd.s32 $0x100, s18  }
0x33: {  	[spmem:s2] =	stream.indirect.scatter.add.f32 [tilespmem:s10], [sflag:$0x1], $0x10, s17, s13, $0xb8;
	[tilespmem:$0x5780] =	vst v63  }
0x34: {  	s17 =	sadd.s32 $0x180, s18  }
0x35: {  	[spmem:s2] =	stream.indirect.scatter.add.f32 [tilespmem:s10], [sflag:$0x1], $0x10, s17, s13, $0xb8;
	[tilespmem:$0x5780] =	vst v63  }
0x36: {  	_ =	swait.ge [sflag:s14], $0x800  }
0x37: {  	[sflag:s14] =	ssyncset.done $0x0  }
0x38: {  	[sflag:s14] =	ssyncadd.s32 $0xFFFFF800  }
0x39: {  	_ =	swait.ge [sflag:s14], $0x800  }
0x3a: {  	[sflag:s14] =	ssyncset.done $0x0  }
0x3b: {  	[sflag:s14] =	ssyncadd.s32 $0xFFFFF800  }
.Ltmp0:
0x3c: {  	_ =	swait.ge [sflag:s14], $0x800;
	(pc) =	sbr.rel @p0 .LBB2_2-.Ltmp0, $4  }
0x3d: {  	[sflag:s14] =	ssyncset.done $0x0  }
0x3e: {  	[sflag:s14] =	ssyncadd.s32 $0xFFFFF800  }
0x3f: {  	_ =	swait.ge [sflag:s14], $0x800  }
0x40: {  	s17 =	smov.u32 s19;
	[sflag:s14] =	ssyncset.done $0x0  }
0x41: {  	s16 =	sshra.s32 s16, $0x2;
	[sflag:s14] =	ssyncadd.s32 $0xFFFFF800  }
0x42: {  	[spmem:s2] =	stream.indirect.scatter.add.f32 [tilespmem:s10], [sflag:$0x1], $0x10, s16, s13, $0xb8;
	[tilespmem:$0x5780] =	vst v63  }
0x43: {  	s17 =	sadd.s32 $0x80, s16  }
0x44: {  	[spmem:s2] =	stream.indirect.scatter.add.f32 [tilespmem:s10], [sflag:$0x1], $0x10, s17, s13, $0xb8;
	[tilespmem:$0x5780] =	vst v63  }
0x45: {  	s31 =	sadd.s32 $0x100, s16  }
0x46: {  	[spmem:s2] =	stream.indirect.scatter.add.f32 [tilespmem:s10], [sflag:$0x1], $0x10, s31, s13, $0xb8;
	[tilespmem:$0x5780] =	vst v63  }
0x47: {  	s16 =	sadd.s32 $0x180, s16  }
0x48: {  	[spmem:s2] =	stream.indirect.scatter.add.f32 [tilespmem:s10], [sflag:$0x1], $0x10, s16, s13, $0xb8;
	[tilespmem:$0x5780] =	vst v63  }
0x49: {  	_ =	swait.ge [sflag:s14], $0x800  }
0x4a: {  	[sflag:s14] =	ssyncset.done $0x0  }
0x4b: {  	[sflag:s14] =	ssyncadd.s32 $0xFFFFF800  }
0x4c: {  	_ =	swait.ge [sflag:s14], $0x800  }
0x4d: {  	[sflag:s14] =	ssyncset.done $0x0  }
0x4e: {  	[sflag:s14] =	ssyncadd.s32 $0xFFFFF800  }
0x4f: {  	_ =	swait.ge [sflag:s14], $0x800  }
0x50: {  	[sflag:s14] =	ssyncset.done $0x0  }
0x51: {  	[sflag:s14] =	ssyncadd.s32 $0xFFFFF800  }
0x52: {  	_ =	swait.ge [sflag:s14], $0x800  }
0x53: {  	s15 =	sadd.s32 $0x1, s15;
	[sflag:s14] =	ssyncset.done $0x0  }
0x54: {  	p0 =	sne.s32 s15, s8;
	[sflag:s14] =	ssyncadd.s32 $0xFFFFF800  }
.Ltmp1:
0x55: {  	[bflag:$0x0] =	sbarrier.arrive $0xFFFF;
	(pc) =	sbr.rel @p0 .LBB2_1-.Ltmp1, $4  }
0x56: {  	[hbm:s7], [sflag:s11] =	dma.local [spmem:s12], $0x4F0  }
0x57: {  	_ =	swait.ge [sflag:s9], $0x4F0  }
0x58: {  	[sflag:s9] =	ssyncset.done $0x0  }
0x59: {  	[sflag:s9] =	ssyncadd.s32 $0xFFFFFB10  }
0x5a: {  	_ =	sfence.sel $0x180000  }
0x5b: {  	[bflag:$0x0] =	sbarrier.arrive $0xFFFF  }
0x5c: {  	p0 =	sne.s32 s0, $0x0;
	_ =	strace $0x90000047  }
0x5d: {  	s0 =	sadd.s32 @!p0 $0x100000, s1;
	[bflag:$0x2] =	sbarrier.arrive $0xFFFF  }
0x5e: {  	[sflag:s0] =	ssyncadd.tile.s32 @!p0 $0x1;
	_ =	shalt  }
.Lfunc_end2:
_tile_overlayer_lowered:
.L_overlay_start_2:
0x5f: {  	(tag) =	ssettag $0x2  }
0x60: {  	s0 =	rddreg [dreg:$0x0];
	s2 =	stileid.u32  }
0x61: {  	s1 =	rddreg [dreg:$0x1];
	p0 =	sne.s32 s2, $0x0  }
0x62: {  	s3 =	rddreg [dreg:$0x2];
	[bflag:$0x3] =	sbarrier.arrive $0xFFFF;
	s2 =	simm.s32 @!p0 $0x1C02  }
0x63: {  	[timem:s3], [sflag:s2] =	dma.local @!p0 [hbm:s0], s1  }
0x64: {  	s0 =	simm.s32 @!p0 $0x2  }
0x65: {  	_ =	swait.ge @!p0 [sflag:s0], s1  }
0x66: {  	s1 =	ssub.s32 @!p0 $0x0, s1;
	[sflag:s0] =	ssyncset.done @!p0 $0x0  }
0x67: {  	[sflag:s0] =	ssyncadd.s32 @!p0 s1  }
0x68: {  	[bflag:$0x3] =	sbarrier.arrive $0xFFFF  }
0x69: {  	_ =	shalt  }

</sc_bundles>
